<compile_context>
chip_gen: v7x
topology: tpu7x:2x2x1
jax: 0.10.2.dev20260603
libtpu: 0.0.44.dev20260713+nightly
codegen_flags: <defaults>
</compile_context>

<pallas_src>
import functools

import jax
import jax.numpy as jnp
from jax import lax
from jax.experimental import pallas as pl
from jax.experimental.pallas import tpu as pltpu
from jax.experimental.pallas import tpu_sc as plsc

_NC = 2
_NS = 16
_L = 16

_CC = 768
_SEGE = 1024
_G = 32


def _sc_aggregate(entity, node_ids, src, dst, ety, *, N, D, R):
    f32 = jnp.float32
    i32 = jnp.int32
    RH = R // 2
    NPASS = -(-N // (2 * _CC))
    NPAD = NPASS * 2 * _CC
    ACCROWS = 2 * _CC + _NS
    HR = (_CC * R) // 128
    assert (_CC * R) % 128 == 0 and HR % 128 == 0

    E = src.shape[0]
    EP = E // _NS
    NSEG = EP // _SEGE
    assert EP % _SEGE == 0 and _SEGE % _L == 0
    assert (R & (R - 1)) == 0
    RB = R.bit_length() - 1
    assert NPASS <= _L

    mesh = plsc.VectorSubcoreMesh(core_axis_name="c", subcore_axis_name="s")

    def body(ent_h, nid_h, src_h, dst_h, ety_h, agg_o, hist_o,
             nid_v, srcb, dstb, etyb, acode, agid, stage_g, stage_s, idxst,
             rowbuf, histv, acc_s, hist_s, zsf, zspm, smo, smc,
             gsem0, gsem1, msem):
        gsem = (gsem0, gsem1)
        cid = lax.axis_index("c")
        sid = lax.axis_index("s")
        iota = lax.iota(i32, _L)
        zf = jnp.zeros((_L,), f32)
        zi = jnp.zeros((_L,), i32)

        pltpu.sync_copy(nid_h, nid_v)

        def _zero_rb(r, _):
            def inner(c, _):
                rowbuf[0, r, pl.ds(c * _L, _L)] = zf
                return 0
            return lax.fori_loop(0, D // _L, inner, 0)
        lax.fori_loop(0, 32, _zero_rb, 0)

        def _zero_hv(r, _):
            def inner(c, _):
                histv[r, pl.ds(c * _L, _L)] = zi
                return 0
            return lax.fori_loop(0, 128 // _L, inner, 0)
        lax.fori_loop(0, 32, _zero_hv, 0)

        @pl.when(sid < 4)
        def _():
            pltpu.sync_copy(rowbuf.at[0, pl.ds(0, 8)],
                            zsf.at[pl.ds(sid * 8, 8)])
        pltpu.sync_copy(histv.at[pl.ds(0, 8)], zspm.at[pl.ds(sid * 8, 8)])
        plsc.subcore_barrier()

        def cnt_seg(s, cnts):
            ebase = sid * EP + s * _SEGE
            pltpu.sync_copy(dst_h.at[pl.ds(ebase, _SEGE)], dstb)

            def cnt_vreg(i, cnts):
                d = dstb[pl.ds(i * _L, _L)]
                mine = (d >= 0) & (lax.rem(lax.div(d, _CC), 2) == cid)
                pidx = lax.div(d, 2 * _CC)
                for p in range(NPASS):
                    pc = plsc.all_reduce_population_count(mine & (pidx == p))
                    cnts = cnts + jnp.where(iota == p, pc, 0)
                return cnts

            return lax.fori_loop(0, _SEGE // _L, cnt_vreg, cnts)

        cnts = lax.fori_loop(0, NSEG, cnt_seg, zi)
        offv = plsc.cumsum(cnts) - cnts
        for p in range(NPASS):
            smo[p] = offv[p]
            smc[p] = cnts[p]

        def fill_seg(s, offc):
            ebase = sid * EP + s * _SEGE
            d1 = pltpu.async_copy(src_h.at[pl.ds(ebase, _SEGE)], srcb, msem)
            d2 = pltpu.async_copy(dst_h.at[pl.ds(ebase, _SEGE)], dstb, msem)
            d3 = pltpu.async_copy(ety_h.at[pl.ds(ebase, _SEGE)], etyb, msem)
            d1.wait()
            d2.wait()
            d3.wait()

            def fill_vreg(i, offc):
                d = dstb[pl.ds(i * _L, _L)]
                t = etyb[pl.ds(i * _L, _L)]
                sv = srcb[pl.ds(i * _L, _L)]
                gi = plsc.load_gather(nid_v, [sv])
                code = d * R + t
                mine = (d >= 0) & (lax.rem(lax.div(d, _CC), 2) == cid)
                pidx = lax.div(d, 2 * _CC)
                for p in range(NPASS):
                    m = mine & (pidx == p)
                    ob = offc[p]
                    plsc.store_compressed(acode.at[pl.ds(ob, _L)], code, mask=m)
                    plsc.store_compressed(agid.at[pl.ds(ob, _L)], gi, mask=m)
                    pc = plsc.all_reduce_population_count(m)
                    offc = offc + jnp.where(iota == p, pc, 0)
                return offc

            return lax.fori_loop(0, _SEGE // _L, fill_vreg, offc)

        lax.fori_loop(0, NSEG, fill_seg, offv)

        def pass_body(p, _):
            lo = p * (2 * _CC) + cid * _CC

            r0 = sid * (2 * _CC // _NS)
            for k in range(2 * _CC // _NS // 32):
                pltpu.sync_copy(zsf, acc_s.at[pl.ds(r0 + k * 32, 32)])

            @pl.when(sid == 0)
            def _():
                pltpu.sync_copy(zsf.at[pl.ds(0, 16)],
                                acc_s.at[pl.ds(2 * _CC, 16)])
            pltpu.sync_copy(zspm.at[pl.ds(0, HR // _NS)],
                            hist_s.at[pl.ds(sid * (HR // _NS), HR // _NS)])
            for k in range(HR // 128):
                pltpu.sync_copy(zspm, histv.at[pl.ds(k * 128, 128)])
            plsc.subcore_barrier()

            boff = smo[p]
            bcnt = smc[p]
            nch = (bcnt + _G - 1) // _G

            def fire(c, k):
                @pl.when(c < nch)
                def _():
                    b = boff + c * _G
                    for j in range(_G // _L):
                        lane = c * _G + j * _L + iota
                        m = lane < bcnt
                        code16 = acode[pl.ds(b + j * _L, _L)]
                        gi16 = agid[pl.ds(b + j * _L, _L)]
                        d16 = lax.shift_right_logical(code16, RB)
                        t16 = lax.bitwise_and(code16, R - 1)
                        srow = (d16 - lo) + jnp.where(t16 >= RH, _CC, 0)
                        hq = jnp.where(m, code16 - lo * R, 0)
                        cnt16, lastm = plsc.scan_count(hq, mask=m)
                        plsc.addupdate_scatter(
                            histv,
                            [lax.shift_right_logical(hq, 7),
                             lax.bitwise_and(hq, 127)],
                            cnt16, mask=lastm)
                        stage_g[k, pl.ds(j * _L, _L)] = jnp.where(m, gi16, 0)
                        stage_s[k, pl.ds(j * _L, _L)] = (
                            jnp.where(m, srow, 2 * _CC + sid))
                    pltpu.async_copy(ent_h.at[stage_g.at[k]],
                                     rowbuf.at[k], gsem[k])

            def scat(c, k):
                @pl.when(c < nch)
                def _():
                    pltpu.make_async_copy(ent_h.at[stage_g.at[k]],
                                          rowbuf.at[k], gsem[k]).wait()
                    pltpu.sync_copy(rowbuf.at[k], acc_s.at[stage_s.at[k]],
                                    add=True)

            fire(jnp.int32(0), 0)

            def drain2(i, _):
                cc = i * 2
                fire(cc + 1, 1)
                scat(cc, 0)
                fire(cc + 2, 0)
                scat(cc + 1, 1)
                return 0

            lax.fori_loop(0, (nch + 1) // 2, drain2, 0)

            def flush(c, _):
                for k in range(128 // _L):
                    idxst[pl.ds(k * _L, _L)] = c * 128 + k * _L + iota
                pltpu.sync_copy(histv.at[pl.ds(c * 128, 128)],
                                hist_s.at[idxst], add=True)
                return 0

            lax.fori_loop(0, HR // 128, flush, 0)
            plsc.subcore_barrier()

            rpt = _CC // _NS
            n0 = lo + sid * rpt
            pltpu.sync_copy(acc_s.at[pl.ds(sid * rpt, rpt)],
                            agg_o.at[pl.ds(n0, rpt)])
            pltpu.sync_copy(acc_s.at[pl.ds(_CC + sid * rpt, rpt)],
                            agg_o.at[pl.ds(NPAD + n0, rpt)])
            q = p * 2 + cid
            hpt = HR // _NS
            pltpu.sync_copy(hist_s.at[pl.ds(sid * hpt, hpt)],
                            hist_o.at[pl.ds(q * HR + sid * hpt, hpt)])
            plsc.subcore_barrier()
            return 0

        lax.fori_loop(0, NPASS, pass_body, 0)

    agg, hist = pl.kernel(
        body,
        out_type=[
            jax.ShapeDtypeStruct((2 * NPAD, D), f32),
            jax.ShapeDtypeStruct((NPASS * 2 * HR, 128), i32),
        ],
        mesh=mesh,
        compiler_params=pltpu.CompilerParams(
            needs_layout_passes=False, use_tc_tiling_on_sc=False),
        scratch_types=[
            pltpu.VMEM((N,), i32),
            pltpu.VMEM((_SEGE,), i32),
            pltpu.VMEM((_SEGE,), i32),
            pltpu.VMEM((_SEGE,), i32),
            pltpu.VMEM((EP + 64,), i32),
            pltpu.VMEM((EP + 64,), i32),
            pltpu.VMEM((2, _G), i32),
            pltpu.VMEM((2, _G), i32),
            pltpu.VMEM((128,), i32),
            pltpu.VMEM((2, _G, D), f32),
            pltpu.VMEM((HR, 128), i32),
            pltpu.VMEM_SHARED((ACCROWS, D), f32),
            pltpu.VMEM_SHARED((HR, 128), i32),
            pltpu.VMEM_SHARED((32, D), f32),
            pltpu.VMEM_SHARED((128, 128), i32),
            pltpu.SMEM((_L,), i32),
            pltpu.SMEM((_L,), i32),
            pltpu.SemaphoreType.DMA,
            pltpu.SemaphoreType.DMA,
            pltpu.SemaphoreType.DMA,
        ],
    )(entity, node_ids, src, dst, ety)
    return agg, hist, NPAD


def _tc_body(RH, hist_ref, aggI_ref, aggO_ref, relw_ref, wI_ref, wO_ref,
             bI_ref, bO_ref, fcw_ref, fcb_ref, out_ref):
    f32 = jnp.float32
    hist = hist_ref[...].astype(f32)
    histI = hist[:, :RH]
    histO = hist[:, RH:]
    relw = relw_ref[...]
    relI = jnp.dot(histI, relw[:RH, :], preferred_element_type=f32)
    relO = jnp.dot(histO, relw[RH:, :], preferred_element_type=f32)
    degI = jnp.sum(histI, axis=1, keepdims=True)
    degO = jnp.sum(histO, axis=1, keepdims=True)
    xI = aggI_ref[...] - relI
    xO = aggO_ref[...] - relO
    dn = (((1,), (1,)), ((), ()))
    sI = lax.dot_general(xI, wI_ref[...], dn, preferred_element_type=f32)
    sO = lax.dot_general(xO, wO_ref[...], dn, preferred_element_type=f32)
    summed = sI + sO + degI * bI_ref[...] + degO * bO_ref[...]
    nout = summed / jnp.maximum(degI + degO, 1.0)
    logits = lax.dot_general(nout, fcw_ref[...], dn, preferred_element_type=f32)
    out_ref[...] = jax.nn.sigmoid(logits + fcb_ref[...])


def kernel(node_ids, edge_index, etype, entity, rel_embeds,
           W_I_w, W_I_b, W_O_w, W_O_b, fc_w, fc_b):
    N, D = entity.shape
    R = rel_embeds.shape[0]
    T = fc_w.shape[0]
    E = etype.shape[0]
    i32 = jnp.int32
    f32 = jnp.float32

    node_ids = node_ids.astype(i32)
    src = edge_index[0].astype(i32)
    dst = edge_index[1].astype(i32)
    ety = etype.astype(i32)

    EPT = -(-E // (_NS * _SEGE)) * (_NS * _SEGE)
    if EPT != E:
        pad = EPT - E
        src = jnp.concatenate([src, jnp.zeros((pad,), i32)])
        dst = jnp.concatenate([dst, jnp.full((pad,), -1, i32)])
        ety = jnp.concatenate([ety, jnp.zeros((pad,), i32)])

    agg, hist, NPAD = _sc_aggregate(entity, node_ids, src, dst, ety,
                                    N=N, D=D, R=R)
    aggI = agg[:N]
    aggO = agg[NPAD:NPAD + N]
    NPASS = NPAD // (2 * _CC)
    HR = (_CC * R) // 128
    hist_n = hist.reshape(NPASS * 2 * _CC, R)[:N]

    BN = 1000
    assert N % BN == 0
    grid = N // BN
    out = pl.pallas_call(
        functools.partial(_tc_body, R // 2),
        grid=(grid,),
        in_specs=[
            pl.BlockSpec((BN, R), lambda i: (i, 0)),
            pl.BlockSpec((BN, D), lambda i: (i, 0)),
            pl.BlockSpec((BN, D), lambda i: (i, 0)),
            pl.BlockSpec((R, D), lambda i: (0, 0)),
            pl.BlockSpec((D, D), lambda i: (0, 0)),
            pl.BlockSpec((D, D), lambda i: (0, 0)),
            pl.BlockSpec((1, D), lambda i: (0, 0)),
            pl.BlockSpec((1, D), lambda i: (0, 0)),
            pl.BlockSpec((T, D), lambda i: (0, 0)),
            pl.BlockSpec((1, T), lambda i: (0, 0)),
        ],
        out_specs=pl.BlockSpec((BN, T), lambda i: (i, 0)),
        out_shape=jax.ShapeDtypeStruct((N, T), f32),
    )(hist_n, aggI, aggO, rel_embeds, W_I_w, W_O_w,
      W_I_b.reshape(1, D), W_O_b.reshape(1, D), fc_w, fc_b.reshape(1, T))
    return out

# --- scband reference (transcript-rebuilt; emitter-appended) ---
"""Pipeline reference for scband-comp-gcn-37263136260549 (READ-ONLY COPY).

The authoritative reference and input builder live on the scoring server;
editing this copy changes nothing except your own understanding.
"""

import jax, jax.numpy as jnp
import numpy as np

NUM_NODES = 10000
NUM_EDGES = 160000
NUM_RELS = 64
NUM_TYPES = 128
EMBED_DIM = 256


def setup_inputs(seed: int = 0) -> dict:
    key = jax.random.key(seed)
    ks = jax.random.split(key, 12)
    node_ids = jax.random.randint(ks[0], (NUM_NODES,), 0, NUM_NODES, dtype=jnp.int64 if jax.config.jax_enable_x64 else jnp.int32)
    edge_index = jax.random.randint(ks[1], (2, NUM_EDGES), 0, NUM_NODES, dtype=jnp.int64 if jax.config.jax_enable_x64 else jnp.int32)
    etype = jax.random.randint(ks[2], (NUM_EDGES,), 0, NUM_RELS, dtype=jnp.int64 if jax.config.jax_enable_x64 else jnp.int32)
    entity = jax.random.uniform(ks[3], (NUM_NODES, EMBED_DIM), jnp.float32, -10.0 / EMBED_DIM, 10.0 / EMBED_DIM)
    rel_embeds = jax.random.uniform(ks[4], (NUM_RELS, EMBED_DIM), jnp.float32, -10.0 / EMBED_DIM, 10.0 / EMBED_DIM)
    scale = 1.0 / np.sqrt(EMBED_DIM)
    W_I_w = jax.random.normal(ks[5], (EMBED_DIM, EMBED_DIM), jnp.float32) * scale
    W_I_b = jnp.zeros((EMBED_DIM,), jnp.float32)
    W_O_w = jax.random.normal(ks[6], (EMBED_DIM, EMBED_DIM), jnp.float32) * scale
    W_O_b = jnp.zeros((EMBED_DIM,), jnp.float32)
    fc_w = jax.random.normal(ks[7], (NUM_TYPES, EMBED_DIM), jnp.float32) * scale
    fc_b = jnp.zeros((NUM_TYPES,), jnp.float32)
    return {
        'node_ids': node_ids,
        'edge_index': edge_index,
        'etype': etype,
        'entity': entity,
        'rel_embeds': rel_embeds,
        'W_I_w': W_I_w,
        'W_I_b': W_I_b,
        'W_O_w': W_O_w,
        'W_O_b': W_O_b,
        'fc_w': fc_w,
        'fc_b': fc_b,
    }


def reference(node_ids, edge_index, etype, entity, rel_embeds, W_I_w, W_I_b, W_O_w, W_O_b, fc_w, fc_b):
    # n_feats = entity lookup (torch.index_select)
    n_feats = jnp.take(entity, node_ids, axis=0)
    src = edge_index[0]
    dst = edge_index[1]
    # comp_fn='sub': u_sub_e -> src node feat minus relation embedding of the edge
    comp_h = jnp.take(n_feats, src, axis=0) - jnp.take(rel_embeds, etype, axis=0)
    # direction-dependent linear transform
    h_I = comp_h @ W_I_w.T + W_I_b
    h_O = comp_h @ W_O_w.T + W_O_b
    num_rels = rel_embeds.shape[0]
    new_comp_h = jnp.where((etype < num_rels // 2)[:, None], h_I, h_O)
    # update_all: copy_e + mean over incoming edges per dst node
    N = n_feats.shape[0]
    summed = jax.ops.segment_sum(new_comp_h, dst, num_segments=N)
    deg = jax.ops.segment_sum(jnp.ones((dst.shape[0],), jnp.float32), dst, num_segments=N)
    n_out = summed / jnp.maximum(deg, 1.0)[:, None]
    # dropout (eval mode = identity), activation='none'
    predict = jax.nn.sigmoid(n_out @ fc_w.T + fc_b)
    return predict


if False:  # reference __main__ guard neutralized (emitter)
    out = reference(**setup_inputs())
    print(out.shape, out.dtype)

if __name__ == "__main__":
    import jax
    _d = setup_inputs()
    print(jax.jit(kernel)(*tuple(_d.values())))

</pallas_src>

<mosaic_0001>
#map = affine_map<(d0, d1) -> (0, 0)>
#map1 = affine_map<(d0, d1) -> (0)>
module attributes {stable_mosaic.version = 14 : i64} {
  func.func @body(%arg0: i32, %arg1: i32, %arg2: memref<10000x256xf32, #tpu.memory_space<hbm>>, %arg3: memref<10000xi32, #tpu.memory_space<hbm>>, %arg4: memref<163840xi32, #tpu.memory_space<hbm>>, %arg5: memref<163840xi32, #tpu.memory_space<hbm>>, %arg6: memref<163840xi32, #tpu.memory_space<hbm>>, %arg7: memref<21504x256xf32, #tpu.memory_space<hbm>>, %arg8: memref<5376x128xi32, #tpu.memory_space<hbm>>, %arg9: memref<10000xi32, #tpu.memory_space<vmem>>, %arg10: memref<1024xi32, #tpu.memory_space<vmem>>, %arg11: memref<1024xi32, #tpu.memory_space<vmem>>, %arg12: memref<1024xi32, #tpu.memory_space<vmem>>, %arg13: memref<10304xi32, #tpu.memory_space<vmem>>, %arg14: memref<10304xi32, #tpu.memory_space<vmem>>, %arg15: memref<2x32xi32, #tpu.memory_space<vmem>>, %arg16: memref<2x32xi32, #tpu.memory_space<vmem>>, %arg17: memref<128xi32, #tpu.memory_space<vmem>>, %arg18: memref<2x32x256xf32, #tpu.memory_space<vmem>>, %arg19: memref<384x128xi32, #tpu.memory_space<vmem>>, %arg20: memref<1552x256xf32, #tpu.memory_space<vmem_shared>>, %arg21: memref<384x128xi32, #tpu.memory_space<vmem_shared>>, %arg22: memref<32x256xf32, #tpu.memory_space<vmem_shared>>, %arg23: memref<128x128xi32, #tpu.memory_space<vmem_shared>>, %arg24: memref<16xi32, #tpu.memory_space<smem>>, %arg25: memref<16xi32, #tpu.memory_space<smem>>, %arg26: memref<!tpu.dma_semaphore, #tpu.memory_space<semaphore_mem>>, %arg27: memref<!tpu.dma_semaphore, #tpu.memory_space<semaphore_mem>>, %arg28: memref<!tpu.dma_semaphore, #tpu.memory_space<semaphore_mem>>) attributes {dimension_semantics = [#tpu.dimension_semantics<core_parallel>, #tpu.dimension_semantics<subcore_parallel>], iteration_bounds = array<i64: 2, 16>, scalar_prefetch = 0 : i64, scratch_operands = 20 : i64, tpu.core_type = #tpu.core_type<sc_vector_subcore>, window_params = [{transform_indices = #map}, {transform_indices = #map1}, {transform_indices = #map1}, {transform_indices = #map1}, {transform_indices = #map1}, {transform_indices = #map}, {transform_indices = #map}]} {
    %iota3A = tpu.iota {dimensions = array<i32: 0>} : vector<16xi32>
    %broadcast_in_dim3A = arith.constant 0.000000e+00 : f32
    %broadcast_in_dim3A_0 = vector.broadcast %broadcast_in_dim3A : f32 to vector<16xf32>
    %broadcast_in_dim3A_1 = arith.constant 0 : i32
    %broadcast_in_dim3A_2 = vector.broadcast %broadcast_in_dim3A_1 : i32 to vector<16xi32>
    "tpu.region"() ({
      %run_scoped3A = tpu.sem_alloc : memref<!tpu.dma_semaphore, #tpu.memory_space<semaphore_mem>>
      tpu.enqueue_dma source(%arg3 : memref<10000xi32, #tpu.memory_space<hbm>>) target(%arg9 : memref<10000xi32, #tpu.memory_space<vmem>>) target_semaphore(%run_scoped3A : memref<!tpu.dma_semaphore, #tpu.memory_space<semaphore_mem>>)
      tpu.wait_dma2 semaphore(%run_scoped3A : memref<!tpu.dma_semaphore, #tpu.memory_space<semaphore_mem>>) src(%arg3 : memref<10000xi32, #tpu.memory_space<hbm>>) dst(%arg9 : memref<10000xi32, #tpu.memory_space<vmem>>)
      tpu.yield
    }) : () -> ()
    %scan3A = arith.constant 0 : i32
    %scan3A_3 = arith.constant 0 : i32
    %scan3A_4 = arith.constant 32 : i32
    %scan3A_5 = arith.addi %scan3A_3, %scan3A_4 : i32
    %scan3A_6 = arith.constant 1 : i32
    %scan3A_7 = scf.for %scan3A_107 = %scan3A_3 to %scan3A_5 step %scan3A_6 iter_args(%scan3A_108 = %scan3A) -> (i32)  : i32 {
      %scan3A_109 = arith.constant 0 : i32
      %scan3A_110 = arith.constant 0 : i32
      %scan3A_111 = arith.constant 16 : i32
      %scan3A_112 = arith.addi %scan3A_110, %scan3A_111 : i32
      %scan3A_113 = arith.constant 1 : i32
      %scan3A_114 = scf.for %scan3A_116 = %scan3A_110 to %scan3A_112 step %scan3A_113 iter_args(%scan3A_117 = %scan3A_109) -> (i32)  : i32 {
        %mul3A_118 = arith.constant 16 : i32
        %mul3A_119 = arith.muli %scan3A_116, %mul3A_118 : i32
        %swap3A_120 = arith.constant 0 : i32
        %swap3A_121 = arith.index_cast %swap3A_120 : i32 to index
        %swap3A_122 = arith.index_cast %scan3A_107 : i32 to index
        %swap3A_123 = arith.index_cast %mul3A_119 : i32 to index
        %swap3A_124 = tpu.vector_load %arg18[%swap3A_121, %swap3A_122, %swap3A_123] {strides = array<i32>} : memref<2x32x256xf32, #tpu.memory_space<vmem>>, vector<16xf32>,
        tpu.vector_store %arg18[%swap3A_121, %swap3A_122, %swap3A_123], %broadcast_in_dim3A_0 {strides = array<i32>} : memref<2x32x256xf32, #tpu.memory_space<vmem>>, vector<16xf32>,
        %scan3A_125 = arith.constant 0 : i32
        scf.yield %scan3A_125 : i32
      }
      %scan3A_115 = arith.constant 16 : i32
      scf.yield %scan3A_114 : i32
    }
    %scan3A_8 = arith.constant 32 : i32
    %scan3A_9 = arith.constant 0 : i32
    %scan3A_10 = arith.constant 0 : i32
    %scan3A_11 = arith.constant 32 : i32
    %scan3A_12 = arith.addi %scan3A_10, %scan3A_11 : i32
    %scan3A_13 = arith.constant 1 : i32
    %scan3A_14 = scf.for %scan3A_107 = %scan3A_10 to %scan3A_12 step %scan3A_13 iter_args(%scan3A_108 = %scan3A_9) -> (i32)  : i32 {
      %scan3A_109 = arith.constant 0 : i32
      %scan3A_110 = arith.constant 0 : i32
      %scan3A_111 = arith.constant 8 : i32
      %scan3A_112 = arith.addi %scan3A_110, %scan3A_111 : i32
      %scan3A_113 = arith.constant 1 : i32
      %scan3A_114 = scf.for %scan3A_116 = %scan3A_110 to %scan3A_112 step %scan3A_113 iter_args(%scan3A_117 = %scan3A_109) -> (i32)  : i32 {
        %mul3A_118 = arith.constant 16 : i32
        %mul3A_119 = arith.muli %scan3A_116, %mul3A_118 : i32
        %swap3A_120 = arith.index_cast %scan3A_107 : i32 to index
        %swap3A_121 = arith.index_cast %mul3A_119 : i32 to index
        %swap3A_122 = tpu.vector_load %arg19[%swap3A_120, %swap3A_121] {strides = array<i32>} : memref<384x128xi32, #tpu.memory_space<vmem>>, vector<16xi32>,
        tpu.vector_store %arg19[%swap3A_120, %swap3A_121], %broadcast_in_dim3A_2 {strides = array<i32>} : memref<384x128xi32, #tpu.memory_space<vmem>>, vector<16xi32>,
        %scan3A_123 = arith.constant 0 : i32
        scf.yield %scan3A_123 : i32
      }
      %scan3A_115 = arith.constant 8 : i32
      scf.yield %scan3A_114 : i32
    }
    %scan3A_15 = arith.constant 32 : i32
    %lt3A = arith.constant 4 : i32
    %lt3A_16 = arith.cmpi slt, %arg1, %lt3A : i32
    %convert_element_type3A = arith.extui %lt3A_16 : i1 to i32
    %cond3A = arith.constant 0 : i32
    %cond3A_17 = arith.cmpi ne, %convert_element_type3A, %cond3A : i32
    scf.if %cond3A_17 {
      %mul3A_107 = arith.constant 8 : i32
      %mul3A_108 = arith.muli %arg1, %mul3A_107 : i32
      %run_scoped3A = arith.constant 0 : i32
      "tpu.region"() ({
        %run_scoped3A_109 = tpu.sem_alloc : memref<!tpu.dma_semaphore, #tpu.memory_space<semaphore_mem>>
        %dma_start3A = arith.constant 0 : i32
        %dma_start3A_110 = arith.constant 0 : i32
        %dma_start3A_111 = tpu.memref_slice %arg18[%run_scoped3A, %dma_start3A, %dma_start3A_110] : memref<2x32x256xf32, #tpu.memory_space<vmem>> -> memref<1x8x256xf32, #tpu.memory_space<vmem>>
        %dma_start3A_112 = tpu.memref_squeeze %dma_start3A_111 : memref<1x8x256xf32, #tpu.memory_space<vmem>> -> memref<8x256xf32, #tpu.memory_space<vmem>>
        %dma_start3A_113 = arith.constant 0 : i32
        %dma_start3A_114 = tpu.memref_slice %arg22[%mul3A_108, %dma_start3A_113] : memref<32x256xf32, #tpu.memory_space<vmem_shared>> -> memref<8x256xf32, #tpu.memory_space<vmem_shared>>
        %dma_start3A_115 = arith.constant 0 : i32
        %dma_start3A_116 = tpu.memref_slice %arg22[%mul3A_108, %dma_start3A_115] : memref<32x256xf32, #tpu.memory_space<vmem_shared>> -> memref<8x256xf32, #tpu.memory_space<vmem_shared>>
        %dma_start3A_117 = arith.constant 0 : i32
        %dma_start3A_118 = arith.constant 0 : i32
        %dma_start3A_119 = tpu.memref_slice %arg18[%run_scoped3A, %dma_start3A_117, %dma_start3A_118] : memref<2x32x256xf32, #tpu.memory_space<vmem>> -> memref<1x8x256xf32, #tpu.memory_space<vmem>>
        %dma_start3A_120 = tpu.memref_squeeze %dma_start3A_119 : memref<1x8x256xf32, #tpu.memory_space<vmem>> -> memref<8x256xf32, #tpu.memory_space<vmem>>
        tpu.enqueue_dma source(%dma_start3A_120 : memref<8x256xf32, #tpu.memory_space<vmem>>) target(%dma_start3A_116 : memref<8x256xf32, #tpu.memory_space<vmem_shared>>) target_semaphore(%run_scoped3A_109 : memref<!tpu.dma_semaphore, #tpu.memory_space<semaphore_mem>>)
        %dma_wait3A = arith.constant 0 : i32
        %dma_wait3A_121 = arith.constant 0 : i32
        %dma_wait3A_122 = tpu.memref_slice %arg18[%run_scoped3A, %dma_wait3A, %dma_wait3A_121] : memref<2x32x256xf32, #tpu.memory_space<vmem>> -> memref<1x8x256xf32, #tpu.memory_space<vmem>>
        %dma_wait3A_123 = tpu.memref_squeeze %dma_wait3A_122 : memref<1x8x256xf32, #tpu.memory_space<vmem>> -> memref<8x256xf32, #tpu.memory_space<vmem>>
        %dma_wait3A_124 = arith.constant 0 : i32
        %dma_wait3A_125 = tpu.memref_slice %arg22[%mul3A_108, %dma_wait3A_124] : memref<32x256xf32, #tpu.memory_space<vmem_shared>> -> memref<8x256xf32, #tpu.memory_space<vmem_shared>>
        %dma_wait3A_126 = arith.constant 0 : i32
        %dma_wait3A_127 = tpu.memref_slice %arg22[%mul3A_108, %dma_wait3A_126] : memref<32x256xf32, #tpu.memory_space<vmem_shared>> -> memref<8x256xf32, #tpu.memory_space<vmem_shared>>
        %dma_wait3A_128 = arith.constant 0 : i32
        %dma_wait3A_129 = arith.constant 0 : i32
        %dma_wait3A_130 = tpu.memref_slice %arg18[%run_scoped3A, %dma_wait3A_128, %dma_wait3A_129] : memref<2x32x256xf32, #tpu.memory_space<vmem>> -> memref<1x8x256xf32, #tpu.memory_space<vmem>>
        %dma_wait3A_131 = tpu.memref_squeeze %dma_wait3A_130 : memref<1x8x256xf32, #tpu.memory_space<vmem>> -> memref<8x256xf32, #tpu.memory_space<vmem>>
        tpu.wait_dma2 semaphore(%run_scoped3A_109 : memref<!tpu.dma_semaphore, #tpu.memory_space<semaphore_mem>>) src(%dma_wait3A_131 : memref<8x256xf32, #tpu.memory_space<vmem>>) dst(%dma_wait3A_127 : memref<8x256xf32, #tpu.memory_space<vmem_shared>>)
        tpu.yield
      }) : () -> ()
    } else {
    }
    %mul3A = arith.constant 8 : i32
    %mul3A_18 = arith.muli %arg1, %mul3A : i32
    "tpu.region"() ({
      %run_scoped3A = tpu.sem_alloc : memref<!tpu.dma_semaphore, #tpu.memory_space<semaphore_mem>>
      %dma_start3A = arith.constant 0 : i32
      %dma_start3A_107 = arith.constant 0 : i32
      %dma_start3A_108 = tpu.memref_slice %arg19[%dma_start3A, %dma_start3A_107] : memref<384x128xi32, #tpu.memory_space<vmem>> -> memref<8x128xi32, #tpu.memory_space<vmem>>
      %dma_start3A_109 = arith.constant 0 : i32
      %dma_start3A_110 = tpu.memref_slice %arg23[%mul3A_18, %dma_start3A_109] : memref<128x128xi32, #tpu.memory_space<vmem_shared>> -> memref<8x128xi32, #tpu.memory_space<vmem_shared>>
      %dma_start3A_111 = arith.constant 0 : i32
      %dma_start3A_112 = tpu.memref_slice %arg23[%mul3A_18, %dma_start3A_111] : memref<128x128xi32, #tpu.memory_space<vmem_shared>> -> memref<8x128xi32, #tpu.memory_space<vmem_shared>>
      %dma_start3A_113 = arith.constant 0 : i32
      %dma_start3A_114 = arith.constant 0 : i32
      %dma_start3A_115 = tpu.memref_slice %arg19[%dma_start3A_113, %dma_start3A_114] : memref<384x128xi32, #tpu.memory_space<vmem>> -> memref<8x128xi32, #tpu.memory_space<vmem>>
      tpu.enqueue_dma source(%dma_start3A_115 : memref<8x128xi32, #tpu.memory_space<vmem>>) target(%dma_start3A_112 : memref<8x128xi32, #tpu.memory_space<vmem_shared>>) target_semaphore(%run_scoped3A : memref<!tpu.dma_semaphore, #tpu.memory_space<semaphore_mem>>)
      %dma_wait3A = arith.constant 0 : i32
      %dma_wait3A_116 = arith.constant 0 : i32
      %dma_wait3A_117 = tpu.memref_slice %arg19[%dma_wait3A, %dma_wait3A_116] : memref<384x128xi32, #tpu.memory_space<vmem>> -> memref<8x128xi32, #tpu.memory_space<vmem>>
      %dma_wait3A_118 = arith.constant 0 : i32
      %dma_wait3A_119 = tpu.memref_slice %arg23[%mul3A_18, %dma_wait3A_118] : memref<128x128xi32, #tpu.memory_space<vmem_shared>> -> memref<8x128xi32, #tpu.memory_space<vmem_shared>>
      %dma_wait3A_120 = arith.constant 0 : i32
      %dma_wait3A_121 = tpu.memref_slice %arg23[%mul3A_18, %dma_wait3A_120] : memref<128x128xi32, #tpu.memory_space<vmem_shared>> -> memref<8x128xi32, #tpu.memory_space<vmem_shared>>
      %dma_wait3A_122 = arith.constant 0 : i32
      %dma_wait3A_123 = arith.constant 0 : i32
      %dma_wait3A_124 = tpu.memref_slice %arg19[%dma_wait3A_122, %dma_wait3A_123] : memref<384x128xi32, #tpu.memory_space<vmem>> -> memref<8x128xi32, #tpu.memory_space<vmem>>
      tpu.wait_dma2 semaphore(%run_scoped3A : memref<!tpu.dma_semaphore, #tpu.memory_space<semaphore_mem>>) src(%dma_wait3A_124 : memref<8x128xi32, #tpu.memory_space<vmem>>) dst(%dma_wait3A_121 : memref<8x128xi32, #tpu.memory_space<vmem_shared>>)
      tpu.yield
    }) : () -> ()
    %barrier3A = arith.constant 0 : index
    tpu.barrier barrier_id(%barrier3A)
    %scan3A_19 = arith.constant 0 : i32
    %scan3A_20 = arith.constant 10 : i32
    %scan3A_21 = arith.addi %scan3A_19, %scan3A_20 : i32
    %scan3A_22 = arith.constant 1 : i32
    %scan3A_23 = scf.for %scan3A_107 = %scan3A_19 to %scan3A_21 step %scan3A_22 iter_args(%scan3A_108 = %broadcast_in_dim3A_2) -> (vector<16xi32>)  : i32 {
      %mul3A_109 = arith.constant 10240 : i32
      %mul3A_110 = arith.muli %arg1, %mul3A_109 : i32
      %mul3A_111 = arith.constant 1024 : i32
      %mul3A_112 = arith.muli %scan3A_107, %mul3A_111 : i32
      %add3A = arith.addi %mul3A_110, %mul3A_112 : i32
      "tpu.region"() ({
        %run_scoped3A = tpu.sem_alloc : memref<!tpu.dma_semaphore, #tpu.memory_space<semaphore_mem>>
        %dma_start3A = tpu.memref_slice %arg5[%add3A] : memref<163840xi32, #tpu.memory_space<hbm>> -> memref<1024xi32, #tpu.memory_space<hbm>>
        %dma_start3A_119 = tpu.memref_slice %arg5[%add3A] : memref<163840xi32, #tpu.memory_space<hbm>> -> memref<1024xi32, #tpu.memory_space<hbm>>
        tpu.enqueue_dma source(%dma_start3A_119 : memref<1024xi32, #tpu.memory_space<hbm>>) target(%arg11 : memref<1024xi32, #tpu.memory_space<vmem>>) target_semaphore(%run_scoped3A : memref<!tpu.dma_semaphore, #tpu.memory_space<semaphore_mem>>)
        %dma_wait3A = tpu.memref_slice %arg5[%add3A] : memref<163840xi32, #tpu.memory_space<hbm>> -> memref<1024xi32, #tpu.memory_space<hbm>>
        %dma_wait3A_120 = tpu.memref_slice %arg5[%add3A] : memref<163840xi32, #tpu.memory_space<hbm>> -> memref<1024xi32, #tpu.memory_space<hbm>>
        tpu.wait_dma2 semaphore(%run_scoped3A : memref<!tpu.dma_semaphore, #tpu.memory_space<semaphore_mem>>) src(%dma_wait3A_120 : memref<1024xi32, #tpu.memory_space<hbm>>) dst(%arg11 : memref<1024xi32, #tpu.memory_space<vmem>>)
        tpu.yield
      }) : () -> ()
      %scan3A_113 = arith.constant 0 : i32
      %scan3A_114 = arith.constant 64 : i32
      %scan3A_115 = arith.addi %scan3A_113, %scan3A_114 : i32
      %scan3A_116 = arith.constant 1 : i32
      %scan3A_117 = scf.for %scan3A_119 = %scan3A_113 to %scan3A_115 step %scan3A_116 iter_args(%scan3A_120 = %scan3A_108) -> (vector<16xi32>)  : i32 {
        %mul3A_121 = arith.constant 16 : i32
        %mul3A_122 = arith.muli %scan3A_119, %mul3A_121 : i32
        %get3A = arith.index_cast %mul3A_122 : i32 to index
        %get3A_123 = tpu.vector_load %arg11[%get3A] {strides = array<i32>} : memref<1024xi32, #tpu.memory_space<vmem>>, vector<16xi32>,
        %ge3A = arith.constant 0 : i32
        %ge3A_124 = vector.broadcast %ge3A : i32 to vector<16xi32>
        %ge3A_125 = arith.cmpi sge, %get3A_123, %ge3A_124 : vector<16xi32>
        %div3A = arith.constant 768 : i32
        %div3A_126 = vector.broadcast %div3A : i32 to vector<16xi32>
        %div3A_127 = arith.divsi %get3A_123, %div3A_126 : vector<16xi32>
        %rem3A = arith.constant 2 : i32
        %rem3A_128 = vector.broadcast %rem3A : i32 to vector<16xi32>
        %rem3A_129 = arith.remsi %div3A_127, %rem3A_128 : vector<16xi32>
        %eq3A = vector.broadcast %arg0 : i32 to vector<16xi32>
        %eq3A_130 = arith.cmpi eq, %rem3A_129, %eq3A : vector<16xi32>
        %and3A = arith.andi %ge3A_125, %eq3A_130 : vector<16xi1>
        %div3A_131 = arith.constant 1536 : i32
        %div3A_132 = vector.broadcast %div3A_131 : i32 to vector<16xi32>
        %div3A_133 = arith.divsi %get3A_123, %div3A_132 : vector<16xi32>
        %eq3A_134 = arith.constant 0 : i32
        %eq3A_135 = vector.broadcast %eq3A_134 : i32 to vector<16xi32>
        %eq3A_136 = arith.cmpi eq, %div3A_133, %eq3A_135 : vector<16xi32>
        %and3A_137 = arith.andi %and3A, %eq3A_136 : vector<16xi1>
        %all_reduce_population_count3A = tpu.all_reduce %and3A_137 {dim = 0 : i64, kind = #tpu.reduction_kind<sum>} : vector<16xi1> -> vector<16xi32>
        %eq3A_138 = arith.constant 0 : i32
        %eq3A_139 = vector.broadcast %eq3A_138 : i32 to vector<16xi32>
        %eq3A_140 = arith.cmpi eq, %iota3A, %eq3A_139 : vector<16xi32>
        %jit3A = arith.constant 0 : i32
        %broadcast_in_dim3A_141 = vector.broadcast %jit3A : i32 to vector<16xi32>
        %select_n3A = arith.select %eq3A_140, %all_reduce_population_count3A, %broadcast_in_dim3A_141 : vector<16xi1>, vector<16xi32>
        %add3A_142 = arith.addi %scan3A_120, %select_n3A : vector<16xi32>
        %eq3A_143 = arith.constant 1 : i32
        %eq3A_144 = vector.broadcast %eq3A_143 : i32 to vector<16xi32>
        %eq3A_145 = arith.cmpi eq, %div3A_133, %eq3A_144 : vector<16xi32>
        %and3A_146 = arith.andi %and3A, %eq3A_145 : vector<16xi1>
        %all_reduce_population_count3A_147 = tpu.all_reduce %and3A_146 {dim = 0 : i64, kind = #tpu.reduction_kind<sum>} : vector<16xi1> -> vector<16xi32>
        %eq3A_148 = arith.constant 1 : i32
        %eq3A_149 = vector.broadcast %eq3A_148 : i32 to vector<16xi32>
        %eq3A_150 = arith.cmpi eq, %iota3A, %eq3A_149 : vector<16xi32>
        %jit3A_151 = arith.constant 0 : i32
        %broadcast_in_dim3A_152 = vector.broadcast %jit3A_151 : i32 to vector<16xi32>
        %select_n3A_153 = arith.select %eq3A_150, %all_reduce_population_count3A_147, %broadcast_in_dim3A_152 : vector<16xi1>, vector<16xi32>
        %add3A_154 = arith.addi %add3A_142, %select_n3A_153 : vector<16xi32>
        %eq3A_155 = arith.constant 2 : i32
        %eq3A_156 = vector.broadcast %eq3A_155 : i32 to vector<16xi32>
        %eq3A_157 = arith.cmpi eq, %div3A_133, %eq3A_156 : vector<16xi32>
        %and3A_158 = arith.andi %and3A, %eq3A_157 : vector<16xi1>
        %all_reduce_population_count3A_159 = tpu.all_reduce %and3A_158 {dim = 0 : i64, kind = #tpu.reduction_kind<sum>} : vector<16xi1> -> vector<16xi32>
        %eq3A_160 = arith.constant 2 : i32
        %eq3A_161 = vector.broadcast %eq3A_160 : i32 to vector<16xi32>
        %eq3A_162 = arith.cmpi eq, %iota3A, %eq3A_161 : vector<16xi32>
        %jit3A_163 = arith.constant 0 : i32
        %broadcast_in_dim3A_164 = vector.broadcast %jit3A_163 : i32 to vector<16xi32>
        %select_n3A_165 = arith.select %eq3A_162, %all_reduce_population_count3A_159, %broadcast_in_dim3A_164 : vector<16xi1>, vector<16xi32>
        %add3A_166 = arith.addi %add3A_154, %select_n3A_165 : vector<16xi32>
        %eq3A_167 = arith.constant 3 : i32
        %eq3A_168 = vector.broadcast %eq3A_167 : i32 to vector<16xi32>
        %eq3A_169 = arith.cmpi eq, %div3A_133, %eq3A_168 : vector<16xi32>
        %and3A_170 = arith.andi %and3A, %eq3A_169 : vector<16xi1>
        %all_reduce_population_count3A_171 = tpu.all_reduce %and3A_170 {dim = 0 : i64, kind = #tpu.reduction_kind<sum>} : vector<16xi1> -> vector<16xi32>
        %eq3A_172 = arith.constant 3 : i32
        %eq3A_173 = vector.broadcast %eq3A_172 : i32 to vector<16xi32>
        %eq3A_174 = arith.cmpi eq, %iota3A, %eq3A_173 : vector<16xi32>
        %jit3A_175 = arith.constant 0 : i32
        %broadcast_in_dim3A_176 = vector.broadcast %jit3A_175 : i32 to vector<16xi32>
        %select_n3A_177 = arith.select %eq3A_174, %all_reduce_population_count3A_171, %broadcast_in_dim3A_176 : vector<16xi1>, vector<16xi32>
        %add3A_178 = arith.addi %add3A_166, %select_n3A_177 : vector<16xi32>
        %eq3A_179 = arith.constant 4 : i32
        %eq3A_180 = vector.broadcast %eq3A_179 : i32 to vector<16xi32>
        %eq3A_181 = arith.cmpi eq, %div3A_133, %eq3A_180 : vector<16xi32>
        %and3A_182 = arith.andi %and3A, %eq3A_181 : vector<16xi1>
        %all_reduce_population_count3A_183 = tpu.all_reduce %and3A_182 {dim = 0 : i64, kind = #tpu.reduction_kind<sum>} : vector<16xi1> -> vector<16xi32>
        %eq3A_184 = arith.constant 4 : i32
        %eq3A_185 = vector.broadcast %eq3A_184 : i32 to vector<16xi32>
        %eq3A_186 = arith.cmpi eq, %iota3A, %eq3A_185 : vector<16xi32>
        %jit3A_187 = arith.constant 0 : i32
        %broadcast_in_dim3A_188 = vector.broadcast %jit3A_187 : i32 to vector<16xi32>
        %select_n3A_189 = arith.select %eq3A_186, %all_reduce_population_count3A_183, %broadcast_in_dim3A_188 : vector<16xi1>, vector<16xi32>
        %add3A_190 = arith.addi %add3A_178, %select_n3A_189 : vector<16xi32>
        %eq3A_191 = arith.constant 5 : i32
        %eq3A_192 = vector.broadcast %eq3A_191 : i32 to vector<16xi32>
        %eq3A_193 = arith.cmpi eq, %div3A_133, %eq3A_192 : vector<16xi32>
        %and3A_194 = arith.andi %and3A, %eq3A_193 : vector<16xi1>
        %all_reduce_population_count3A_195 = tpu.all_reduce %and3A_194 {dim = 0 : i64, kind = #tpu.reduction_kind<sum>} : vector<16xi1> -> vector<16xi32>
        %eq3A_196 = arith.constant 5 : i32
        %eq3A_197 = vector.broadcast %eq3A_196 : i32 to vector<16xi32>
        %eq3A_198 = arith.cmpi eq, %iota3A, %eq3A_197 : vector<16xi32>
        %jit3A_199 = arith.constant 0 : i32
        %broadcast_in_dim3A_200 = vector.broadcast %jit3A_199 : i32 to vector<16xi32>
        %select_n3A_201 = arith.select %eq3A_198, %all_reduce_population_count3A_195, %broadcast_in_dim3A_200 : vector<16xi1>, vector<16xi32>
        %add3A_202 = arith.addi %add3A_190, %select_n3A_201 : vector<16xi32>
        %eq3A_203 = arith.constant 6 : i32
        %eq3A_204 = vector.broadcast %eq3A_203 : i32 to vector<16xi32>
        %eq3A_205 = arith.cmpi eq, %div3A_133, %eq3A_204 : vector<16xi32>
        %and3A_206 = arith.andi %and3A, %eq3A_205 : vector<16xi1>
        %all_reduce_population_count3A_207 = tpu.all_reduce %and3A_206 {dim = 0 : i64, kind = #tpu.reduction_kind<sum>} : vector<16xi1> -> vector<16xi32>
        %eq3A_208 = arith.constant 6 : i32
        %eq3A_209 = vector.broadcast %eq3A_208 : i32 to vector<16xi32>
        %eq3A_210 = arith.cmpi eq, %iota3A, %eq3A_209 : vector<16xi32>
        %jit3A_211 = arith.constant 0 : i32
        %broadcast_in_dim3A_212 = vector.broadcast %jit3A_211 : i32 to vector<16xi32>
        %select_n3A_213 = arith.select %eq3A_210, %all_reduce_population_count3A_207, %broadcast_in_dim3A_212 : vector<16xi1>, vector<16xi32>
        %add3A_214 = arith.addi %add3A_202, %select_n3A_213 : vector<16xi32>
        scf.yield %add3A_214 : vector<16xi32>
      }
      %scan3A_118 = arith.constant 64 : i32
      scf.yield %scan3A_117 : vector<16xi32>
    }
    %scan3A_24 = arith.constant 10 : i32
    %broadcast_in_dim3A_25 = arith.constant true
    %broadcast_in_dim3A_26 = vector.broadcast %broadcast_in_dim3A_25 : i1 to vector<16xi1>
    %masked_cumsum3A = tpu.scan <sum>, %scan3A_23 masked %broadcast_in_dim3A_26 : vector<16xi32>, vector<16xi1> -> vector<16xi32>
    %sub3A = arith.subi %masked_cumsum3A, %scan3A_23 : vector<16xi32>
    %slice3A = vector.extract_strided_slice %sub3A {offsets = [0], sizes = [1], strides = [1]} : vector<16xi32> to vector<1xi32>
    %squeeze3A = vector.extract %slice3A[0] : i32 from vector<1xi32>
    %swap3A = arith.constant 0 : i32
    %swap3A_27 = arith.index_cast %swap3A : i32 to index
    %swap3A_28 = memref.load %arg24[%swap3A_27] : memref<16xi32, #tpu.memory_space<smem>>
    memref.store %squeeze3A, %arg24[%swap3A_27] : memref<16xi32, #tpu.memory_space<smem>>
    %slice3A_29 = vector.extract_strided_slice %scan3A_23 {offsets = [0], sizes = [1], strides = [1]} : vector<16xi32> to vector<1xi32>
    %squeeze3A_30 = vector.extract %slice3A_29[0] : i32 from vector<1xi32>
    %swap3A_31 = arith.constant 0 : i32
    %swap3A_32 = arith.index_cast %swap3A_31 : i32 to index
    %swap3A_33 = memref.load %arg25[%swap3A_32] : memref<16xi32, #tpu.memory_space<smem>>
    memref.store %squeeze3A_30, %arg25[%swap3A_32] : memref<16xi32, #tpu.memory_space<smem>>
    %slice3A_34 = vector.extract_strided_slice %sub3A {offsets = [1], sizes = [1], strides = [1]} : vector<16xi32> to vector<1xi32>
    %squeeze3A_35 = vector.extract %slice3A_34[0] : i32 from vector<1xi32>
    %swap3A_36 = arith.constant 1 : i32
    %swap3A_37 = arith.index_cast %swap3A_36 : i32 to index
    %swap3A_38 = memref.load %arg24[%swap3A_37] : memref<16xi32, #tpu.memory_space<smem>>
    memref.store %squeeze3A_35, %arg24[%swap3A_37] : memref<16xi32, #tpu.memory_space<smem>>
    %slice3A_39 = vector.extract_strided_slice %scan3A_23 {offsets = [1], sizes = [1], strides = [1]} : vector<16xi32> to vector<1xi32>
    %squeeze3A_40 = vector.extract %slice3A_39[0] : i32 from vector<1xi32>
    %swap3A_41 = arith.constant 1 : i32
    %swap3A_42 = arith.index_cast %swap3A_41 : i32 to index
    %swap3A_43 = memref.load %arg25[%swap3A_42] : memref<16xi32, #tpu.memory_space<smem>>
    memref.store %squeeze3A_40, %arg25[%swap3A_42] : memref<16xi32, #tpu.memory_space<smem>>
    %slice3A_44 = vector.extract_strided_slice %sub3A {offsets = [2], sizes = [1], strides = [1]} : vector<16xi32> to vector<1xi32>
    %squeeze3A_45 = vector.extract %slice3A_44[0] : i32 from vector<1xi32>
    %swap3A_46 = arith.constant 2 : i32
    %swap3A_47 = arith.index_cast %swap3A_46 : i32 to index
    %swap3A_48 = memref.load %arg24[%swap3A_47] : memref<16xi32, #tpu.memory_space<smem>>
    memref.store %squeeze3A_45, %arg24[%swap3A_47] : memref<16xi32, #tpu.memory_space<smem>>
    %slice3A_49 = vector.extract_strided_slice %scan3A_23 {offsets = [2], sizes = [1], strides = [1]} : vector<16xi32> to vector<1xi32>
    %squeeze3A_50 = vector.extract %slice3A_49[0] : i32 from vector<1xi32>
    %swap3A_51 = arith.constant 2 : i32
    %swap3A_52 = arith.index_cast %swap3A_51 : i32 to index
    %swap3A_53 = memref.load %arg25[%swap3A_52] : memref<16xi32, #tpu.memory_space<smem>>
    memref.store %squeeze3A_50, %arg25[%swap3A_52] : memref<16xi32, #tpu.memory_space<smem>>
    %slice3A_54 = vector.extract_strided_slice %sub3A {offsets = [3], sizes = [1], strides = [1]} : vector<16xi32> to vector<1xi32>
    %squeeze3A_55 = vector.extract %slice3A_54[0] : i32 from vector<1xi32>
    %swap3A_56 = arith.constant 3 : i32
    %swap3A_57 = arith.index_cast %swap3A_56 : i32 to index
    %swap3A_58 = memref.load %arg24[%swap3A_57] : memref<16xi32, #tpu.memory_space<smem>>
    memref.store %squeeze3A_55, %arg24[%swap3A_57] : memref<16xi32, #tpu.memory_space<smem>>
    %slice3A_59 = vector.extract_strided_slice %scan3A_23 {offsets = [3], sizes = [1], strides = [1]} : vector<16xi32> to vector<1xi32>
    %squeeze3A_60 = vector.extract %slice3A_59[0] : i32 from vector<1xi32>
    %swap3A_61 = arith.constant 3 : i32
    %swap3A_62 = arith.index_cast %swap3A_61 : i32 to index
    %swap3A_63 = memref.load %arg25[%swap3A_62] : memref<16xi32, #tpu.memory_space<smem>>
    memref.store %squeeze3A_60, %arg25[%swap3A_62] : memref<16xi32, #tpu.memory_space<smem>>
    %slice3A_64 = vector.extract_strided_slice %sub3A {offsets = [4], sizes = [1], strides = [1]} : vector<16xi32> to vector<1xi32>
    %squeeze3A_65 = vector.extract %slice3A_64[0] : i32 from vector<1xi32>
    %swap3A_66 = arith.constant 4 : i32
    %swap3A_67 = arith.index_cast %swap3A_66 : i32 to index
    %swap3A_68 = memref.load %arg24[%swap3A_67] : memref<16xi32, #tpu.memory_space<smem>>
    memref.store %squeeze3A_65, %arg24[%swap3A_67] : memref<16xi32, #tpu.memory_space<smem>>
    %slice3A_69 = vector.extract_strided_slice %scan3A_23 {offsets = [4], sizes = [1], strides = [1]} : vector<16xi32> to vector<1xi32>
    %squeeze3A_70 = vector.extract %slice3A_69[0] : i32 from vector<1xi32>
    %swap3A_71 = arith.constant 4 : i32
    %swap3A_72 = arith.index_cast %swap3A_71 : i32 to index
    %swap3A_73 = memref.load %arg25[%swap3A_72] : memref<16xi32, #tpu.memory_space<smem>>
    memref.store %squeeze3A_70, %arg25[%swap3A_72] : memref<16xi32, #tpu.memory_space<smem>>
    %slice3A_74 = vector.extract_strided_slice %sub3A {offsets = [5], sizes = [1], strides = [1]} : vector<16xi32> to vector<1xi32>
    %squeeze3A_75 = vector.extract %slice3A_74[0] : i32 from vector<1xi32>
    %swap3A_76 = arith.constant 5 : i32
    %swap3A_77 = arith.index_cast %swap3A_76 : i32 to index
    %swap3A_78 = memref.load %arg24[%swap3A_77] : memref<16xi32, #tpu.memory_space<smem>>
    memref.store %squeeze3A_75, %arg24[%swap3A_77] : memref<16xi32, #tpu.memory_space<smem>>
    %slice3A_79 = vector.extract_strided_slice %scan3A_23 {offsets = [5], sizes = [1], strides = [1]} : vector<16xi32> to vector<1xi32>
    %squeeze3A_80 = vector.extract %slice3A_79[0] : i32 from vector<1xi32>
    %swap3A_81 = arith.constant 5 : i32
    %swap3A_82 = arith.index_cast %swap3A_81 : i32 to index
    %swap3A_83 = memref.load %arg25[%swap3A_82] : memref<16xi32, #tpu.memory_space<smem>>
    memref.store %squeeze3A_80, %arg25[%swap3A_82] : memref<16xi32, #tpu.memory_space<smem>>
    %slice3A_84 = vector.extract_strided_slice %sub3A {offsets = [6], sizes = [1], strides = [1]} : vector<16xi32> to vector<1xi32>
    %squeeze3A_85 = vector.extract %slice3A_84[0] : i32 from vector<1xi32>
    %swap3A_86 = arith.constant 6 : i32
    %swap3A_87 = arith.index_cast %swap3A_86 : i32 to index
    %swap3A_88 = memref.load %arg24[%swap3A_87] : memref<16xi32, #tpu.memory_space<smem>>
    memref.store %squeeze3A_85, %arg24[%swap3A_87] : memref<16xi32, #tpu.memory_space<smem>>
    %slice3A_89 = vector.extract_strided_slice %scan3A_23 {offsets = [6], sizes = [1], strides = [1]} : vector<16xi32> to vector<1xi32>
    %squeeze3A_90 = vector.extract %slice3A_89[0] : i32 from vector<1xi32>
    %swap3A_91 = arith.constant 6 : i32
    %swap3A_92 = arith.index_cast %swap3A_91 : i32 to index
    %swap3A_93 = memref.load %arg25[%swap3A_92] : memref<16xi32, #tpu.memory_space<smem>>
    memref.store %squeeze3A_90, %arg25[%swap3A_92] : memref<16xi32, #tpu.memory_space<smem>>
    %scan3A_94 = arith.constant 0 : i32
    %scan3A_95 = arith.constant 10 : i32
    %scan3A_96 = arith.addi %scan3A_94, %scan3A_95 : i32
    %scan3A_97 = arith.constant 1 : i32
    %scan3A_98 = scf.for %scan3A_107 = %scan3A_94 to %scan3A_96 step %scan3A_97 iter_args(%scan3A_108 = %sub3A) -> (vector<16xi32>)  : i32 {
      %mul3A_109 = arith.constant 10240 : i32
      %mul3A_110 = arith.muli %arg1, %mul3A_109 : i32
      %mul3A_111 = arith.constant 1024 : i32
      %mul3A_112 = arith.muli %scan3A_107, %mul3A_111 : i32
      %add3A = arith.addi %mul3A_110, %mul3A_112 : i32
      %dma_start3A = tpu.memref_slice %arg4[%add3A] : memref<163840xi32, #tpu.memory_space<hbm>> -> memref<1024xi32, #tpu.memory_space<hbm>>
      %dma_start3A_113 = tpu.memref_slice %arg4[%add3A] : memref<163840xi32, #tpu.memory_space<hbm>> -> memref<1024xi32, #tpu.memory_space<hbm>>
      tpu.enqueue_dma source(%dma_start3A_113 : memref<1024xi32, #tpu.memory_space<hbm>>) target(%arg10 : memref<1024xi32, #tpu.memory_space<vmem>>) target_semaphore(%arg28 : memref<!tpu.dma_semaphore, #tpu.memory_space<semaphore_mem>>)
      %dma_start3A_114 = tpu.memref_slice %arg5[%add3A] : memref<163840xi32, #tpu.memory_space<hbm>> -> memref<1024xi32, #tpu.memory_space<hbm>>
      %dma_start3A_115 = tpu.memref_slice %arg5[%add3A] : memref<163840xi32, #tpu.memory_space<hbm>> -> memref<1024xi32, #tpu.memory_space<hbm>>
      tpu.enqueue_dma source(%dma_start3A_115 : memref<1024xi32, #tpu.memory_space<hbm>>) target(%arg11 : memref<1024xi32, #tpu.memory_space<vmem>>) target_semaphore(%arg28 : memref<!tpu.dma_semaphore, #tpu.memory_space<semaphore_mem>>)
      %dma_start3A_116 = tpu.memref_slice %arg6[%add3A] : memref<163840xi32, #tpu.memory_space<hbm>> -> memref<1024xi32, #tpu.memory_space<hbm>>
      %dma_start3A_117 = tpu.memref_slice %arg6[%add3A] : memref<163840xi32, #tpu.memory_space<hbm>> -> memref<1024xi32, #tpu.memory_space<hbm>>
      tpu.enqueue_dma source(%dma_start3A_117 : memref<1024xi32, #tpu.memory_space<hbm>>) target(%arg12 : memref<1024xi32, #tpu.memory_space<vmem>>) target_semaphore(%arg28 : memref<!tpu.dma_semaphore, #tpu.memory_space<semaphore_mem>>)
      %dma_wait3A = tpu.memref_slice %arg4[%add3A] : memref<163840xi32, #tpu.memory_space<hbm>> -> memref<1024xi32, #tpu.memory_space<hbm>>
      %dma_wait3A_118 = tpu.memref_slice %arg4[%add3A] : memref<163840xi32, #tpu.memory_space<hbm>> -> memref<1024xi32, #tpu.memory_space<hbm>>
      tpu.wait_dma2 semaphore(%arg28 : memref<!tpu.dma_semaphore, #tpu.memory_space<semaphore_mem>>) src(%dma_wait3A_118 : memref<1024xi32, #tpu.memory_space<hbm>>) dst(%arg10 : memref<1024xi32, #tpu.memory_space<vmem>>)
      %dma_wait3A_119 = tpu.memref_slice %arg5[%add3A] : memref<163840xi32, #tpu.memory_space<hbm>> -> memref<1024xi32, #tpu.memory_space<hbm>>
      %dma_wait3A_120 = tpu.memref_slice %arg5[%add3A] : memref<163840xi32, #tpu.memory_space<hbm>> -> memref<1024xi32, #tpu.memory_space<hbm>>
      tpu.wait_dma2 semaphore(%arg28 : memref<!tpu.dma_semaphore, #tpu.memory_space<semaphore_mem>>) src(%dma_wait3A_120 : memref<1024xi32, #tpu.memory_space<hbm>>) dst(%arg11 : memref<1024xi32, #tpu.memory_space<vmem>>)
      %dma_wait3A_121 = tpu.memref_slice %arg6[%add3A] : memref<163840xi32, #tpu.memory_space<hbm>> -> memref<1024xi32, #tpu.memory_space<hbm>>
      %dma_wait3A_122 = tpu.memref_slice %arg6[%add3A] : memref<163840xi32, #tpu.memory_space<hbm>> -> memref<1024xi32, #tpu.memory_space<hbm>>
      tpu.wait_dma2 semaphore(%arg28 : memref<!tpu.dma_semaphore, #tpu.memory_space<semaphore_mem>>) src(%dma_wait3A_122 : memref<1024xi32, #tpu.memory_space<hbm>>) dst(%arg12 : memref<1024xi32, #tpu.memory_space<vmem>>)
      %scan3A_123 = arith.constant 0 : i32
      %scan3A_124 = arith.constant 64 : i32
      %scan3A_125 = arith.addi %scan3A_123, %scan3A_124 : i32
      %scan3A_126 = arith.constant 1 : i32
      %scan3A_127 = scf.for %scan3A_129 = %scan3A_123 to %scan3A_125 step %scan3A_126 iter_args(%scan3A_130 = %scan3A_108) -> (vector<16xi32>)  : i32 {
        %mul3A_131 = arith.constant 16 : i32
        %mul3A_132 = arith.muli %scan3A_129, %mul3A_131 : i32
        %get3A = arith.index_cast %mul3A_132 : i32 to index
        %get3A_133 = tpu.vector_load %arg11[%get3A] {strides = array<i32>} : memref<1024xi32, #tpu.memory_space<vmem>>, vector<16xi32>,
        %mul3A_134 = arith.constant 16 : i32
        %mul3A_135 = arith.muli %scan3A_129, %mul3A_134 : i32
        %get3A_136 = arith.index_cast %mul3A_135 : i32 to index
        %get3A_137 = tpu.vector_load %arg12[%get3A_136] {strides = array<i32>} : memref<1024xi32, #tpu.memory_space<vmem>>, vector<16xi32>,
        %mul3A_138 = arith.constant 16 : i32
        %mul3A_139 = arith.muli %scan3A_129, %mul3A_138 : i32
        %get3A_140 = arith.index_cast %mul3A_139 : i32 to index
        %get3A_141 = tpu.vector_load %arg10[%get3A_140] {strides = array<i32>} : memref<1024xi32, #tpu.memory_space<vmem>>, vector<16xi32>,
        %gather3A = tpu.vector_load_idx %arg9[%get3A_141] : memref<10000xi32, #tpu.memory_space<vmem>>[vector<16xi32>], vector<16xi32>,
        %mul3A_142 = arith.constant 64 : i32
        %mul3A_143 = vector.broadcast %mul3A_142 : i32 to vector<16xi32>
        %mul3A_144 = arith.muli %get3A_133, %mul3A_143 : vector<16xi32>
        %add3A_145 = arith.addi %mul3A_144, %get3A_137 : vector<16xi32>
        %ge3A = arith.constant 0 : i32
        %ge3A_146 = vector.broadcast %ge3A : i32 to vector<16xi32>
        %ge3A_147 = arith.cmpi sge, %get3A_133, %ge3A_146 : vector<16xi32>
        %div3A = arith.constant 768 : i32
        %div3A_148 = vector.broadcast %div3A : i32 to vector<16xi32>
        %div3A_149 = arith.divsi %get3A_133, %div3A_148 : vector<16xi32>
        %rem3A = arith.constant 2 : i32
        %rem3A_150 = vector.broadcast %rem3A : i32 to vector<16xi32>
        %rem3A_151 = arith.remsi %div3A_149, %rem3A_150 : vector<16xi32>
        %eq3A = vector.broadcast %arg0 : i32 to vector<16xi32>
        %eq3A_152 = arith.cmpi eq, %rem3A_151, %eq3A : vector<16xi32>
        %and3A = arith.andi %ge3A_147, %eq3A_152 : vector<16xi1>
        %div3A_153 = arith.constant 1536 : i32
        %div3A_154 = vector.broadcast %div3A_153 : i32 to vector<16xi32>
        %div3A_155 = arith.divsi %get3A_133, %div3A_154 : vector<16xi32>
        %eq3A_156 = arith.constant 0 : i32
        %eq3A_157 = vector.broadcast %eq3A_156 : i32 to vector<16xi32>
        %eq3A_158 = arith.cmpi eq, %div3A_155, %eq3A_157 : vector<16xi32>
        %and3A_159 = arith.andi %and3A, %eq3A_158 : vector<16xi1>
        %slice3A_160 = vector.extract_strided_slice %scan3A_130 {offsets = [0], sizes = [1], strides = [1]} : vector<16xi32> to vector<1xi32>
        %squeeze3A_161 = vector.extract %slice3A_160[0] : i32 from vector<1xi32>
        %swap3A_162 = arith.index_cast %squeeze3A_161 : i32 to index
        %swap3A_163 = tpu.vector_load %arg13[%swap3A_162] masked %and3A_159 {strides = array<i32>} : memref<10304xi32, #tpu.memory_space<vmem>>, vector<16xi32>, vector<16xi1>
        tpu.vector_store %arg13[%swap3A_162], %add3A_145 masked %and3A_159 {strides = array<i32>} : memref<10304xi32, #tpu.memory_space<vmem>>, vector<16xi32>, vector<16xi1>
        %swap3A_164 = arith.index_cast %squeeze3A_161 : i32 to index
        %swap3A_165 = tpu.vector_load %arg14[%swap3A_164] masked %and3A_159 {strides = array<i32>} : memref<10304xi32, #tpu.memory_space<vmem>>, vector<16xi32>, vector<16xi1>
        tpu.vector_store %arg14[%swap3A_164], %gather3A masked %and3A_159 {strides = array<i32>} : memref<10304xi32, #tpu.memory_space<vmem>>, vector<16xi32>, vector<16xi1>
        %all_reduce_population_count3A = tpu.all_reduce %and3A_159 {dim = 0 : i64, kind = #tpu.reduction_kind<sum>} : vector<16xi1> -> vector<16xi32>
        %eq3A_166 = arith.constant 0 : i32
        %eq3A_167 = vector.broadcast %eq3A_166 : i32 to vector<16xi32>
        %eq3A_168 = arith.cmpi eq, %iota3A, %eq3A_167 : vector<16xi32>
        %jit3A = arith.constant 0 : i32
        %broadcast_in_dim3A_169 = vector.broadcast %jit3A : i32 to vector<16xi32>
        %select_n3A = arith.select %eq3A_168, %all_reduce_population_count3A, %broadcast_in_dim3A_169 : vector<16xi1>, vector<16xi32>
        %add3A_170 = arith.addi %scan3A_130, %select_n3A : vector<16xi32>
        %eq3A_171 = arith.constant 1 : i32
        %eq3A_172 = vector.broadcast %eq3A_171 : i32 to vector<16xi32>
        %eq3A_173 = arith.cmpi eq, %div3A_155, %eq3A_172 : vector<16xi32>
        %and3A_174 = arith.andi %and3A, %eq3A_173 : vector<16xi1>
        %slice3A_175 = vector.extract_strided_slice %add3A_170 {offsets = [1], sizes = [1], strides = [1]} : vector<16xi32> to vector<1xi32>
        %squeeze3A_176 = vector.extract %slice3A_175[0] : i32 from vector<1xi32>
        %swap3A_177 = arith.index_cast %squeeze3A_176 : i32 to index
        %swap3A_178 = tpu.vector_load %arg13[%swap3A_177] masked %and3A_174 {strides = array<i32>} : memref<10304xi32, #tpu.memory_space<vmem>>, vector<16xi32>, vector<16xi1>
        tpu.vector_store %arg13[%swap3A_177], %add3A_145 masked %and3A_174 {strides = array<i32>} : memref<10304xi32, #tpu.memory_space<vmem>>, vector<16xi32>, vector<16xi1>
        %swap3A_179 = arith.index_cast %squeeze3A_176 : i32 to index
        %swap3A_180 = tpu.vector_load %arg14[%swap3A_179] masked %and3A_174 {strides = array<i32>} : memref<10304xi32, #tpu.memory_space<vmem>>, vector<16xi32>, vector<16xi1>
        tpu.vector_store %arg14[%swap3A_179], %gather3A masked %and3A_174 {strides = array<i32>} : memref<10304xi32, #tpu.memory_space<vmem>>, vector<16xi32>, vector<16xi1>
        %all_reduce_population_count3A_181 = tpu.all_reduce %and3A_174 {dim = 0 : i64, kind = #tpu.reduction_kind<sum>} : vector<16xi1> -> vector<16xi32>
        %eq3A_182 = arith.constant 1 : i32
        %eq3A_183 = vector.broadcast %eq3A_182 : i32 to vector<16xi32>
        %eq3A_184 = arith.cmpi eq, %iota3A, %eq3A_183 : vector<16xi32>
        %jit3A_185 = arith.constant 0 : i32
        %broadcast_in_dim3A_186 = vector.broadcast %jit3A_185 : i32 to vector<16xi32>
        %select_n3A_187 = arith.select %eq3A_184, %all_reduce_population_count3A_181, %broadcast_in_dim3A_186 : vector<16xi1>, vector<16xi32>
        %add3A_188 = arith.addi %add3A_170, %select_n3A_187 : vector<16xi32>
        %eq3A_189 = arith.constant 2 : i32
        %eq3A_190 = vector.broadcast %eq3A_189 : i32 to vector<16xi32>
        %eq3A_191 = arith.cmpi eq, %div3A_155, %eq3A_190 : vector<16xi32>
        %and3A_192 = arith.andi %and3A, %eq3A_191 : vector<16xi1>
        %slice3A_193 = vector.extract_strided_slice %add3A_188 {offsets = [2], sizes = [1], strides = [1]} : vector<16xi32> to vector<1xi32>
        %squeeze3A_194 = vector.extract %slice3A_193[0] : i32 from vector<1xi32>
        %swap3A_195 = arith.index_cast %squeeze3A_194 : i32 to index
        %swap3A_196 = tpu.vector_load %arg13[%swap3A_195] masked %and3A_192 {strides = array<i32>} : memref<10304xi32, #tpu.memory_space<vmem>>, vector<16xi32>, vector<16xi1>
        tpu.vector_store %arg13[%swap3A_195], %add3A_145 masked %and3A_192 {strides = array<i32>} : memref<10304xi32, #tpu.memory_space<vmem>>, vector<16xi32>, vector<16xi1>
        %swap3A_197 = arith.index_cast %squeeze3A_194 : i32 to index
        %swap3A_198 = tpu.vector_load %arg14[%swap3A_197] masked %and3A_192 {strides = array<i32>} : memref<10304xi32, #tpu.memory_space<vmem>>, vector<16xi32>, vector<16xi1>
        tpu.vector_store %arg14[%swap3A_197], %gather3A masked %and3A_192 {strides = array<i32>} : memref<10304xi32, #tpu.memory_space<vmem>>, vector<16xi32>, vector<16xi1>
        %all_reduce_population_count3A_199 = tpu.all_reduce %and3A_192 {dim = 0 : i64, kind = #tpu.reduction_kind<sum>} : vector<16xi1> -> vector<16xi32>
        %eq3A_200 = arith.constant 2 : i32
        %eq3A_201 = vector.broadcast %eq3A_200 : i32 to vector<16xi32>
        %eq3A_202 = arith.cmpi eq, %iota3A, %eq3A_201 : vector<16xi32>
        %jit3A_203 = arith.constant 0 : i32
        %broadcast_in_dim3A_204 = vector.broadcast %jit3A_203 : i32 to vector<16xi32>
        %select_n3A_205 = arith.select %eq3A_202, %all_reduce_population_count3A_199, %broadcast_in_dim3A_204 : vector<16xi1>, vector<16xi32>
        %add3A_206 = arith.addi %add3A_188, %select_n3A_205 : vector<16xi32>
        %eq3A_207 = arith.constant 3 : i32
        %eq3A_208 = vector.broadcast %eq3A_207 : i32 to vector<16xi32>
        %eq3A_209 = arith.cmpi eq, %div3A_155, %eq3A_208 : vector<16xi32>
        %and3A_210 = arith.andi %and3A, %eq3A_209 : vector<16xi1>
        %slice3A_211 = vector.extract_strided_slice %add3A_206 {offsets = [3], sizes = [1], strides = [1]} : vector<16xi32> to vector<1xi32>
        %squeeze3A_212 = vector.extract %slice3A_211[0] : i32 from vector<1xi32>
        %swap3A_213 = arith.index_cast %squeeze3A_212 : i32 to index
        %swap3A_214 = tpu.vector_load %arg13[%swap3A_213] masked %and3A_210 {strides = array<i32>} : memref<10304xi32, #tpu.memory_space<vmem>>, vector<16xi32>, vector<16xi1>
        tpu.vector_store %arg13[%swap3A_213], %add3A_145 masked %and3A_210 {strides = array<i32>} : memref<10304xi32, #tpu.memory_space<vmem>>, vector<16xi32>, vector<16xi1>
        %swap3A_215 = arith.index_cast %squeeze3A_212 : i32 to index
        %swap3A_216 = tpu.vector_load %arg14[%swap3A_215] masked %and3A_210 {strides = array<i32>} : memref<10304xi32, #tpu.memory_space<vmem>>, vector<16xi32>, vector<16xi1>
        tpu.vector_store %arg14[%swap3A_215], %gather3A masked %and3A_210 {strides = array<i32>} : memref<10304xi32, #tpu.memory_space<vmem>>, vector<16xi32>, vector<16xi1>
        %all_reduce_population_count3A_217 = tpu.all_reduce %and3A_210 {dim = 0 : i64, kind = #tpu.reduction_kind<sum>} : vector<16xi1> -> vector<16xi32>
        %eq3A_218 = arith.constant 3 : i32
        %eq3A_219 = vector.broadcast %eq3A_218 : i32 to vector<16xi32>
        %eq3A_220 = arith.cmpi eq, %iota3A, %eq3A_219 : vector<16xi32>
        %jit3A_221 = arith.constant 0 : i32
        %broadcast_in_dim3A_222 = vector.broadcast %jit3A_221 : i32 to vector<16xi32>
        %select_n3A_223 = arith.select %eq3A_220, %all_reduce_population_count3A_217, %broadcast_in_dim3A_222 : vector<16xi1>, vector<16xi32>
        %add3A_224 = arith.addi %add3A_206, %select_n3A_223 : vector<16xi32>
        %eq3A_225 = arith.constant 4 : i32
        %eq3A_226 = vector.broadcast %eq3A_225 : i32 to vector<16xi32>
        %eq3A_227 = arith.cmpi eq, %div3A_155, %eq3A_226 : vector<16xi32>
        %and3A_228 = arith.andi %and3A, %eq3A_227 : vector<16xi1>
        %slice3A_229 = vector.extract_strided_slice %add3A_224 {offsets = [4], sizes = [1], strides = [1]} : vector<16xi32> to vector<1xi32>
        %squeeze3A_230 = vector.extract %slice3A_229[0] : i32 from vector<1xi32>
        %swap3A_231 = arith.index_cast %squeeze3A_230 : i32 to index
        %swap3A_232 = tpu.vector_load %arg13[%swap3A_231] masked %and3A_228 {strides = array<i32>} : memref<10304xi32, #tpu.memory_space<vmem>>, vector<16xi32>, vector<16xi1>
        tpu.vector_store %arg13[%swap3A_231], %add3A_145 masked %and3A_228 {strides = array<i32>} : memref<10304xi32, #tpu.memory_space<vmem>>, vector<16xi32>, vector<16xi1>
        %swap3A_233 = arith.index_cast %squeeze3A_230 : i32 to index
        %swap3A_234 = tpu.vector_load %arg14[%swap3A_233] masked %and3A_228 {strides = array<i32>} : memref<10304xi32, #tpu.memory_space<vmem>>, vector<16xi32>, vector<16xi1>
        tpu.vector_store %arg14[%swap3A_233], %gather3A masked %and3A_228 {strides = array<i32>} : memref<10304xi32, #tpu.memory_space<vmem>>, vector<16xi32>, vector<16xi1>
        %all_reduce_population_count3A_235 = tpu.all_reduce %and3A_228 {dim = 0 : i64, kind = #tpu.reduction_kind<sum>} : vector<16xi1> -> vector<16xi32>
        %eq3A_236 = arith.constant 4 : i32
        %eq3A_237 = vector.broadcast %eq3A_236 : i32 to vector<16xi32>
        %eq3A_238 = arith.cmpi eq, %iota3A, %eq3A_237 : vector<16xi32>
        %jit3A_239 = arith.constant 0 : i32
        %broadcast_in_dim3A_240 = vector.broadcast %jit3A_239 : i32 to vector<16xi32>
        %select_n3A_241 = arith.select %eq3A_238, %all_reduce_population_count3A_235, %broadcast_in_dim3A_240 : vector<16xi1>, vector<16xi32>
        %add3A_242 = arith.addi %add3A_224, %select_n3A_241 : vector<16xi32>
        %eq3A_243 = arith.constant 5 : i32
        %eq3A_244 = vector.broadcast %eq3A_243 : i32 to vector<16xi32>
        %eq3A_245 = arith.cmpi eq, %div3A_155, %eq3A_244 : vector<16xi32>
        %and3A_246 = arith.andi %and3A, %eq3A_245 : vector<16xi1>
        %slice3A_247 = vector.extract_strided_slice %add3A_242 {offsets = [5], sizes = [1], strides = [1]} : vector<16xi32> to vector<1xi32>
        %squeeze3A_248 = vector.extract %slice3A_247[0] : i32 from vector<1xi32>
        %swap3A_249 = arith.index_cast %squeeze3A_248 : i32 to index
        %swap3A_250 = tpu.vector_load %arg13[%swap3A_249] masked %and3A_246 {strides = array<i32>} : memref<10304xi32, #tpu.memory_space<vmem>>, vector<16xi32>, vector<16xi1>
        tpu.vector_store %arg13[%swap3A_249], %add3A_145 masked %and3A_246 {strides = array<i32>} : memref<10304xi32, #tpu.memory_space<vmem>>, vector<16xi32>, vector<16xi1>
        %swap3A_251 = arith.index_cast %squeeze3A_248 : i32 to index
        %swap3A_252 = tpu.vector_load %arg14[%swap3A_251] masked %and3A_246 {strides = array<i32>} : memref<10304xi32, #tpu.memory_space<vmem>>, vector<16xi32>, vector<16xi1>
        tpu.vector_store %arg14[%swap3A_251], %gather3A masked %and3A_246 {strides = array<i32>} : memref<10304xi32, #tpu.memory_space<vmem>>, vector<16xi32>, vector<16xi1>
        %all_reduce_population_count3A_253 = tpu.all_reduce %and3A_246 {dim = 0 : i64, kind = #tpu.reduction_kind<sum>} : vector<16xi1> -> vector<16xi32>
        %eq3A_254 = arith.constant 5 : i32
        %eq3A_255 = vector.broadcast %eq3A_254 : i32 to vector<16xi32>
        %eq3A_256 = arith.cmpi eq, %iota3A, %eq3A_255 : vector<16xi32>
        %jit3A_257 = arith.constant 0 : i32
        %broadcast_in_dim3A_258 = vector.broadcast %jit3A_257 : i32 to vector<16xi32>
        %select_n3A_259 = arith.select %eq3A_256, %all_reduce_population_count3A_253, %broadcast_in_dim3A_258 : vector<16xi1>, vector<16xi32>
        %add3A_260 = arith.addi %add3A_242, %select_n3A_259 : vector<16xi32>
        %eq3A_261 = arith.constant 6 : i32
        %eq3A_262 = vector.broadcast %eq3A_261 : i32 to vector<16xi32>
        %eq3A_263 = arith.cmpi eq, %div3A_155, %eq3A_262 : vector<16xi32>
        %and3A_264 = arith.andi %and3A, %eq3A_263 : vector<16xi1>
        %slice3A_265 = vector.extract_strided_slice %add3A_260 {offsets = [6], sizes = [1], strides = [1]} : vector<16xi32> to vector<1xi32>
        %squeeze3A_266 = vector.extract %slice3A_265[0] : i32 from vector<1xi32>
        %swap3A_267 = arith.index_cast %squeeze3A_266 : i32 to index
        %swap3A_268 = tpu.vector_load %arg13[%swap3A_267] masked %and3A_264 {strides = array<i32>} : memref<10304xi32, #tpu.memory_space<vmem>>, vector<16xi32>, vector<16xi1>
        tpu.vector_store %arg13[%swap3A_267], %add3A_145 masked %and3A_264 {strides = array<i32>} : memref<10304xi32, #tpu.memory_space<vmem>>, vector<16xi32>, vector<16xi1>
        %swap3A_269 = arith.index_cast %squeeze3A_266 : i32 to index
        %swap3A_270 = tpu.vector_load %arg14[%swap3A_269] masked %and3A_264 {strides = array<i32>} : memref<10304xi32, #tpu.memory_space<vmem>>, vector<16xi32>, vector<16xi1>
        tpu.vector_store %arg14[%swap3A_269], %gather3A masked %and3A_264 {strides = array<i32>} : memref<10304xi32, #tpu.memory_space<vmem>>, vector<16xi32>, vector<16xi1>
        %all_reduce_population_count3A_271 = tpu.all_reduce %and3A_264 {dim = 0 : i64, kind = #tpu.reduction_kind<sum>} : vector<16xi1> -> vector<16xi32>
        %eq3A_272 = arith.constant 6 : i32
        %eq3A_273 = vector.broadcast %eq3A_272 : i32 to vector<16xi32>
        %eq3A_274 = arith.cmpi eq, %iota3A, %eq3A_273 : vector<16xi32>
        %jit3A_275 = arith.constant 0 : i32
        %broadcast_in_dim3A_276 = vector.broadcast %jit3A_275 : i32 to vector<16xi32>
        %select_n3A_277 = arith.select %eq3A_274, %all_reduce_population_count3A_271, %broadcast_in_dim3A_276 : vector<16xi1>, vector<16xi32>
        %add3A_278 = arith.addi %add3A_260, %select_n3A_277 : vector<16xi32>
        scf.yield %add3A_278 : vector<16xi32>
      }
      %scan3A_128 = arith.constant 64 : i32
      scf.yield %scan3A_127 : vector<16xi32>
    }
    %scan3A_99 = arith.constant 10 : i32
    %scan3A_100 = arith.constant 0 : i32
    %scan3A_101 = arith.constant 0 : i32
    %scan3A_102 = arith.constant 7 : i32
    %scan3A_103 = arith.addi %scan3A_101, %scan3A_102 : i32
    %scan3A_104 = arith.constant 1 : i32
    %scan3A_105 = scf.for %scan3A_107 = %scan3A_101 to %scan3A_103 step %scan3A_104 iter_args(%scan3A_108 = %scan3A_100) -> (i32)  : i32 {
      %mul3A_109 = arith.constant 1536 : i32
      %mul3A_110 = arith.muli %scan3A_107, %mul3A_109 : i32
      %mul3A_111 = arith.constant 768 : i32
      %mul3A_112 = arith.muli %arg0, %mul3A_111 : i32
      %add3A = arith.addi %mul3A_110, %mul3A_112 : i32
      %mul3A_113 = arith.constant 96 : i32
      %mul3A_114 = arith.muli %arg1, %mul3A_113 : i32
      %add3A_115 = arith.constant 0 : i32
      %add3A_116 = arith.addi %mul3A_114, %add3A_115 : i32
      "tpu.region"() ({
        %run_scoped3A = tpu.sem_alloc : memref<!tpu.dma_semaphore, #tpu.memory_space<semaphore_mem>>
        %dma_start3A = arith.constant 0 : i32
        %dma_start3A_226 = tpu.memref_slice %arg20[%add3A_116, %dma_start3A] : memref<1552x256xf32, #tpu.memory_space<vmem_shared>> -> memref<32x256xf32, #tpu.memory_space<vmem_shared>>
        tpu.enqueue_dma source(%arg22 : memref<32x256xf32, #tpu.memory_space<vmem_shared>>) target(%dma_start3A_226 : memref<32x256xf32, #tpu.memory_space<vmem_shared>>) target_semaphore(%run_scoped3A : memref<!tpu.dma_semaphore, #tpu.memory_space<semaphore_mem>>)
        %dma_wait3A = arith.constant 0 : i32
        %dma_wait3A_227 = tpu.memref_slice %arg20[%add3A_116, %dma_wait3A] : memref<1552x256xf32, #tpu.memory_space<vmem_shared>> -> memref<32x256xf32, #tpu.memory_space<vmem_shared>>
        tpu.wait_dma2 semaphore(%run_scoped3A : memref<!tpu.dma_semaphore, #tpu.memory_space<semaphore_mem>>) src(%arg22 : memref<32x256xf32, #tpu.memory_space<vmem_shared>>) dst(%dma_wait3A_227 : memref<32x256xf32, #tpu.memory_space<vmem_shared>>)
        tpu.yield
      }) : () -> ()
      %add3A_117 = arith.constant 32 : i32
      %add3A_118 = arith.addi %mul3A_114, %add3A_117 : i32
      "tpu.region"() ({
        %run_scoped3A = tpu.sem_alloc : memref<!tpu.dma_semaphore, #tpu.memory_space<semaphore_mem>>
        %dma_start3A = arith.constant 0 : i32
        %dma_start3A_226 = tpu.memref_slice %arg20[%add3A_118, %dma_start3A] : memref<1552x256xf32, #tpu.memory_space<vmem_shared>> -> memref<32x256xf32, #tpu.memory_space<vmem_shared>>
        tpu.enqueue_dma source(%arg22 : memref<32x256xf32, #tpu.memory_space<vmem_shared>>) target(%dma_start3A_226 : memref<32x256xf32, #tpu.memory_space<vmem_shared>>) target_semaphore(%run_scoped3A : memref<!tpu.dma_semaphore, #tpu.memory_space<semaphore_mem>>)
        %dma_wait3A = arith.constant 0 : i32
        %dma_wait3A_227 = tpu.memref_slice %arg20[%add3A_118, %dma_wait3A] : memref<1552x256xf32, #tpu.memory_space<vmem_shared>> -> memref<32x256xf32, #tpu.memory_space<vmem_shared>>
        tpu.wait_dma2 semaphore(%run_scoped3A : memref<!tpu.dma_semaphore, #tpu.memory_space<semaphore_mem>>) src(%arg22 : memref<32x256xf32, #tpu.memory_space<vmem_shared>>) dst(%dma_wait3A_227 : memref<32x256xf32, #tpu.memory_space<vmem_shared>>)
        tpu.yield
      }) : () -> ()
      %add3A_119 = arith.constant 64 : i32
      %add3A_120 = arith.addi %mul3A_114, %add3A_119 : i32
      "tpu.region"() ({
        %run_scoped3A = tpu.sem_alloc : memref<!tpu.dma_semaphore, #tpu.memory_space<semaphore_mem>>
        %dma_start3A = arith.constant 0 : i32
        %dma_start3A_226 = tpu.memref_slice %arg20[%add3A_120, %dma_start3A] : memref<1552x256xf32, #tpu.memory_space<vmem_shared>> -> memref<32x256xf32, #tpu.memory_space<vmem_shared>>
        tpu.enqueue_dma source(%arg22 : memref<32x256xf32, #tpu.memory_space<vmem_shared>>) target(%dma_start3A_226 : memref<32x256xf32, #tpu.memory_space<vmem_shared>>) target_semaphore(%run_scoped3A : memref<!tpu.dma_semaphore, #tpu.memory_space<semaphore_mem>>)
        %dma_wait3A = arith.constant 0 : i32
        %dma_wait3A_227 = tpu.memref_slice %arg20[%add3A_120, %dma_wait3A] : memref<1552x256xf32, #tpu.memory_space<vmem_shared>> -> memref<32x256xf32, #tpu.memory_space<vmem_shared>>
        tpu.wait_dma2 semaphore(%run_scoped3A : memref<!tpu.dma_semaphore, #tpu.memory_space<semaphore_mem>>) src(%arg22 : memref<32x256xf32, #tpu.memory_space<vmem_shared>>) dst(%dma_wait3A_227 : memref<32x256xf32, #tpu.memory_space<vmem_shared>>)
        tpu.yield
      }) : () -> ()
      %eq3A = arith.constant 0 : i32
      %eq3A_121 = arith.cmpi eq, %arg1, %eq3A : i32
      %convert_element_type3A_122 = arith.extui %eq3A_121 : i1 to i32
      %cond3A_123 = arith.constant 0 : i32
      %cond3A_124 = arith.cmpi ne, %convert_element_type3A_122, %cond3A_123 : i32
      scf.if %cond3A_124 {
        "tpu.region"() ({
          %run_scoped3A = tpu.sem_alloc : memref<!tpu.dma_semaphore, #tpu.memory_space<semaphore_mem>>
          %dma_start3A = arith.constant 1536 : i32
          %dma_start3A_226 = arith.constant 0 : i32
          %dma_start3A_227 = tpu.memref_slice %arg20[%dma_start3A, %dma_start3A_226] : memref<1552x256xf32, #tpu.memory_space<vmem_shared>> -> memref<16x256xf32, #tpu.memory_space<vmem_shared>>
          %dma_start3A_228 = arith.constant 0 : i32
          %dma_start3A_229 = arith.constant 0 : i32
          %dma_start3A_230 = tpu.memref_slice %arg22[%dma_start3A_228, %dma_start3A_229] : memref<32x256xf32, #tpu.memory_space<vmem_shared>> -> memref<16x256xf32, #tpu.memory_space<vmem_shared>>
          tpu.enqueue_dma source(%dma_start3A_230 : memref<16x256xf32, #tpu.memory_space<vmem_shared>>) target(%dma_start3A_227 : memref<16x256xf32, #tpu.memory_space<vmem_shared>>) target_semaphore(%run_scoped3A : memref<!tpu.dma_semaphore, #tpu.memory_space<semaphore_mem>>)
          %dma_wait3A = arith.constant 1536 : i32
          %dma_wait3A_231 = arith.constant 0 : i32
          %dma_wait3A_232 = tpu.memref_slice %arg20[%dma_wait3A, %dma_wait3A_231] : memref<1552x256xf32, #tpu.memory_space<vmem_shared>> -> memref<16x256xf32, #tpu.memory_space<vmem_shared>>
          %dma_wait3A_233 = arith.constant 0 : i32
          %dma_wait3A_234 = arith.constant 0 : i32
          %dma_wait3A_235 = tpu.memref_slice %arg22[%dma_wait3A_233, %dma_wait3A_234] : memref<32x256xf32, #tpu.memory_space<vmem_shared>> -> memref<16x256xf32, #tpu.memory_space<vmem_shared>>
          tpu.wait_dma2 semaphore(%run_scoped3A : memref<!tpu.dma_semaphore, #tpu.memory_space<semaphore_mem>>) src(%dma_wait3A_235 : memref<16x256xf32, #tpu.memory_space<vmem_shared>>) dst(%dma_wait3A_232 : memref<16x256xf32, #tpu.memory_space<vmem_shared>>)
          tpu.yield
        }) : () -> ()
      } else {
      }
      %mul3A_125 = arith.constant 24 : i32
      %mul3A_126 = arith.muli %arg1, %mul3A_125 : i32
      "tpu.region"() ({
        %run_scoped3A = tpu.sem_alloc : memref<!tpu.dma_semaphore, #tpu.memory_space<semaphore_mem>>
        %dma_start3A = arith.constant 0 : i32
        %dma_start3A_226 = tpu.memref_slice %arg21[%mul3A_126, %dma_start3A] : memref<384x128xi32, #tpu.memory_space<vmem_shared>> -> memref<24x128xi32, #tpu.memory_space<vmem_shared>>
        %dma_start3A_227 = arith.constant 0 : i32
        %dma_start3A_228 = arith.constant 0 : i32
        %dma_start3A_229 = tpu.memref_slice %arg23[%dma_start3A_227, %dma_start3A_228] : memref<128x128xi32, #tpu.memory_space<vmem_shared>> -> memref<24x128xi32, #tpu.memory_space<vmem_shared>>
        tpu.enqueue_dma source(%dma_start3A_229 : memref<24x128xi32, #tpu.memory_space<vmem_shared>>) target(%dma_start3A_226 : memref<24x128xi32, #tpu.memory_space<vmem_shared>>) target_semaphore(%run_scoped3A : memref<!tpu.dma_semaphore, #tpu.memory_space<semaphore_mem>>)
        %dma_wait3A = arith.constant 0 : i32
        %dma_wait3A_230 = tpu.memref_slice %arg21[%mul3A_126, %dma_wait3A] : memref<384x128xi32, #tpu.memory_space<vmem_shared>> -> memref<24x128xi32, #tpu.memory_space<vmem_shared>>
        %dma_wait3A_231 = arith.constant 0 : i32
        %dma_wait3A_232 = arith.constant 0 : i32
        %dma_wait3A_233 = tpu.memref_slice %arg23[%dma_wait3A_231, %dma_wait3A_232] : memref<128x128xi32, #tpu.memory_space<vmem_shared>> -> memref<24x128xi32, #tpu.memory_space<vmem_shared>>
        tpu.wait_dma2 semaphore(%run_scoped3A : memref<!tpu.dma_semaphore, #tpu.memory_space<semaphore_mem>>) src(%dma_wait3A_233 : memref<24x128xi32, #tpu.memory_space<vmem_shared>>) dst(%dma_wait3A_230 : memref<24x128xi32, #tpu.memory_space<vmem_shared>>)
        tpu.yield
      }) : () -> ()
      "tpu.region"() ({
        %run_scoped3A = tpu.sem_alloc : memref<!tpu.dma_semaphore, #tpu.memory_space<semaphore_mem>>
        %dma_start3A = arith.constant 0 : i32
        %dma_start3A_226 = arith.constant 0 : i32
        %dma_start3A_227 = tpu.memref_slice %arg19[%dma_start3A, %dma_start3A_226] : memref<384x128xi32, #tpu.memory_space<vmem>> -> memref<128x128xi32, #tpu.memory_space<vmem>>
        %dma_start3A_228 = arith.constant 0 : i32
        %dma_start3A_229 = arith.constant 0 : i32
        %dma_start3A_230 = tpu.memref_slice %arg19[%dma_start3A_228, %dma_start3A_229] : memref<384x128xi32, #tpu.memory_space<vmem>> -> memref<128x128xi32, #tpu.memory_space<vmem>>
        tpu.enqueue_dma source(%arg23 : memref<128x128xi32, #tpu.memory_space<vmem_shared>>) target(%dma_start3A_230 : memref<128x128xi32, #tpu.memory_space<vmem>>) target_semaphore(%run_scoped3A : memref<!tpu.dma_semaphore, #tpu.memory_space<semaphore_mem>>)
        %dma_wait3A = arith.constant 0 : i32
        %dma_wait3A_231 = arith.constant 0 : i32
        %dma_wait3A_232 = tpu.memref_slice %arg19[%dma_wait3A, %dma_wait3A_231] : memref<384x128xi32, #tpu.memory_space<vmem>> -> memref<128x128xi32, #tpu.memory_space<vmem>>
        %dma_wait3A_233 = arith.constant 0 : i32
        %dma_wait3A_234 = arith.constant 0 : i32
        %dma_wait3A_235 = tpu.memref_slice %arg19[%dma_wait3A_233, %dma_wait3A_234] : memref<384x128xi32, #tpu.memory_space<vmem>> -> memref<128x128xi32, #tpu.memory_space<vmem>>
        tpu.wait_dma2 semaphore(%run_scoped3A : memref<!tpu.dma_semaphore, #tpu.memory_space<semaphore_mem>>) src(%arg23 : memref<128x128xi32, #tpu.memory_space<vmem_shared>>) dst(%dma_wait3A_235 : memref<128x128xi32, #tpu.memory_space<vmem>>)
        tpu.yield
      }) : () -> ()
      "tpu.region"() ({
        %run_scoped3A = tpu.sem_alloc : memref<!tpu.dma_semaphore, #tpu.memory_space<semaphore_mem>>
        %dma_start3A = arith.constant 128 : i32
        %dma_start3A_226 = arith.constant 0 : i32
        %dma_start3A_227 = tpu.memref_slice %arg19[%dma_start3A, %dma_start3A_226] : memref<384x128xi32, #tpu.memory_space<vmem>> -> memref<128x128xi32, #tpu.memory_space<vmem>>
        %dma_start3A_228 = arith.constant 128 : i32
        %dma_start3A_229 = arith.constant 0 : i32
        %dma_start3A_230 = tpu.memref_slice %arg19[%dma_start3A_228, %dma_start3A_229] : memref<384x128xi32, #tpu.memory_space<vmem>> -> memref<128x128xi32, #tpu.memory_space<vmem>>
        tpu.enqueue_dma source(%arg23 : memref<128x128xi32, #tpu.memory_space<vmem_shared>>) target(%dma_start3A_230 : memref<128x128xi32, #tpu.memory_space<vmem>>) target_semaphore(%run_scoped3A : memref<!tpu.dma_semaphore, #tpu.memory_space<semaphore_mem>>)
        %dma_wait3A = arith.constant 128 : i32
        %dma_wait3A_231 = arith.constant 0 : i32
        %dma_wait3A_232 = tpu.memref_slice %arg19[%dma_wait3A, %dma_wait3A_231] : memref<384x128xi32, #tpu.memory_space<vmem>> -> memref<128x128xi32, #tpu.memory_space<vmem>>
        %dma_wait3A_233 = arith.constant 128 : i32
        %dma_wait3A_234 = arith.constant 0 : i32
        %dma_wait3A_235 = tpu.memref_slice %arg19[%dma_wait3A_233, %dma_wait3A_234] : memref<384x128xi32, #tpu.memory_space<vmem>> -> memref<128x128xi32, #tpu.memory_space<vmem>>
        tpu.wait_dma2 semaphore(%run_scoped3A : memref<!tpu.dma_semaphore, #tpu.memory_space<semaphore_mem>>) src(%arg23 : memref<128x128xi32, #tpu.memory_space<vmem_shared>>) dst(%dma_wait3A_235 : memref<128x128xi32, #tpu.memory_space<vmem>>)
        tpu.yield
      }) : () -> ()
      "tpu.region"() ({
        %run_scoped3A = tpu.sem_alloc : memref<!tpu.dma_semaphore, #tpu.memory_space<semaphore_mem>>
        %dma_start3A = arith.constant 256 : i32
        %dma_start3A_226 = arith.constant 0 : i32
        %dma_start3A_227 = tpu.memref_slice %arg19[%dma_start3A, %dma_start3A_226] : memref<384x128xi32, #tpu.memory_space<vmem>> -> memref<128x128xi32, #tpu.memory_space<vmem>>
        %dma_start3A_228 = arith.constant 256 : i32
        %dma_start3A_229 = arith.constant 0 : i32
        %dma_start3A_230 = tpu.memref_slice %arg19[%dma_start3A_228, %dma_start3A_229] : memref<384x128xi32, #tpu.memory_space<vmem>> -> memref<128x128xi32, #tpu.memory_space<vmem>>
        tpu.enqueue_dma source(%arg23 : memref<128x128xi32, #tpu.memory_space<vmem_shared>>) target(%dma_start3A_230 : memref<128x128xi32, #tpu.memory_space<vmem>>) target_semaphore(%run_scoped3A : memref<!tpu.dma_semaphore, #tpu.memory_space<semaphore_mem>>)
        %dma_wait3A = arith.constant 256 : i32
        %dma_wait3A_231 = arith.constant 0 : i32
        %dma_wait3A_232 = tpu.memref_slice %arg19[%dma_wait3A, %dma_wait3A_231] : memref<384x128xi32, #tpu.memory_space<vmem>> -> memref<128x128xi32, #tpu.memory_space<vmem>>
        %dma_wait3A_233 = arith.constant 256 : i32
        %dma_wait3A_234 = arith.constant 0 : i32
        %dma_wait3A_235 = tpu.memref_slice %arg19[%dma_wait3A_233, %dma_wait3A_234] : memref<384x128xi32, #tpu.memory_space<vmem>> -> memref<128x128xi32, #tpu.memory_space<vmem>>
        tpu.wait_dma2 semaphore(%run_scoped3A : memref<!tpu.dma_semaphore, #tpu.memory_space<semaphore_mem>>) src(%arg23 : memref<128x128xi32, #tpu.memory_space<vmem_shared>>) dst(%dma_wait3A_235 : memref<128x128xi32, #tpu.memory_space<vmem>>)
        tpu.yield
      }) : () -> ()
      %barrier3A_127 = arith.constant 0 : index
      tpu.barrier barrier_id(%barrier3A_127)
      %get3A = arith.index_cast %scan3A_107 : i32 to index
      %get3A_128 = memref.load %arg24[%get3A] : memref<16xi32, #tpu.memory_space<smem>>
      %get3A_129 = arith.index_cast %scan3A_107 : i32 to index
      %get3A_130 = memref.load %arg25[%get3A_129] : memref<16xi32, #tpu.memory_space<smem>>
      %add3A_131 = arith.constant 32 : i32
      %add3A_132 = arith.addi %get3A_130, %add3A_131 : i32
      %sub3A_133 = arith.constant 1 : i32
      %sub3A_134 = arith.subi %add3A_132, %sub3A_133 : i32
      %jit3A = arith.constant 32 : i32
      %div3A = arith.divsi %sub3A_134, %jit3A : i32
      %sign3A = arith.constant 0 : i32
      %sign3A_135 = arith.cmpi sgt, %sub3A_134, %sign3A : i32
      %sign3A_136 = arith.extui %sign3A_135 : i1 to i32
      %sign3A_137 = arith.constant 0 : i32
      %sign3A_138 = arith.cmpi slt, %sub3A_134, %sign3A_137 : i32
      %sign3A_139 = arith.extui %sign3A_138 : i1 to i32
      %sign3A_140 = arith.subi %sign3A_136, %sign3A_139 : i32
      %sign3A_141 = arith.constant 0 : i32
      %sign3A_142 = arith.cmpi sgt, %jit3A, %sign3A_141 : i32
      %sign3A_143 = arith.extui %sign3A_142 : i1 to i32
      %sign3A_144 = arith.constant 0 : i32
      %sign3A_145 = arith.cmpi slt, %jit3A, %sign3A_144 : i32
      %sign3A_146 = arith.extui %sign3A_145 : i1 to i32
      %sign3A_147 = arith.subi %sign3A_143, %sign3A_146 : i32
      %ne3A = arith.cmpi ne, %sign3A_140, %sign3A_147 : i32
      %rem3A = arith.remsi %sub3A_134, %jit3A : i32
      %ne3A_148 = arith.constant 0 : i32
      %ne3A_149 = arith.cmpi ne, %rem3A, %ne3A_148 : i32
      %and3A = arith.andi %ne3A, %ne3A_149 : i1
      %sub3A_150 = arith.constant 1 : i32
      %sub3A_151 = arith.subi %div3A, %sub3A_150 : i32
      %select_n3A = arith.select %and3A, %sub3A_151, %div3A : i32
      %lt3A_152 = arith.constant 0 : i32
      %lt3A_153 = arith.cmpi slt, %lt3A_152, %select_n3A : i32
      %convert_element_type3A_154 = arith.extui %lt3A_153 : i1 to i32
      %cond3A_155 = arith.constant 0 : i32
      %cond3A_156 = arith.constant 0 : i32
      %cond3A_157 = arith.cmpi ne, %convert_element_type3A_154, %cond3A_156 : i32
      scf.if %cond3A_157 {
        %mul3A_226 = arith.constant 32 : i32
        %mul3A_227 = arith.muli %cond3A_155, %mul3A_226 : i32
        %add3A_228 = arith.addi %get3A_128, %mul3A_227 : i32
        %mul3A_229 = arith.constant 32 : i32
        %mul3A_230 = arith.muli %cond3A_155, %mul3A_229 : i32
        %add3A_231 = arith.constant 0 : i32
        %add3A_232 = arith.addi %mul3A_230, %add3A_231 : i32
        %add3A_233 = vector.broadcast %add3A_232 : i32 to vector<16xi32>
        %add3A_234 = arith.addi %add3A_233, %iota3A : vector<16xi32>
        %lt3A_235 = vector.broadcast %get3A_130 : i32 to vector<16xi32>
        %lt3A_236 = arith.cmpi slt, %add3A_234, %lt3A_235 : vector<16xi32>
        %add3A_237 = arith.constant 0 : i32
        %add3A_238 = arith.addi %add3A_228, %add3A_237 : i32
        %get3A_239 = arith.index_cast %add3A_238 : i32 to index
        %get3A_240 = tpu.vector_load %arg13[%get3A_239] {strides = array<i32>} : memref<10304xi32, #tpu.memory_space<vmem>>, vector<16xi32>,
        %add3A_241 = arith.constant 0 : i32
        %add3A_242 = arith.addi %add3A_228, %add3A_241 : i32
        %get3A_243 = arith.index_cast %add3A_242 : i32 to index
        %get3A_244 = tpu.vector_load %arg14[%get3A_243] {strides = array<i32>} : memref<10304xi32, #tpu.memory_space<vmem>>, vector<16xi32>,
        %shift_right_logical3A = arith.constant 6 : i32
        %shift_right_logical3A_245 = vector.broadcast %shift_right_logical3A : i32 to vector<16xi32>
        %shift_right_logical3A_246 = arith.shrui %get3A_240, %shift_right_logical3A_245 : vector<16xi32>
        %and3A_247 = arith.constant 63 : i32
        %and3A_248 = vector.broadcast %and3A_247 : i32 to vector<16xi32>
        %and3A_249 = arith.andi %get3A_240, %and3A_248 : vector<16xi32>
        %sub3A_250 = vector.broadcast %add3A : i32 to vector<16xi32>
        %sub3A_251 = arith.subi %shift_right_logical3A_246, %sub3A_250 : vector<16xi32>
        %ge3A = arith.constant 32 : i32
        %ge3A_252 = vector.broadcast %ge3A : i32 to vector<16xi32>
        %ge3A_253 = arith.cmpi sge, %and3A_249, %ge3A_252 : vector<16xi32>
        %jit3A_254 = arith.constant 768 : i32
        %jit3A_255 = arith.constant 0 : i32
        %broadcast_in_dim3A_256 = vector.broadcast %jit3A_254 : i32 to vector<16xi32>
        %broadcast_in_dim3A_257 = vector.broadcast %jit3A_255 : i32 to vector<16xi32>
        %select_n3A_258 = arith.select %ge3A_253, %broadcast_in_dim3A_256, %broadcast_in_dim3A_257 : vector<16xi1>, vector<16xi32>
        %add3A_259 = arith.addi %sub3A_251, %select_n3A_258 : vector<16xi32>
        %mul3A_260 = arith.constant 64 : i32
        %mul3A_261 = arith.muli %add3A, %mul3A_260 : i32
        %sub3A_262 = vector.broadcast %mul3A_261 : i32 to vector<16xi32>
        %sub3A_263 = arith.subi %get3A_240, %sub3A_262 : vector<16xi32>
        %jit3A_264 = arith.constant 0 : i32
        %broadcast_in_dim3A_265 = vector.broadcast %jit3A_264 : i32 to vector<16xi32>
        %select_n3A_266 = arith.select %lt3A_236, %sub3A_263, %broadcast_in_dim3A_265 : vector<16xi1>, vector<16xi32>
        %unique3A, %unique3A_267 = tpu.scan_count mask(%lt3A_236 : vector<16xi1>) value(%select_n3A_266 : vector<16xi32>) : vector<16xi1>, vector<16xi32>
        %shift_right_logical3A_268 = arith.constant 7 : i32
        %shift_right_logical3A_269 = vector.broadcast %shift_right_logical3A_268 : i32 to vector<16xi32>
        %shift_right_logical3A_270 = arith.shrui %select_n3A_266, %shift_right_logical3A_269 : vector<16xi32>
        %and3A_271 = arith.constant 127 : i32
        %and3A_272 = vector.broadcast %and3A_271 : i32 to vector<16xi32>
        %and3A_273 = arith.andi %select_n3A_266, %and3A_272 : vector<16xi32>
        tpu.vector_store_idx %arg19[%shift_right_logical3A_270, %and3A_273], %unique3A_267 masked %unique3A {add = true} : memref<384x128xi32, #tpu.memory_space<vmem>>[vector<16xi32>, vector<16xi32>], vector<16xi32>, vector<16xi1>
        %jit3A_274 = arith.constant 0 : i32
        %broadcast_in_dim3A_275 = vector.broadcast %jit3A_274 : i32 to vector<16xi32>
        %select_n3A_276 = arith.select %lt3A_236, %get3A_244, %broadcast_in_dim3A_275 : vector<16xi1>, vector<16xi32>
        %swap3A_277 = arith.constant 0 : i32
        %swap3A_278 = arith.index_cast %swap3A_277 : i32 to index
        %swap3A_279 = arith.constant 0 : index
        %swap3A_280 = tpu.vector_load %arg15[%swap3A_278, %swap3A_279] {strides = array<i32>} : memref<2x32xi32, #tpu.memory_space<vmem>>, vector<16xi32>,
        tpu.vector_store %arg15[%swap3A_278, %swap3A_279], %select_n3A_276 {strides = array<i32>} : memref<2x32xi32, #tpu.memory_space<vmem>>, vector<16xi32>,
        %add3A_281 = arith.constant 1536 : i32
        %add3A_282 = arith.addi %add3A_281, %arg1 : i32
        %broadcast_in_dim3A_283 = vector.broadcast %add3A_282 : i32 to vector<16xi32>
        %select_n3A_284 = arith.select %lt3A_236, %add3A_259, %broadcast_in_dim3A_283 : vector<16xi1>, vector<16xi32>
        %swap3A_285 = arith.constant 0 : i32
        %swap3A_286 = arith.index_cast %swap3A_285 : i32 to index
        %swap3A_287 = arith.constant 0 : index
        %swap3A_288 = tpu.vector_load %arg16[%swap3A_286, %swap3A_287] {strides = array<i32>} : memref<2x32xi32, #tpu.memory_space<vmem>>, vector<16xi32>,
        tpu.vector_store %arg16[%swap3A_286, %swap3A_287], %select_n3A_284 {strides = array<i32>} : memref<2x32xi32, #tpu.memory_space<vmem>>, vector<16xi32>,
        %mul3A_289 = arith.constant 32 : i32
        %mul3A_290 = arith.muli %cond3A_155, %mul3A_289 : i32
        %add3A_291 = arith.constant 16 : i32
        %add3A_292 = arith.addi %mul3A_290, %add3A_291 : i32
        %add3A_293 = vector.broadcast %add3A_292 : i32 to vector<16xi32>
        %add3A_294 = arith.addi %add3A_293, %iota3A : vector<16xi32>
        %lt3A_295 = vector.broadcast %get3A_130 : i32 to vector<16xi32>
        %lt3A_296 = arith.cmpi slt, %add3A_294, %lt3A_295 : vector<16xi32>
        %add3A_297 = arith.constant 16 : i32
        %add3A_298 = arith.addi %add3A_228, %add3A_297 : i32
        %get3A_299 = arith.index_cast %add3A_298 : i32 to index
        %get3A_300 = tpu.vector_load %arg13[%get3A_299] {strides = array<i32>} : memref<10304xi32, #tpu.memory_space<vmem>>, vector<16xi32>,
        %add3A_301 = arith.constant 16 : i32
        %add3A_302 = arith.addi %add3A_228, %add3A_301 : i32
        %get3A_303 = arith.index_cast %add3A_302 : i32 to index
        %get3A_304 = tpu.vector_load %arg14[%get3A_303] {strides = array<i32>} : memref<10304xi32, #tpu.memory_space<vmem>>, vector<16xi32>,
        %shift_right_logical3A_305 = arith.constant 6 : i32
        %shift_right_logical3A_306 = vector.broadcast %shift_right_logical3A_305 : i32 to vector<16xi32>
        %shift_right_logical3A_307 = arith.shrui %get3A_300, %shift_right_logical3A_306 : vector<16xi32>
        %and3A_308 = arith.constant 63 : i32
        %and3A_309 = vector.broadcast %and3A_308 : i32 to vector<16xi32>
        %and3A_310 = arith.andi %get3A_300, %and3A_309 : vector<16xi32>
        %sub3A_311 = vector.broadcast %add3A : i32 to vector<16xi32>
        %sub3A_312 = arith.subi %shift_right_logical3A_307, %sub3A_311 : vector<16xi32>
        %ge3A_313 = arith.constant 32 : i32
        %ge3A_314 = vector.broadcast %ge3A_313 : i32 to vector<16xi32>
        %ge3A_315 = arith.cmpi sge, %and3A_310, %ge3A_314 : vector<16xi32>
        %jit3A_316 = arith.constant 768 : i32
        %jit3A_317 = arith.constant 0 : i32
        %broadcast_in_dim3A_318 = vector.broadcast %jit3A_316 : i32 to vector<16xi32>
        %broadcast_in_dim3A_319 = vector.broadcast %jit3A_317 : i32 to vector<16xi32>
        %select_n3A_320 = arith.select %ge3A_315, %broadcast_in_dim3A_318, %broadcast_in_dim3A_319 : vector<16xi1>, vector<16xi32>
        %add3A_321 = arith.addi %sub3A_312, %select_n3A_320 : vector<16xi32>
        %mul3A_322 = arith.constant 64 : i32
        %mul3A_323 = arith.muli %add3A, %mul3A_322 : i32
        %sub3A_324 = vector.broadcast %mul3A_323 : i32 to vector<16xi32>
        %sub3A_325 = arith.subi %get3A_300, %sub3A_324 : vector<16xi32>
        %jit3A_326 = arith.constant 0 : i32
        %broadcast_in_dim3A_327 = vector.broadcast %jit3A_326 : i32 to vector<16xi32>
        %select_n3A_328 = arith.select %lt3A_296, %sub3A_325, %broadcast_in_dim3A_327 : vector<16xi1>, vector<16xi32>
        %unique3A_329, %unique3A_330 = tpu.scan_count mask(%lt3A_296 : vector<16xi1>) value(%select_n3A_328 : vector<16xi32>) : vector<16xi1>, vector<16xi32>
        %shift_right_logical3A_331 = arith.constant 7 : i32
        %shift_right_logical3A_332 = vector.broadcast %shift_right_logical3A_331 : i32 to vector<16xi32>
        %shift_right_logical3A_333 = arith.shrui %select_n3A_328, %shift_right_logical3A_332 : vector<16xi32>
        %and3A_334 = arith.constant 127 : i32
        %and3A_335 = vector.broadcast %and3A_334 : i32 to vector<16xi32>
        %and3A_336 = arith.andi %select_n3A_328, %and3A_335 : vector<16xi32>
        tpu.vector_store_idx %arg19[%shift_right_logical3A_333, %and3A_336], %unique3A_330 masked %unique3A_329 {add = true} : memref<384x128xi32, #tpu.memory_space<vmem>>[vector<16xi32>, vector<16xi32>], vector<16xi32>, vector<16xi1>
        %jit3A_337 = arith.constant 0 : i32
        %broadcast_in_dim3A_338 = vector.broadcast %jit3A_337 : i32 to vector<16xi32>
        %select_n3A_339 = arith.select %lt3A_296, %get3A_304, %broadcast_in_dim3A_338 : vector<16xi1>, vector<16xi32>
        %swap3A_340 = arith.constant 0 : i32
        %swap3A_341 = arith.index_cast %swap3A_340 : i32 to index
        %swap3A_342 = arith.constant 16 : index
        %swap3A_343 = tpu.vector_load %arg15[%swap3A_341, %swap3A_342] {strides = array<i32>} : memref<2x32xi32, #tpu.memory_space<vmem>>, vector<16xi32>,
        tpu.vector_store %arg15[%swap3A_341, %swap3A_342], %select_n3A_339 {strides = array<i32>} : memref<2x32xi32, #tpu.memory_space<vmem>>, vector<16xi32>,
        %add3A_344 = arith.constant 1536 : i32
        %add3A_345 = arith.addi %add3A_344, %arg1 : i32
        %broadcast_in_dim3A_346 = vector.broadcast %add3A_345 : i32 to vector<16xi32>
        %select_n3A_347 = arith.select %lt3A_296, %add3A_321, %broadcast_in_dim3A_346 : vector<16xi1>, vector<16xi32>
        %swap3A_348 = arith.constant 0 : i32
        %swap3A_349 = arith.index_cast %swap3A_348 : i32 to index
        %swap3A_350 = arith.constant 16 : index
        %swap3A_351 = tpu.vector_load %arg16[%swap3A_349, %swap3A_350] {strides = array<i32>} : memref<2x32xi32, #tpu.memory_space<vmem>>, vector<16xi32>,
        tpu.vector_store %arg16[%swap3A_349, %swap3A_350], %select_n3A_347 {strides = array<i32>} : memref<2x32xi32, #tpu.memory_space<vmem>>, vector<16xi32>,
        %dma_start3A = arith.constant 0 : i32
        %dma_start3A_352 = arith.constant 0 : i32
        %dma_start3A_353 = arith.constant 0 : i32
        %dma_start3A_354 = arith.constant 0 : i32
        %dma_start3A_355 = tpu.memref_slice %arg18[%dma_start3A_352, %dma_start3A_353, %dma_start3A_354] : memref<2x32x256xf32, #tpu.memory_space<vmem>> -> memref<1x32x256xf32, #tpu.memory_space<vmem>>
        %dma_start3A_356 = tpu.memref_squeeze %dma_start3A_355 : memref<1x32x256xf32, #tpu.memory_space<vmem>> -> memref<32x256xf32, #tpu.memory_space<vmem>>
        %dma_start3A_357 = arith.constant 0 : i32
        %dma_start3A_358 = tpu.memref_slice %arg15[%dma_start3A, %dma_start3A_357] : memref<2x32xi32, #tpu.memory_space<vmem>> -> memref<1x32xi32, #tpu.memory_space<vmem>>
        %dma_start3A_359 = tpu.memref_squeeze %dma_start3A_358 : memref<1x32xi32, #tpu.memory_space<vmem>> -> memref<32xi32, #tpu.memory_space<vmem>>
        %dma_start3A_360 = arith.constant 0 : i32
        %dma_start3A_361 = arith.constant 0 : i32
        %dma_start3A_362 = tpu.memref_slice %arg2[%dma_start3A_360, %dma_start3A_361] : memref<10000x256xf32, #tpu.memory_space<hbm>> -> memref<10000x256xf32, #tpu.memory_space<hbm>>
        tpu.enqueue_indirect_dma source(%dma_start3A_362 : memref<10000x256xf32, #tpu.memory_space<hbm>>) target(%dma_start3A_356 : memref<32x256xf32, #tpu.memory_space<vmem>>) offsets(%dma_start3A_359 : memref<32xi32, #tpu.memory_space<vmem>>) semaphore(%arg26 : memref<!tpu.dma_semaphore, #tpu.memory_space<semaphore_mem>>)
      } else {
      }
      %add3A_158 = arith.constant 1 : i32
      %add3A_159 = arith.addi %select_n3A, %add3A_158 : i32
      %jit3A_160 = arith.constant 2 : i32
      %div3A_161 = arith.divsi %add3A_159, %jit3A_160 : i32
      %sign3A_162 = arith.constant 0 : i32
      %sign3A_163 = arith.cmpi sgt, %add3A_159, %sign3A_162 : i32
      %sign3A_164 = arith.extui %sign3A_163 : i1 to i32
      %sign3A_165 = arith.constant 0 : i32
      %sign3A_166 = arith.cmpi slt, %add3A_159, %sign3A_165 : i32
      %sign3A_167 = arith.extui %sign3A_166 : i1 to i32
      %sign3A_168 = arith.subi %sign3A_164, %sign3A_167 : i32
      %sign3A_169 = arith.constant 0 : i32
      %sign3A_170 = arith.cmpi sgt, %jit3A_160, %sign3A_169 : i32
      %sign3A_171 = arith.extui %sign3A_170 : i1 to i32
      %sign3A_172 = arith.constant 0 : i32
      %sign3A_173 = arith.cmpi slt, %jit3A_160, %sign3A_172 : i32
      %sign3A_174 = arith.extui %sign3A_173 : i1 to i32
      %sign3A_175 = arith.subi %sign3A_171, %sign3A_174 : i32
      %ne3A_176 = arith.cmpi ne, %sign3A_168, %sign3A_175 : i32
      %rem3A_177 = arith.remsi %add3A_159, %jit3A_160 : i32
      %ne3A_178 = arith.constant 0 : i32
      %ne3A_179 = arith.cmpi ne, %rem3A_177, %ne3A_178 : i32
      %and3A_180 = arith.andi %ne3A_176, %ne3A_179 : i1
      %sub3A_181 = arith.constant 1 : i32
      %sub3A_182 = arith.subi %div3A_161, %sub3A_181 : i32
      %select_n3A_183 = arith.select %and3A_180, %sub3A_182, %div3A_161 : i32
      %while3A = arith.constant 0 : i32
      %while3A_184 = arith.constant 0 : i32
      %while3A_185 = arith.subi %select_n3A_183, %while3A : i32
      %while3A_186 = arith.addi %while3A, %while3A_185 : i32
      %while3A_187 = arith.constant 1 : i32
      %while3A_188 = arith.divsi %while3A_185, %while3A_187 : i32
      %while3A_189 = arith.muli %while3A_188, %while3A_187 : i32
      %while3A_190 = arith.addi %while3A, %while3A_189 : i32
      %while3A_191 = arith.constant 1 : i32
      %while3A_192 = scf.for %while3A_226 = %while3A to %while3A_190 step %while3A_191 iter_args(%while3A_227 = %while3A_184) -> (i32)  : i32 {
        %mul3A_228 = arith.constant 2 : i32
        %mul3A_229 = arith.muli %while3A_226, %mul3A_228 : i32
        %add3A_230 = arith.constant 1 : i32
        %add3A_231 = arith.addi %mul3A_229, %add3A_230 : i32
        %lt3A_232 = arith.cmpi slt, %add3A_231, %select_n3A : i32
        %convert_element_type3A_233 = arith.extui %lt3A_232 : i1 to i32
        %cond3A_234 = arith.constant 0 : i32
        %cond3A_235 = arith.cmpi ne, %convert_element_type3A_233, %cond3A_234 : i32
        scf.if %cond3A_235 {
          %mul3A_253 = arith.constant 32 : i32
          %mul3A_254 = arith.muli %add3A_231, %mul3A_253 : i32
          %add3A_255 = arith.addi %get3A_128, %mul3A_254 : i32
          %mul3A_256 = arith.constant 32 : i32
          %mul3A_257 = arith.muli %add3A_231, %mul3A_256 : i32
          %add3A_258 = arith.constant 0 : i32
          %add3A_259 = arith.addi %mul3A_257, %add3A_258 : i32
          %add3A_260 = vector.broadcast %add3A_259 : i32 to vector<16xi32>
          %add3A_261 = arith.addi %add3A_260, %iota3A : vector<16xi32>
          %lt3A_262 = vector.broadcast %get3A_130 : i32 to vector<16xi32>
          %lt3A_263 = arith.cmpi slt, %add3A_261, %lt3A_262 : vector<16xi32>
          %add3A_264 = arith.constant 0 : i32
          %add3A_265 = arith.addi %add3A_255, %add3A_264 : i32
          %get3A_266 = arith.index_cast %add3A_265 : i32 to index
          %get3A_267 = tpu.vector_load %arg13[%get3A_266] {strides = array<i32>} : memref<10304xi32, #tpu.memory_space<vmem>>, vector<16xi32>,
          %add3A_268 = arith.constant 0 : i32
          %add3A_269 = arith.addi %add3A_255, %add3A_268 : i32
          %get3A_270 = arith.index_cast %add3A_269 : i32 to index
          %get3A_271 = tpu.vector_load %arg14[%get3A_270] {strides = array<i32>} : memref<10304xi32, #tpu.memory_space<vmem>>, vector<16xi32>,
          %shift_right_logical3A = arith.constant 6 : i32
          %shift_right_logical3A_272 = vector.broadcast %shift_right_logical3A : i32 to vector<16xi32>
          %shift_right_logical3A_273 = arith.shrui %get3A_267, %shift_right_logical3A_272 : vector<16xi32>
          %and3A_274 = arith.constant 63 : i32
          %and3A_275 = vector.broadcast %and3A_274 : i32 to vector<16xi32>
          %and3A_276 = arith.andi %get3A_267, %and3A_275 : vector<16xi32>
          %sub3A_277 = vector.broadcast %add3A : i32 to vector<16xi32>
          %sub3A_278 = arith.subi %shift_right_logical3A_273, %sub3A_277 : vector<16xi32>
          %ge3A = arith.constant 32 : i32
          %ge3A_279 = vector.broadcast %ge3A : i32 to vector<16xi32>
          %ge3A_280 = arith.cmpi sge, %and3A_276, %ge3A_279 : vector<16xi32>
          %jit3A_281 = arith.constant 768 : i32
          %jit3A_282 = arith.constant 0 : i32
          %broadcast_in_dim3A_283 = vector.broadcast %jit3A_281 : i32 to vector<16xi32>
          %broadcast_in_dim3A_284 = vector.broadcast %jit3A_282 : i32 to vector<16xi32>
          %select_n3A_285 = arith.select %ge3A_280, %broadcast_in_dim3A_283, %broadcast_in_dim3A_284 : vector<16xi1>, vector<16xi32>
          %add3A_286 = arith.addi %sub3A_278, %select_n3A_285 : vector<16xi32>
          %mul3A_287 = arith.constant 64 : i32
          %mul3A_288 = arith.muli %add3A, %mul3A_287 : i32
          %sub3A_289 = vector.broadcast %mul3A_288 : i32 to vector<16xi32>
          %sub3A_290 = arith.subi %get3A_267, %sub3A_289 : vector<16xi32>
          %jit3A_291 = arith.constant 0 : i32
          %broadcast_in_dim3A_292 = vector.broadcast %jit3A_291 : i32 to vector<16xi32>
          %select_n3A_293 = arith.select %lt3A_263, %sub3A_290, %broadcast_in_dim3A_292 : vector<16xi1>, vector<16xi32>
          %unique3A, %unique3A_294 = tpu.scan_count mask(%lt3A_263 : vector<16xi1>) value(%select_n3A_293 : vector<16xi32>) : vector<16xi1>, vector<16xi32>
          %shift_right_logical3A_295 = arith.constant 7 : i32
          %shift_right_logical3A_296 = vector.broadcast %shift_right_logical3A_295 : i32 to vector<16xi32>
          %shift_right_logical3A_297 = arith.shrui %select_n3A_293, %shift_right_logical3A_296 : vector<16xi32>
          %and3A_298 = arith.constant 127 : i32
          %and3A_299 = vector.broadcast %and3A_298 : i32 to vector<16xi32>
          %and3A_300 = arith.andi %select_n3A_293, %and3A_299 : vector<16xi32>
          tpu.vector_store_idx %arg19[%shift_right_logical3A_297, %and3A_300], %unique3A_294 masked %unique3A {add = true} : memref<384x128xi32, #tpu.memory_space<vmem>>[vector<16xi32>, vector<16xi32>], vector<16xi32>, vector<16xi1>
          %jit3A_301 = arith.constant 0 : i32
          %broadcast_in_dim3A_302 = vector.broadcast %jit3A_301 : i32 to vector<16xi32>
          %select_n3A_303 = arith.select %lt3A_263, %get3A_271, %broadcast_in_dim3A_302 : vector<16xi1>, vector<16xi32>
          %swap3A_304 = arith.constant 1 : i32
          %swap3A_305 = arith.index_cast %swap3A_304 : i32 to index
          %swap3A_306 = arith.constant 0 : index
          %swap3A_307 = tpu.vector_load %arg15[%swap3A_305, %swap3A_306] {strides = array<i32>} : memref<2x32xi32, #tpu.memory_space<vmem>>, vector<16xi32>,
          tpu.vector_store %arg15[%swap3A_305, %swap3A_306], %select_n3A_303 {strides = array<i32>} : memref<2x32xi32, #tpu.memory_space<vmem>>, vector<16xi32>,
          %add3A_308 = arith.constant 1536 : i32
          %add3A_309 = arith.addi %add3A_308, %arg1 : i32
          %broadcast_in_dim3A_310 = vector.broadcast %add3A_309 : i32 to vector<16xi32>
          %select_n3A_311 = arith.select %lt3A_263, %add3A_286, %broadcast_in_dim3A_310 : vector<16xi1>, vector<16xi32>
          %swap3A_312 = arith.constant 1 : i32
          %swap3A_313 = arith.index_cast %swap3A_312 : i32 to index
          %swap3A_314 = arith.constant 0 : index
          %swap3A_315 = tpu.vector_load %arg16[%swap3A_313, %swap3A_314] {strides = array<i32>} : memref<2x32xi32, #tpu.memory_space<vmem>>, vector<16xi32>,
          tpu.vector_store %arg16[%swap3A_313, %swap3A_314], %select_n3A_311 {strides = array<i32>} : memref<2x32xi32, #tpu.memory_space<vmem>>, vector<16xi32>,
          %mul3A_316 = arith.constant 32 : i32
          %mul3A_317 = arith.muli %add3A_231, %mul3A_316 : i32
          %add3A_318 = arith.constant 16 : i32
          %add3A_319 = arith.addi %mul3A_317, %add3A_318 : i32
          %add3A_320 = vector.broadcast %add3A_319 : i32 to vector<16xi32>
          %add3A_321 = arith.addi %add3A_320, %iota3A : vector<16xi32>
          %lt3A_322 = vector.broadcast %get3A_130 : i32 to vector<16xi32>
          %lt3A_323 = arith.cmpi slt, %add3A_321, %lt3A_322 : vector<16xi32>
          %add3A_324 = arith.constant 16 : i32
          %add3A_325 = arith.addi %add3A_255, %add3A_324 : i32
          %get3A_326 = arith.index_cast %add3A_325 : i32 to index
          %get3A_327 = tpu.vector_load %arg13[%get3A_326] {strides = array<i32>} : memref<10304xi32, #tpu.memory_space<vmem>>, vector<16xi32>,
          %add3A_328 = arith.constant 16 : i32
          %add3A_329 = arith.addi %add3A_255, %add3A_328 : i32
          %get3A_330 = arith.index_cast %add3A_329 : i32 to index
          %get3A_331 = tpu.vector_load %arg14[%get3A_330] {strides = array<i32>} : memref<10304xi32, #tpu.memory_space<vmem>>, vector<16xi32>,
          %shift_right_logical3A_332 = arith.constant 6 : i32
          %shift_right_logical3A_333 = vector.broadcast %shift_right_logical3A_332 : i32 to vector<16xi32>
          %shift_right_logical3A_334 = arith.shrui %get3A_327, %shift_right_logical3A_333 : vector<16xi32>
          %and3A_335 = arith.constant 63 : i32
          %and3A_336 = vector.broadcast %and3A_335 : i32 to vector<16xi32>
          %and3A_337 = arith.andi %get3A_327, %and3A_336 : vector<16xi32>
          %sub3A_338 = vector.broadcast %add3A : i32 to vector<16xi32>
          %sub3A_339 = arith.subi %shift_right_logical3A_334, %sub3A_338 : vector<16xi32>
          %ge3A_340 = arith.constant 32 : i32
          %ge3A_341 = vector.broadcast %ge3A_340 : i32 to vector<16xi32>
          %ge3A_342 = arith.cmpi sge, %and3A_337, %ge3A_341 : vector<16xi32>
          %jit3A_343 = arith.constant 768 : i32
          %jit3A_344 = arith.constant 0 : i32
          %broadcast_in_dim3A_345 = vector.broadcast %jit3A_343 : i32 to vector<16xi32>
          %broadcast_in_dim3A_346 = vector.broadcast %jit3A_344 : i32 to vector<16xi32>
          %select_n3A_347 = arith.select %ge3A_342, %broadcast_in_dim3A_345, %broadcast_in_dim3A_346 : vector<16xi1>, vector<16xi32>
          %add3A_348 = arith.addi %sub3A_339, %select_n3A_347 : vector<16xi32>
          %mul3A_349 = arith.constant 64 : i32
          %mul3A_350 = arith.muli %add3A, %mul3A_349 : i32
          %sub3A_351 = vector.broadcast %mul3A_350 : i32 to vector<16xi32>
          %sub3A_352 = arith.subi %get3A_327, %sub3A_351 : vector<16xi32>
          %jit3A_353 = arith.constant 0 : i32
          %broadcast_in_dim3A_354 = vector.broadcast %jit3A_353 : i32 to vector<16xi32>
          %select_n3A_355 = arith.select %lt3A_323, %sub3A_352, %broadcast_in_dim3A_354 : vector<16xi1>, vector<16xi32>
          %unique3A_356, %unique3A_357 = tpu.scan_count mask(%lt3A_323 : vector<16xi1>) value(%select_n3A_355 : vector<16xi32>) : vector<16xi1>, vector<16xi32>
          %shift_right_logical3A_358 = arith.constant 7 : i32
          %shift_right_logical3A_359 = vector.broadcast %shift_right_logical3A_358 : i32 to vector<16xi32>
          %shift_right_logical3A_360 = arith.shrui %select_n3A_355, %shift_right_logical3A_359 : vector<16xi32>
          %and3A_361 = arith.constant 127 : i32
          %and3A_362 = vector.broadcast %and3A_361 : i32 to vector<16xi32>
          %and3A_363 = arith.andi %select_n3A_355, %and3A_362 : vector<16xi32>
          tpu.vector_store_idx %arg19[%shift_right_logical3A_360, %and3A_363], %unique3A_357 masked %unique3A_356 {add = true} : memref<384x128xi32, #tpu.memory_space<vmem>>[vector<16xi32>, vector<16xi32>], vector<16xi32>, vector<16xi1>
          %jit3A_364 = arith.constant 0 : i32
          %broadcast_in_dim3A_365 = vector.broadcast %jit3A_364 : i32 to vector<16xi32>
          %select_n3A_366 = arith.select %lt3A_323, %get3A_331, %broadcast_in_dim3A_365 : vector<16xi1>, vector<16xi32>
          %swap3A_367 = arith.constant 1 : i32
          %swap3A_368 = arith.index_cast %swap3A_367 : i32 to index
          %swap3A_369 = arith.constant 16 : index
          %swap3A_370 = tpu.vector_load %arg15[%swap3A_368, %swap3A_369] {strides = array<i32>} : memref<2x32xi32, #tpu.memory_space<vmem>>, vector<16xi32>,
          tpu.vector_store %arg15[%swap3A_368, %swap3A_369], %select_n3A_366 {strides = array<i32>} : memref<2x32xi32, #tpu.memory_space<vmem>>, vector<16xi32>,
          %add3A_371 = arith.constant 1536 : i32
          %add3A_372 = arith.addi %add3A_371, %arg1 : i32
          %broadcast_in_dim3A_373 = vector.broadcast %add3A_372 : i32 to vector<16xi32>
          %select_n3A_374 = arith.select %lt3A_323, %add3A_348, %broadcast_in_dim3A_373 : vector<16xi1>, vector<16xi32>
          %swap3A_375 = arith.constant 1 : i32
          %swap3A_376 = arith.index_cast %swap3A_375 : i32 to index
          %swap3A_377 = arith.constant 16 : index
          %swap3A_378 = tpu.vector_load %arg16[%swap3A_376, %swap3A_377] {strides = array<i32>} : memref<2x32xi32, #tpu.memory_space<vmem>>, vector<16xi32>,
          tpu.vector_store %arg16[%swap3A_376, %swap3A_377], %select_n3A_374 {strides = array<i32>} : memref<2x32xi32, #tpu.memory_space<vmem>>, vector<16xi32>,
          %dma_start3A = arith.constant 1 : i32
          %dma_start3A_379 = arith.constant 1 : i32
          %dma_start3A_380 = arith.constant 0 : i32
          %dma_start3A_381 = arith.constant 0 : i32
          %dma_start3A_382 = tpu.memref_slice %arg18[%dma_start3A_379, %dma_start3A_380, %dma_start3A_381] : memref<2x32x256xf32, #tpu.memory_space<vmem>> -> memref<1x32x256xf32, #tpu.memory_space<vmem>>
          %dma_start3A_383 = tpu.memref_squeeze %dma_start3A_382 : memref<1x32x256xf32, #tpu.memory_space<vmem>> -> memref<32x256xf32, #tpu.memory_space<vmem>>
          %dma_start3A_384 = arith.constant 0 : i32
          %dma_start3A_385 = tpu.memref_slice %arg15[%dma_start3A, %dma_start3A_384] : memref<2x32xi32, #tpu.memory_space<vmem>> -> memref<1x32xi32, #tpu.memory_space<vmem>>
          %dma_start3A_386 = tpu.memref_squeeze %dma_start3A_385 : memref<1x32xi32, #tpu.memory_space<vmem>> -> memref<32xi32, #tpu.memory_space<vmem>>
          %dma_start3A_387 = arith.constant 0 : i32
          %dma_start3A_388 = arith.constant 0 : i32
          %dma_start3A_389 = tpu.memref_slice %arg2[%dma_start3A_387, %dma_start3A_388] : memref<10000x256xf32, #tpu.memory_space<hbm>> -> memref<10000x256xf32, #tpu.memory_space<hbm>>
          tpu.enqueue_indirect_dma source(%dma_start3A_389 : memref<10000x256xf32, #tpu.memory_space<hbm>>) target(%dma_start3A_383 : memref<32x256xf32, #tpu.memory_space<vmem>>) offsets(%dma_start3A_386 : memref<32xi32, #tpu.memory_space<vmem>>) semaphore(%arg27 : memref<!tpu.dma_semaphore, #tpu.memory_space<semaphore_mem>>)
        } else {
        }
        %lt3A_236 = arith.cmpi slt, %mul3A_229, %select_n3A : i32
        %convert_element_type3A_237 = arith.extui %lt3A_236 : i1 to i32
        %cond3A_238 = arith.constant 0 : i32
        %cond3A_239 = arith.cmpi ne, %convert_element_type3A_237, %cond3A_238 : i32
        scf.if %cond3A_239 {
          %dma_wait3A = arith.constant 0 : i32
          %dma_wait3A_253 = arith.constant 0 : i32
          %dma_wait3A_254 = arith.constant 0 : i32
          %dma_wait3A_255 = arith.constant 0 : i32
          %dma_wait3A_256 = tpu.memref_slice %arg18[%dma_wait3A_253, %dma_wait3A_254, %dma_wait3A_255] : memref<2x32x256xf32, #tpu.memory_space<vmem>> -> memref<1x32x256xf32, #tpu.memory_space<vmem>>
          %dma_wait3A_257 = tpu.memref_squeeze %dma_wait3A_256 : memref<1x32x256xf32, #tpu.memory_space<vmem>> -> memref<32x256xf32, #tpu.memory_space<vmem>>
          %dma_wait3A_258 = arith.constant 0 : i32
          %dma_wait3A_259 = tpu.memref_slice %arg15[%dma_wait3A, %dma_wait3A_258] : memref<2x32xi32, #tpu.memory_space<vmem>> -> memref<1x32xi32, #tpu.memory_space<vmem>>
          %dma_wait3A_260 = tpu.memref_squeeze %dma_wait3A_259 : memref<1x32xi32, #tpu.memory_space<vmem>> -> memref<32xi32, #tpu.memory_space<vmem>>
          %dma_wait3A_261 = arith.constant 0 : i32
          %dma_wait3A_262 = arith.constant 0 : i32
          %dma_wait3A_263 = tpu.memref_slice %arg2[%dma_wait3A_261, %dma_wait3A_262] : memref<10000x256xf32, #tpu.memory_space<hbm>> -> memref<10000x256xf32, #tpu.memory_space<hbm>>
          tpu.wait_indirect_dma semaphore(%arg26 : memref<!tpu.dma_semaphore, #tpu.memory_space<semaphore_mem>>) src(%dma_wait3A_263 : memref<10000x256xf32, #tpu.memory_space<hbm>>) dst(%dma_wait3A_257 : memref<32x256xf32, #tpu.memory_space<vmem>>)
          %run_scoped3A = arith.constant 0 : i32
          %run_scoped3A_264 = arith.constant 0 : i32
          "tpu.region"() ({
            %run_scoped3A_265 = tpu.sem_alloc : memref<!tpu.dma_semaphore, #tpu.memory_space<semaphore_mem>>
            %dma_start3A = arith.constant 0 : i32
            %dma_start3A_266 = arith.constant 0 : i32
            %dma_start3A_267 = tpu.memref_slice %arg18[%run_scoped3A, %dma_start3A, %dma_start3A_266] : memref<2x32x256xf32, #tpu.memory_space<vmem>> -> memref<1x32x256xf32, #tpu.memory_space<vmem>>
            %dma_start3A_268 = tpu.memref_squeeze %dma_start3A_267 : memref<1x32x256xf32, #tpu.memory_space<vmem>> -> memref<32x256xf32, #tpu.memory_space<vmem>>
            %dma_start3A_269 = arith.constant 0 : i32
            %dma_start3A_270 = tpu.memref_slice %arg16[%run_scoped3A_264, %dma_start3A_269] : memref<2x32xi32, #tpu.memory_space<vmem>> -> memref<1x32xi32, #tpu.memory_space<vmem>>
            %dma_start3A_271 = tpu.memref_squeeze %dma_start3A_270 : memref<1x32xi32, #tpu.memory_space<vmem>> -> memref<32xi32, #tpu.memory_space<vmem>>
            %dma_start3A_272 = arith.constant 0 : i32
            %dma_start3A_273 = arith.constant 0 : i32
            %dma_start3A_274 = tpu.memref_slice %arg20[%dma_start3A_272, %dma_start3A_273] : memref<1552x256xf32, #tpu.memory_space<vmem_shared>> -> memref<1552x256xf32, #tpu.memory_space<vmem_shared>>
            tpu.enqueue_indirect_dma source(%dma_start3A_268 : memref<32x256xf32, #tpu.memory_space<vmem>>) target(%dma_start3A_274 : memref<1552x256xf32, #tpu.memory_space<vmem_shared>>) offsets(%dma_start3A_271 : memref<32xi32, #tpu.memory_space<vmem>>) semaphore(%run_scoped3A_265 : memref<!tpu.dma_semaphore, #tpu.memory_space<semaphore_mem>>) {add = true}
            %dma_wait3A_275 = arith.constant 0 : i32
            %dma_wait3A_276 = arith.constant 0 : i32
            %dma_wait3A_277 = tpu.memref_slice %arg18[%run_scoped3A, %dma_wait3A_275, %dma_wait3A_276] : memref<2x32x256xf32, #tpu.memory_space<vmem>> -> memref<1x32x256xf32, #tpu.memory_space<vmem>>
            %dma_wait3A_278 = tpu.memref_squeeze %dma_wait3A_277 : memref<1x32x256xf32, #tpu.memory_space<vmem>> -> memref<32x256xf32, #tpu.memory_space<vmem>>
            %dma_wait3A_279 = arith.constant 0 : i32
            %dma_wait3A_280 = tpu.memref_slice %arg16[%run_scoped3A_264, %dma_wait3A_279] : memref<2x32xi32, #tpu.memory_space<vmem>> -> memref<1x32xi32, #tpu.memory_space<vmem>>
            %dma_wait3A_281 = tpu.memref_squeeze %dma_wait3A_280 : memref<1x32xi32, #tpu.memory_space<vmem>> -> memref<32xi32, #tpu.memory_space<vmem>>
            %dma_wait3A_282 = arith.constant 0 : i32
            %dma_wait3A_283 = arith.constant 0 : i32
            %dma_wait3A_284 = tpu.memref_slice %arg20[%dma_wait3A_282, %dma_wait3A_283] : memref<1552x256xf32, #tpu.memory_space<vmem_shared>> -> memref<1552x256xf32, #tpu.memory_space<vmem_shared>>
            tpu.wait_indirect_dma semaphore(%run_scoped3A_265 : memref<!tpu.dma_semaphore, #tpu.memory_space<semaphore_mem>>) src(%dma_wait3A_278 : memref<32x256xf32, #tpu.memory_space<vmem>>) dst(%dma_wait3A_284 : memref<1552x256xf32, #tpu.memory_space<vmem_shared>>)
            tpu.yield
          }) : () -> ()
        } else {
        }
        %add3A_240 = arith.constant 2 : i32
        %add3A_241 = arith.addi %mul3A_229, %add3A_240 : i32
        %lt3A_242 = arith.cmpi slt, %add3A_241, %select_n3A : i32
        %convert_element_type3A_243 = arith.extui %lt3A_242 : i1 to i32
        %cond3A_244 = arith.constant 0 : i32
        %cond3A_245 = arith.cmpi ne, %convert_element_type3A_243, %cond3A_244 : i32
        scf.if %cond3A_245 {
          %mul3A_253 = arith.constant 32 : i32
          %mul3A_254 = arith.muli %add3A_241, %mul3A_253 : i32
          %add3A_255 = arith.addi %get3A_128, %mul3A_254 : i32
          %mul3A_256 = arith.constant 32 : i32
          %mul3A_257 = arith.muli %add3A_241, %mul3A_256 : i32
          %add3A_258 = arith.constant 0 : i32
          %add3A_259 = arith.addi %mul3A_257, %add3A_258 : i32
          %add3A_260 = vector.broadcast %add3A_259 : i32 to vector<16xi32>
          %add3A_261 = arith.addi %add3A_260, %iota3A : vector<16xi32>
          %lt3A_262 = vector.broadcast %get3A_130 : i32 to vector<16xi32>
          %lt3A_263 = arith.cmpi slt, %add3A_261, %lt3A_262 : vector<16xi32>
          %add3A_264 = arith.constant 0 : i32
          %add3A_265 = arith.addi %add3A_255, %add3A_264 : i32
          %get3A_266 = arith.index_cast %add3A_265 : i32 to index
          %get3A_267 = tpu.vector_load %arg13[%get3A_266] {strides = array<i32>} : memref<10304xi32, #tpu.memory_space<vmem>>, vector<16xi32>,
          %add3A_268 = arith.constant 0 : i32
          %add3A_269 = arith.addi %add3A_255, %add3A_268 : i32
          %get3A_270 = arith.index_cast %add3A_269 : i32 to index
          %get3A_271 = tpu.vector_load %arg14[%get3A_270] {strides = array<i32>} : memref<10304xi32, #tpu.memory_space<vmem>>, vector<16xi32>,
          %shift_right_logical3A = arith.constant 6 : i32
          %shift_right_logical3A_272 = vector.broadcast %shift_right_logical3A : i32 to vector<16xi32>
          %shift_right_logical3A_273 = arith.shrui %get3A_267, %shift_right_logical3A_272 : vector<16xi32>
          %and3A_274 = arith.constant 63 : i32
          %and3A_275 = vector.broadcast %and3A_274 : i32 to vector<16xi32>
          %and3A_276 = arith.andi %get3A_267, %and3A_275 : vector<16xi32>
          %sub3A_277 = vector.broadcast %add3A : i32 to vector<16xi32>
          %sub3A_278 = arith.subi %shift_right_logical3A_273, %sub3A_277 : vector<16xi32>
          %ge3A = arith.constant 32 : i32
          %ge3A_279 = vector.broadcast %ge3A : i32 to vector<16xi32>
          %ge3A_280 = arith.cmpi sge, %and3A_276, %ge3A_279 : vector<16xi32>
          %jit3A_281 = arith.constant 768 : i32
          %jit3A_282 = arith.constant 0 : i32
          %broadcast_in_dim3A_283 = vector.broadcast %jit3A_281 : i32 to vector<16xi32>
          %broadcast_in_dim3A_284 = vector.broadcast %jit3A_282 : i32 to vector<16xi32>
          %select_n3A_285 = arith.select %ge3A_280, %broadcast_in_dim3A_283, %broadcast_in_dim3A_284 : vector<16xi1>, vector<16xi32>
          %add3A_286 = arith.addi %sub3A_278, %select_n3A_285 : vector<16xi32>
          %mul3A_287 = arith.constant 64 : i32
          %mul3A_288 = arith.muli %add3A, %mul3A_287 : i32
          %sub3A_289 = vector.broadcast %mul3A_288 : i32 to vector<16xi32>
          %sub3A_290 = arith.subi %get3A_267, %sub3A_289 : vector<16xi32>
          %jit3A_291 = arith.constant 0 : i32
          %broadcast_in_dim3A_292 = vector.broadcast %jit3A_291 : i32 to vector<16xi32>
          %select_n3A_293 = arith.select %lt3A_263, %sub3A_290, %broadcast_in_dim3A_292 : vector<16xi1>, vector<16xi32>
          %unique3A, %unique3A_294 = tpu.scan_count mask(%lt3A_263 : vector<16xi1>) value(%select_n3A_293 : vector<16xi32>) : vector<16xi1>, vector<16xi32>
          %shift_right_logical3A_295 = arith.constant 7 : i32
          %shift_right_logical3A_296 = vector.broadcast %shift_right_logical3A_295 : i32 to vector<16xi32>
          %shift_right_logical3A_297 = arith.shrui %select_n3A_293, %shift_right_logical3A_296 : vector<16xi32>
          %and3A_298 = arith.constant 127 : i32
          %and3A_299 = vector.broadcast %and3A_298 : i32 to vector<16xi32>
          %and3A_300 = arith.andi %select_n3A_293, %and3A_299 : vector<16xi32>
          tpu.vector_store_idx %arg19[%shift_right_logical3A_297, %and3A_300], %unique3A_294 masked %unique3A {add = true} : memref<384x128xi32, #tpu.memory_space<vmem>>[vector<16xi32>, vector<16xi32>], vector<16xi32>, vector<16xi1>
          %jit3A_301 = arith.constant 0 : i32
          %broadcast_in_dim3A_302 = vector.broadcast %jit3A_301 : i32 to vector<16xi32>
          %select_n3A_303 = arith.select %lt3A_263, %get3A_271, %broadcast_in_dim3A_302 : vector<16xi1>, vector<16xi32>
          %swap3A_304 = arith.constant 0 : i32
          %swap3A_305 = arith.index_cast %swap3A_304 : i32 to index
          %swap3A_306 = arith.constant 0 : index
          %swap3A_307 = tpu.vector_load %arg15[%swap3A_305, %swap3A_306] {strides = array<i32>} : memref<2x32xi32, #tpu.memory_space<vmem>>, vector<16xi32>,
          tpu.vector_store %arg15[%swap3A_305, %swap3A_306], %select_n3A_303 {strides = array<i32>} : memref<2x32xi32, #tpu.memory_space<vmem>>, vector<16xi32>,
          %add3A_308 = arith.constant 1536 : i32
          %add3A_309 = arith.addi %add3A_308, %arg1 : i32
          %broadcast_in_dim3A_310 = vector.broadcast %add3A_309 : i32 to vector<16xi32>
          %select_n3A_311 = arith.select %lt3A_263, %add3A_286, %broadcast_in_dim3A_310 : vector<16xi1>, vector<16xi32>
          %swap3A_312 = arith.constant 0 : i32
          %swap3A_313 = arith.index_cast %swap3A_312 : i32 to index
          %swap3A_314 = arith.constant 0 : index
          %swap3A_315 = tpu.vector_load %arg16[%swap3A_313, %swap3A_314] {strides = array<i32>} : memref<2x32xi32, #tpu.memory_space<vmem>>, vector<16xi32>,
          tpu.vector_store %arg16[%swap3A_313, %swap3A_314], %select_n3A_311 {strides = array<i32>} : memref<2x32xi32, #tpu.memory_space<vmem>>, vector<16xi32>,
          %mul3A_316 = arith.constant 32 : i32
          %mul3A_317 = arith.muli %add3A_241, %mul3A_316 : i32
          %add3A_318 = arith.constant 16 : i32
          %add3A_319 = arith.addi %mul3A_317, %add3A_318 : i32
          %add3A_320 = vector.broadcast %add3A_319 : i32 to vector<16xi32>
          %add3A_321 = arith.addi %add3A_320, %iota3A : vector<16xi32>
          %lt3A_322 = vector.broadcast %get3A_130 : i32 to vector<16xi32>
          %lt3A_323 = arith.cmpi slt, %add3A_321, %lt3A_322 : vector<16xi32>
          %add3A_324 = arith.constant 16 : i32
          %add3A_325 = arith.addi %add3A_255, %add3A_324 : i32
          %get3A_326 = arith.index_cast %add3A_325 : i32 to index
          %get3A_327 = tpu.vector_load %arg13[%get3A_326] {strides = array<i32>} : memref<10304xi32, #tpu.memory_space<vmem>>, vector<16xi32>,
          %add3A_328 = arith.constant 16 : i32
          %add3A_329 = arith.addi %add3A_255, %add3A_328 : i32
          %get3A_330 = arith.index_cast %add3A_329 : i32 to index
          %get3A_331 = tpu.vector_load %arg14[%get3A_330] {strides = array<i32>} : memref<10304xi32, #tpu.memory_space<vmem>>, vector<16xi32>,
          %shift_right_logical3A_332 = arith.constant 6 : i32
          %shift_right_logical3A_333 = vector.broadcast %shift_right_logical3A_332 : i32 to vector<16xi32>
          %shift_right_logical3A_334 = arith.shrui %get3A_327, %shift_right_logical3A_333 : vector<16xi32>
          %and3A_335 = arith.constant 63 : i32
          %and3A_336 = vector.broadcast %and3A_335 : i32 to vector<16xi32>
          %and3A_337 = arith.andi %get3A_327, %and3A_336 : vector<16xi32>
          %sub3A_338 = vector.broadcast %add3A : i32 to vector<16xi32>
          %sub3A_339 = arith.subi %shift_right_logical3A_334, %sub3A_338 : vector<16xi32>
          %ge3A_340 = arith.constant 32 : i32
          %ge3A_341 = vector.broadcast %ge3A_340 : i32 to vector<16xi32>
          %ge3A_342 = arith.cmpi sge, %and3A_337, %ge3A_341 : vector<16xi32>
          %jit3A_343 = arith.constant 768 : i32
          %jit3A_344 = arith.constant 0 : i32
          %broadcast_in_dim3A_345 = vector.broadcast %jit3A_343 : i32 to vector<16xi32>
          %broadcast_in_dim3A_346 = vector.broadcast %jit3A_344 : i32 to vector<16xi32>
          %select_n3A_347 = arith.select %ge3A_342, %broadcast_in_dim3A_345, %broadcast_in_dim3A_346 : vector<16xi1>, vector<16xi32>
          %add3A_348 = arith.addi %sub3A_339, %select_n3A_347 : vector<16xi32>
          %mul3A_349 = arith.constant 64 : i32
          %mul3A_350 = arith.muli %add3A, %mul3A_349 : i32
          %sub3A_351 = vector.broadcast %mul3A_350 : i32 to vector<16xi32>
          %sub3A_352 = arith.subi %get3A_327, %sub3A_351 : vector<16xi32>
          %jit3A_353 = arith.constant 0 : i32
          %broadcast_in_dim3A_354 = vector.broadcast %jit3A_353 : i32 to vector<16xi32>
          %select_n3A_355 = arith.select %lt3A_323, %sub3A_352, %broadcast_in_dim3A_354 : vector<16xi1>, vector<16xi32>
          %unique3A_356, %unique3A_357 = tpu.scan_count mask(%lt3A_323 : vector<16xi1>) value(%select_n3A_355 : vector<16xi32>) : vector<16xi1>, vector<16xi32>
          %shift_right_logical3A_358 = arith.constant 7 : i32
          %shift_right_logical3A_359 = vector.broadcast %shift_right_logical3A_358 : i32 to vector<16xi32>
          %shift_right_logical3A_360 = arith.shrui %select_n3A_355, %shift_right_logical3A_359 : vector<16xi32>
          %and3A_361 = arith.constant 127 : i32
          %and3A_362 = vector.broadcast %and3A_361 : i32 to vector<16xi32>
          %and3A_363 = arith.andi %select_n3A_355, %and3A_362 : vector<16xi32>
          tpu.vector_store_idx %arg19[%shift_right_logical3A_360, %and3A_363], %unique3A_357 masked %unique3A_356 {add = true} : memref<384x128xi32, #tpu.memory_space<vmem>>[vector<16xi32>, vector<16xi32>], vector<16xi32>, vector<16xi1>
          %jit3A_364 = arith.constant 0 : i32
          %broadcast_in_dim3A_365 = vector.broadcast %jit3A_364 : i32 to vector<16xi32>
          %select_n3A_366 = arith.select %lt3A_323, %get3A_331, %broadcast_in_dim3A_365 : vector<16xi1>, vector<16xi32>
          %swap3A_367 = arith.constant 0 : i32
          %swap3A_368 = arith.index_cast %swap3A_367 : i32 to index
          %swap3A_369 = arith.constant 16 : index
          %swap3A_370 = tpu.vector_load %arg15[%swap3A_368, %swap3A_369] {strides = array<i32>} : memref<2x32xi32, #tpu.memory_space<vmem>>, vector<16xi32>,
          tpu.vector_store %arg15[%swap3A_368, %swap3A_369], %select_n3A_366 {strides = array<i32>} : memref<2x32xi32, #tpu.memory_space<vmem>>, vector<16xi32>,
          %add3A_371 = arith.constant 1536 : i32
          %add3A_372 = arith.addi %add3A_371, %arg1 : i32
          %broadcast_in_dim3A_373 = vector.broadcast %add3A_372 : i32 to vector<16xi32>
          %select_n3A_374 = arith.select %lt3A_323, %add3A_348, %broadcast_in_dim3A_373 : vector<16xi1>, vector<16xi32>
          %swap3A_375 = arith.constant 0 : i32
          %swap3A_376 = arith.index_cast %swap3A_375 : i32 to index
          %swap3A_377 = arith.constant 16 : index
          %swap3A_378 = tpu.vector_load %arg16[%swap3A_376, %swap3A_377] {strides = array<i32>} : memref<2x32xi32, #tpu.memory_space<vmem>>, vector<16xi32>,
          tpu.vector_store %arg16[%swap3A_376, %swap3A_377], %select_n3A_374 {strides = array<i32>} : memref<2x32xi32, #tpu.memory_space<vmem>>, vector<16xi32>,
          %dma_start3A = arith.constant 0 : i32
          %dma_start3A_379 = arith.constant 0 : i32
          %dma_start3A_380 = arith.constant 0 : i32
          %dma_start3A_381 = arith.constant 0 : i32
          %dma_start3A_382 = tpu.memref_slice %arg18[%dma_start3A_379, %dma_start3A_380, %dma_start3A_381] : memref<2x32x256xf32, #tpu.memory_space<vmem>> -> memref<1x32x256xf32, #tpu.memory_space<vmem>>
          %dma_start3A_383 = tpu.memref_squeeze %dma_start3A_382 : memref<1x32x256xf32, #tpu.memory_space<vmem>> -> memref<32x256xf32, #tpu.memory_space<vmem>>
          %dma_start3A_384 = arith.constant 0 : i32
          %dma_start3A_385 = tpu.memref_slice %arg15[%dma_start3A, %dma_start3A_384] : memref<2x32xi32, #tpu.memory_space<vmem>> -> memref<1x32xi32, #tpu.memory_space<vmem>>
          %dma_start3A_386 = tpu.memref_squeeze %dma_start3A_385 : memref<1x32xi32, #tpu.memory_space<vmem>> -> memref<32xi32, #tpu.memory_space<vmem>>
          %dma_start3A_387 = arith.constant 0 : i32
          %dma_start3A_388 = arith.constant 0 : i32
          %dma_start3A_389 = tpu.memref_slice %arg2[%dma_start3A_387, %dma_start3A_388] : memref<10000x256xf32, #tpu.memory_space<hbm>> -> memref<10000x256xf32, #tpu.memory_space<hbm>>
          tpu.enqueue_indirect_dma source(%dma_start3A_389 : memref<10000x256xf32, #tpu.memory_space<hbm>>) target(%dma_start3A_383 : memref<32x256xf32, #tpu.memory_space<vmem>>) offsets(%dma_start3A_386 : memref<32xi32, #tpu.memory_space<vmem>>) semaphore(%arg26 : memref<!tpu.dma_semaphore, #tpu.memory_space<semaphore_mem>>)
        } else {
        }
        %add3A_246 = arith.constant 1 : i32
        %add3A_247 = arith.addi %mul3A_229, %add3A_246 : i32
        %lt3A_248 = arith.cmpi slt, %add3A_247, %select_n3A : i32
        %convert_element_type3A_249 = arith.extui %lt3A_248 : i1 to i32
        %cond3A_250 = arith.constant 0 : i32
        %cond3A_251 = arith.cmpi ne, %convert_element_type3A_249, %cond3A_250 : i32
        scf.if %cond3A_251 {
          %dma_wait3A = arith.constant 1 : i32
          %dma_wait3A_253 = arith.constant 1 : i32
          %dma_wait3A_254 = arith.constant 0 : i32
          %dma_wait3A_255 = arith.constant 0 : i32
          %dma_wait3A_256 = tpu.memref_slice %arg18[%dma_wait3A_253, %dma_wait3A_254, %dma_wait3A_255] : memref<2x32x256xf32, #tpu.memory_space<vmem>> -> memref<1x32x256xf32, #tpu.memory_space<vmem>>
          %dma_wait3A_257 = tpu.memref_squeeze %dma_wait3A_256 : memref<1x32x256xf32, #tpu.memory_space<vmem>> -> memref<32x256xf32, #tpu.memory_space<vmem>>
          %dma_wait3A_258 = arith.constant 0 : i32
          %dma_wait3A_259 = tpu.memref_slice %arg15[%dma_wait3A, %dma_wait3A_258] : memref<2x32xi32, #tpu.memory_space<vmem>> -> memref<1x32xi32, #tpu.memory_space<vmem>>
          %dma_wait3A_260 = tpu.memref_squeeze %dma_wait3A_259 : memref<1x32xi32, #tpu.memory_space<vmem>> -> memref<32xi32, #tpu.memory_space<vmem>>
          %dma_wait3A_261 = arith.constant 0 : i32
          %dma_wait3A_262 = arith.constant 0 : i32
          %dma_wait3A_263 = tpu.memref_slice %arg2[%dma_wait3A_261, %dma_wait3A_262] : memref<10000x256xf32, #tpu.memory_space<hbm>> -> memref<10000x256xf32, #tpu.memory_space<hbm>>
          tpu.wait_indirect_dma semaphore(%arg27 : memref<!tpu.dma_semaphore, #tpu.memory_space<semaphore_mem>>) src(%dma_wait3A_263 : memref<10000x256xf32, #tpu.memory_space<hbm>>) dst(%dma_wait3A_257 : memref<32x256xf32, #tpu.memory_space<vmem>>)
          %run_scoped3A = arith.constant 1 : i32
          %run_scoped3A_264 = arith.constant 1 : i32
          "tpu.region"() ({
            %run_scoped3A_265 = tpu.sem_alloc : memref<!tpu.dma_semaphore, #tpu.memory_space<semaphore_mem>>
            %dma_start3A = arith.constant 0 : i32
            %dma_start3A_266 = arith.constant 0 : i32
            %dma_start3A_267 = tpu.memref_slice %arg18[%run_scoped3A, %dma_start3A, %dma_start3A_266] : memref<2x32x256xf32, #tpu.memory_space<vmem>> -> memref<1x32x256xf32, #tpu.memory_space<vmem>>
            %dma_start3A_268 = tpu.memref_squeeze %dma_start3A_267 : memref<1x32x256xf32, #tpu.memory_space<vmem>> -> memref<32x256xf32, #tpu.memory_space<vmem>>
            %dma_start3A_269 = arith.constant 0 : i32
            %dma_start3A_270 = tpu.memref_slice %arg16[%run_scoped3A_264, %dma_start3A_269] : memref<2x32xi32, #tpu.memory_space<vmem>> -> memref<1x32xi32, #tpu.memory_space<vmem>>
            %dma_start3A_271 = tpu.memref_squeeze %dma_start3A_270 : memref<1x32xi32, #tpu.memory_space<vmem>> -> memref<32xi32, #tpu.memory_space<vmem>>
            %dma_start3A_272 = arith.constant 0 : i32
            %dma_start3A_273 = arith.constant 0 : i32
            %dma_start3A_274 = tpu.memref_slice %arg20[%dma_start3A_272, %dma_start3A_273] : memref<1552x256xf32, #tpu.memory_space<vmem_shared>> -> memref<1552x256xf32, #tpu.memory_space<vmem_shared>>
            tpu.enqueue_indirect_dma source(%dma_start3A_268 : memref<32x256xf32, #tpu.memory_space<vmem>>) target(%dma_start3A_274 : memref<1552x256xf32, #tpu.memory_space<vmem_shared>>) offsets(%dma_start3A_271 : memref<32xi32, #tpu.memory_space<vmem>>) semaphore(%run_scoped3A_265 : memref<!tpu.dma_semaphore, #tpu.memory_space<semaphore_mem>>) {add = true}
            %dma_wait3A_275 = arith.constant 0 : i32
            %dma_wait3A_276 = arith.constant 0 : i32
            %dma_wait3A_277 = tpu.memref_slice %arg18[%run_scoped3A, %dma_wait3A_275, %dma_wait3A_276] : memref<2x32x256xf32, #tpu.memory_space<vmem>> -> memref<1x32x256xf32, #tpu.memory_space<vmem>>
            %dma_wait3A_278 = tpu.memref_squeeze %dma_wait3A_277 : memref<1x32x256xf32, #tpu.memory_space<vmem>> -> memref<32x256xf32, #tpu.memory_space<vmem>>
            %dma_wait3A_279 = arith.constant 0 : i32
            %dma_wait3A_280 = tpu.memref_slice %arg16[%run_scoped3A_264, %dma_wait3A_279] : memref<2x32xi32, #tpu.memory_space<vmem>> -> memref<1x32xi32, #tpu.memory_space<vmem>>
            %dma_wait3A_281 = tpu.memref_squeeze %dma_wait3A_280 : memref<1x32xi32, #tpu.memory_space<vmem>> -> memref<32xi32, #tpu.memory_space<vmem>>
            %dma_wait3A_282 = arith.constant 0 : i32
            %dma_wait3A_283 = arith.constant 0 : i32
            %dma_wait3A_284 = tpu.memref_slice %arg20[%dma_wait3A_282, %dma_wait3A_283] : memref<1552x256xf32, #tpu.memory_space<vmem_shared>> -> memref<1552x256xf32, #tpu.memory_space<vmem_shared>>
            tpu.wait_indirect_dma semaphore(%run_scoped3A_265 : memref<!tpu.dma_semaphore, #tpu.memory_space<semaphore_mem>>) src(%dma_wait3A_278 : memref<32x256xf32, #tpu.memory_space<vmem>>) dst(%dma_wait3A_284 : memref<1552x256xf32, #tpu.memory_space<vmem_shared>>)
            tpu.yield
          }) : () -> ()
        } else {
        }
        %while3A_252 = arith.constant 0 : i32
        scf.yield %while3A_252 : i32
      }
      %while3A_193 = arith.constant 1 : i32
      %while3A_194 = scf.for %while3A_226 = %while3A_190 to %while3A_186 step %while3A_193 iter_args(%while3A_227 = %while3A_192) -> (i32)  : i32 {
        %mul3A_228 = arith.constant 2 : i32
        %mul3A_229 = arith.muli %while3A_226, %mul3A_228 : i32
        %add3A_230 = arith.constant 1 : i32
        %add3A_231 = arith.addi %mul3A_229, %add3A_230 : i32
        %lt3A_232 = arith.cmpi slt, %add3A_231, %select_n3A : i32
        %convert_element_type3A_233 = arith.extui %lt3A_232 : i1 to i32
        %cond3A_234 = arith.constant 0 : i32
        %cond3A_235 = arith.cmpi ne, %convert_element_type3A_233, %cond3A_234 : i32
        scf.if %cond3A_235 {
          %mul3A_253 = arith.constant 32 : i32
          %mul3A_254 = arith.muli %add3A_231, %mul3A_253 : i32
          %add3A_255 = arith.addi %get3A_128, %mul3A_254 : i32
          %mul3A_256 = arith.constant 32 : i32
          %mul3A_257 = arith.muli %add3A_231, %mul3A_256 : i32
          %add3A_258 = arith.constant 0 : i32
          %add3A_259 = arith.addi %mul3A_257, %add3A_258 : i32
          %add3A_260 = vector.broadcast %add3A_259 : i32 to vector<16xi32>
          %add3A_261 = arith.addi %add3A_260, %iota3A : vector<16xi32>
          %lt3A_262 = vector.broadcast %get3A_130 : i32 to vector<16xi32>
          %lt3A_263 = arith.cmpi slt, %add3A_261, %lt3A_262 : vector<16xi32>
          %add3A_264 = arith.constant 0 : i32
          %add3A_265 = arith.addi %add3A_255, %add3A_264 : i32
          %get3A_266 = arith.index_cast %add3A_265 : i32 to index
          %get3A_267 = tpu.vector_load %arg13[%get3A_266] {strides = array<i32>} : memref<10304xi32, #tpu.memory_space<vmem>>, vector<16xi32>,
          %add3A_268 = arith.constant 0 : i32
          %add3A_269 = arith.addi %add3A_255, %add3A_268 : i32
          %get3A_270 = arith.index_cast %add3A_269 : i32 to index
          %get3A_271 = tpu.vector_load %arg14[%get3A_270] {strides = array<i32>} : memref<10304xi32, #tpu.memory_space<vmem>>, vector<16xi32>,
          %shift_right_logical3A = arith.constant 6 : i32
          %shift_right_logical3A_272 = vector.broadcast %shift_right_logical3A : i32 to vector<16xi32>
          %shift_right_logical3A_273 = arith.shrui %get3A_267, %shift_right_logical3A_272 : vector<16xi32>
          %and3A_274 = arith.constant 63 : i32
          %and3A_275 = vector.broadcast %and3A_274 : i32 to vector<16xi32>
          %and3A_276 = arith.andi %get3A_267, %and3A_275 : vector<16xi32>
          %sub3A_277 = vector.broadcast %add3A : i32 to vector<16xi32>
          %sub3A_278 = arith.subi %shift_right_logical3A_273, %sub3A_277 : vector<16xi32>
          %ge3A = arith.constant 32 : i32
          %ge3A_279 = vector.broadcast %ge3A : i32 to vector<16xi32>
          %ge3A_280 = arith.cmpi sge, %and3A_276, %ge3A_279 : vector<16xi32>
          %jit3A_281 = arith.constant 768 : i32
          %jit3A_282 = arith.constant 0 : i32
          %broadcast_in_dim3A_283 = vector.broadcast %jit3A_281 : i32 to vector<16xi32>
          %broadcast_in_dim3A_284 = vector.broadcast %jit3A_282 : i32 to vector<16xi32>
          %select_n3A_285 = arith.select %ge3A_280, %broadcast_in_dim3A_283, %broadcast_in_dim3A_284 : vector<16xi1>, vector<16xi32>
          %add3A_286 = arith.addi %sub3A_278, %select_n3A_285 : vector<16xi32>
          %mul3A_287 = arith.constant 64 : i32
          %mul3A_288 = arith.muli %add3A, %mul3A_287 : i32
          %sub3A_289 = vector.broadcast %mul3A_288 : i32 to vector<16xi32>
          %sub3A_290 = arith.subi %get3A_267, %sub3A_289 : vector<16xi32>
          %jit3A_291 = arith.constant 0 : i32
          %broadcast_in_dim3A_292 = vector.broadcast %jit3A_291 : i32 to vector<16xi32>
          %select_n3A_293 = arith.select %lt3A_263, %sub3A_290, %broadcast_in_dim3A_292 : vector<16xi1>, vector<16xi32>
          %unique3A, %unique3A_294 = tpu.scan_count mask(%lt3A_263 : vector<16xi1>) value(%select_n3A_293 : vector<16xi32>) : vector<16xi1>, vector<16xi32>
          %shift_right_logical3A_295 = arith.constant 7 : i32
          %shift_right_logical3A_296 = vector.broadcast %shift_right_logical3A_295 : i32 to vector<16xi32>
          %shift_right_logical3A_297 = arith.shrui %select_n3A_293, %shift_right_logical3A_296 : vector<16xi32>
          %and3A_298 = arith.constant 127 : i32
          %and3A_299 = vector.broadcast %and3A_298 : i32 to vector<16xi32>
          %and3A_300 = arith.andi %select_n3A_293, %and3A_299 : vector<16xi32>
          tpu.vector_store_idx %arg19[%shift_right_logical3A_297, %and3A_300], %unique3A_294 masked %unique3A {add = true} : memref<384x128xi32, #tpu.memory_space<vmem>>[vector<16xi32>, vector<16xi32>], vector<16xi32>, vector<16xi1>
          %jit3A_301 = arith.constant 0 : i32
          %broadcast_in_dim3A_302 = vector.broadcast %jit3A_301 : i32 to vector<16xi32>
          %select_n3A_303 = arith.select %lt3A_263, %get3A_271, %broadcast_in_dim3A_302 : vector<16xi1>, vector<16xi32>
          %swap3A_304 = arith.constant 1 : i32
          %swap3A_305 = arith.index_cast %swap3A_304 : i32 to index
          %swap3A_306 = arith.constant 0 : index
          %swap3A_307 = tpu.vector_load %arg15[%swap3A_305, %swap3A_306] {strides = array<i32>} : memref<2x32xi32, #tpu.memory_space<vmem>>, vector<16xi32>,
          tpu.vector_store %arg15[%swap3A_305, %swap3A_306], %select_n3A_303 {strides = array<i32>} : memref<2x32xi32, #tpu.memory_space<vmem>>, vector<16xi32>,
          %add3A_308 = arith.constant 1536 : i32
          %add3A_309 = arith.addi %add3A_308, %arg1 : i32
          %broadcast_in_dim3A_310 = vector.broadcast %add3A_309 : i32 to vector<16xi32>
          %select_n3A_311 = arith.select %lt3A_263, %add3A_286, %broadcast_in_dim3A_310 : vector<16xi1>, vector<16xi32>
          %swap3A_312 = arith.constant 1 : i32
          %swap3A_313 = arith.index_cast %swap3A_312 : i32 to index
          %swap3A_314 = arith.constant 0 : index
          %swap3A_315 = tpu.vector_load %arg16[%swap3A_313, %swap3A_314] {strides = array<i32>} : memref<2x32xi32, #tpu.memory_space<vmem>>, vector<16xi32>,
          tpu.vector_store %arg16[%swap3A_313, %swap3A_314], %select_n3A_311 {strides = array<i32>} : memref<2x32xi32, #tpu.memory_space<vmem>>, vector<16xi32>,
          %mul3A_316 = arith.constant 32 : i32
          %mul3A_317 = arith.muli %add3A_231, %mul3A_316 : i32
          %add3A_318 = arith.constant 16 : i32
          %add3A_319 = arith.addi %mul3A_317, %add3A_318 : i32
          %add3A_320 = vector.broadcast %add3A_319 : i32 to vector<16xi32>
          %add3A_321 = arith.addi %add3A_320, %iota3A : vector<16xi32>
          %lt3A_322 = vector.broadcast %get3A_130 : i32 to vector<16xi32>
          %lt3A_323 = arith.cmpi slt, %add3A_321, %lt3A_322 : vector<16xi32>
          %add3A_324 = arith.constant 16 : i32
          %add3A_325 = arith.addi %add3A_255, %add3A_324 : i32
          %get3A_326 = arith.index_cast %add3A_325 : i32 to index
          %get3A_327 = tpu.vector_load %arg13[%get3A_326] {strides = array<i32>} : memref<10304xi32, #tpu.memory_space<vmem>>, vector<16xi32>,
          %add3A_328 = arith.constant 16 : i32
          %add3A_329 = arith.addi %add3A_255, %add3A_328 : i32
          %get3A_330 = arith.index_cast %add3A_329 : i32 to index
          %get3A_331 = tpu.vector_load %arg14[%get3A_330] {strides = array<i32>} : memref<10304xi32, #tpu.memory_space<vmem>>, vector<16xi32>,
          %shift_right_logical3A_332 = arith.constant 6 : i32
          %shift_right_logical3A_333 = vector.broadcast %shift_right_logical3A_332 : i32 to vector<16xi32>
          %shift_right_logical3A_334 = arith.shrui %get3A_327, %shift_right_logical3A_333 : vector<16xi32>
          %and3A_335 = arith.constant 63 : i32
          %and3A_336 = vector.broadcast %and3A_335 : i32 to vector<16xi32>
          %and3A_337 = arith.andi %get3A_327, %and3A_336 : vector<16xi32>
          %sub3A_338 = vector.broadcast %add3A : i32 to vector<16xi32>
          %sub3A_339 = arith.subi %shift_right_logical3A_334, %sub3A_338 : vector<16xi32>
          %ge3A_340 = arith.constant 32 : i32
          %ge3A_341 = vector.broadcast %ge3A_340 : i32 to vector<16xi32>
          %ge3A_342 = arith.cmpi sge, %and3A_337, %ge3A_341 : vector<16xi32>
          %jit3A_343 = arith.constant 768 : i32
          %jit3A_344 = arith.constant 0 : i32
          %broadcast_in_dim3A_345 = vector.broadcast %jit3A_343 : i32 to vector<16xi32>
          %broadcast_in_dim3A_346 = vector.broadcast %jit3A_344 : i32 to vector<16xi32>
          %select_n3A_347 = arith.select %ge3A_342, %broadcast_in_dim3A_345, %broadcast_in_dim3A_346 : vector<16xi1>, vector<16xi32>
          %add3A_348 = arith.addi %sub3A_339, %select_n3A_347 : vector<16xi32>
          %mul3A_349 = arith.constant 64 : i32
          %mul3A_350 = arith.muli %add3A, %mul3A_349 : i32
          %sub3A_351 = vector.broadcast %mul3A_350 : i32 to vector<16xi32>
          %sub3A_352 = arith.subi %get3A_327, %sub3A_351 : vector<16xi32>
          %jit3A_353 = arith.constant 0 : i32
          %broadcast_in_dim3A_354 = vector.broadcast %jit3A_353 : i32 to vector<16xi32>
          %select_n3A_355 = arith.select %lt3A_323, %sub3A_352, %broadcast_in_dim3A_354 : vector<16xi1>, vector<16xi32>
          %unique3A_356, %unique3A_357 = tpu.scan_count mask(%lt3A_323 : vector<16xi1>) value(%select_n3A_355 : vector<16xi32>) : vector<16xi1>, vector<16xi32>
          %shift_right_logical3A_358 = arith.constant 7 : i32
          %shift_right_logical3A_359 = vector.broadcast %shift_right_logical3A_358 : i32 to vector<16xi32>
          %shift_right_logical3A_360 = arith.shrui %select_n3A_355, %shift_right_logical3A_359 : vector<16xi32>
          %and3A_361 = arith.constant 127 : i32
          %and3A_362 = vector.broadcast %and3A_361 : i32 to vector<16xi32>
          %and3A_363 = arith.andi %select_n3A_355, %and3A_362 : vector<16xi32>
          tpu.vector_store_idx %arg19[%shift_right_logical3A_360, %and3A_363], %unique3A_357 masked %unique3A_356 {add = true} : memref<384x128xi32, #tpu.memory_space<vmem>>[vector<16xi32>, vector<16xi32>], vector<16xi32>, vector<16xi1>
          %jit3A_364 = arith.constant 0 : i32
          %broadcast_in_dim3A_365 = vector.broadcast %jit3A_364 : i32 to vector<16xi32>
          %select_n3A_366 = arith.select %lt3A_323, %get3A_331, %broadcast_in_dim3A_365 : vector<16xi1>, vector<16xi32>
          %swap3A_367 = arith.constant 1 : i32
          %swap3A_368 = arith.index_cast %swap3A_367 : i32 to index
          %swap3A_369 = arith.constant 16 : index
          %swap3A_370 = tpu.vector_load %arg15[%swap3A_368, %swap3A_369] {strides = array<i32>} : memref<2x32xi32, #tpu.memory_space<vmem>>, vector<16xi32>,
          tpu.vector_store %arg15[%swap3A_368, %swap3A_369], %select_n3A_366 {strides = array<i32>} : memref<2x32xi32, #tpu.memory_space<vmem>>, vector<16xi32>,
          %add3A_371 = arith.constant 1536 : i32
          %add3A_372 = arith.addi %add3A_371, %arg1 : i32
          %broadcast_in_dim3A_373 = vector.broadcast %add3A_372 : i32 to vector<16xi32>
          %select_n3A_374 = arith.select %lt3A_323, %add3A_348, %broadcast_in_dim3A_373 : vector<16xi1>, vector<16xi32>
          %swap3A_375 = arith.constant 1 : i32
          %swap3A_376 = arith.index_cast %swap3A_375 : i32 to index
          %swap3A_377 = arith.constant 16 : index
          %swap3A_378 = tpu.vector_load %arg16[%swap3A_376, %swap3A_377] {strides = array<i32>} : memref<2x32xi32, #tpu.memory_space<vmem>>, vector<16xi32>,
          tpu.vector_store %arg16[%swap3A_376, %swap3A_377], %select_n3A_374 {strides = array<i32>} : memref<2x32xi32, #tpu.memory_space<vmem>>, vector<16xi32>,
          %dma_start3A = arith.constant 1 : i32
          %dma_start3A_379 = arith.constant 1 : i32
          %dma_start3A_380 = arith.constant 0 : i32
          %dma_start3A_381 = arith.constant 0 : i32
          %dma_start3A_382 = tpu.memref_slice %arg18[%dma_start3A_379, %dma_start3A_380, %dma_start3A_381] : memref<2x32x256xf32, #tpu.memory_space<vmem>> -> memref<1x32x256xf32, #tpu.memory_space<vmem>>
          %dma_start3A_383 = tpu.memref_squeeze %dma_start3A_382 : memref<1x32x256xf32, #tpu.memory_space<vmem>> -> memref<32x256xf32, #tpu.memory_space<vmem>>
          %dma_start3A_384 = arith.constant 0 : i32
          %dma_start3A_385 = tpu.memref_slice %arg15[%dma_start3A, %dma_start3A_384] : memref<2x32xi32, #tpu.memory_space<vmem>> -> memref<1x32xi32, #tpu.memory_space<vmem>>
          %dma_start3A_386 = tpu.memref_squeeze %dma_start3A_385 : memref<1x32xi32, #tpu.memory_space<vmem>> -> memref<32xi32, #tpu.memory_space<vmem>>
          %dma_start3A_387 = arith.constant 0 : i32
          %dma_start3A_388 = arith.constant 0 : i32
          %dma_start3A_389 = tpu.memref_slice %arg2[%dma_start3A_387, %dma_start3A_388] : memref<10000x256xf32, #tpu.memory_space<hbm>> -> memref<10000x256xf32, #tpu.memory_space<hbm>>
          tpu.enqueue_indirect_dma source(%dma_start3A_389 : memref<10000x256xf32, #tpu.memory_space<hbm>>) target(%dma_start3A_383 : memref<32x256xf32, #tpu.memory_space<vmem>>) offsets(%dma_start3A_386 : memref<32xi32, #tpu.memory_space<vmem>>) semaphore(%arg27 : memref<!tpu.dma_semaphore, #tpu.memory_space<semaphore_mem>>)
        } else {
        }
        %lt3A_236 = arith.cmpi slt, %mul3A_229, %select_n3A : i32
        %convert_element_type3A_237 = arith.extui %lt3A_236 : i1 to i32
        %cond3A_238 = arith.constant 0 : i32
        %cond3A_239 = arith.cmpi ne, %convert_element_type3A_237, %cond3A_238 : i32
        scf.if %cond3A_239 {
          %dma_wait3A = arith.constant 0 : i32
          %dma_wait3A_253 = arith.constant 0 : i32
          %dma_wait3A_254 = arith.constant 0 : i32
          %dma_wait3A_255 = arith.constant 0 : i32
          %dma_wait3A_256 = tpu.memref_slice %arg18[%dma_wait3A_253, %dma_wait3A_254, %dma_wait3A_255] : memref<2x32x256xf32, #tpu.memory_space<vmem>> -> memref<1x32x256xf32, #tpu.memory_space<vmem>>
          %dma_wait3A_257 = tpu.memref_squeeze %dma_wait3A_256 : memref<1x32x256xf32, #tpu.memory_space<vmem>> -> memref<32x256xf32, #tpu.memory_space<vmem>>
          %dma_wait3A_258 = arith.constant 0 : i32
          %dma_wait3A_259 = tpu.memref_slice %arg15[%dma_wait3A, %dma_wait3A_258] : memref<2x32xi32, #tpu.memory_space<vmem>> -> memref<1x32xi32, #tpu.memory_space<vmem>>
          %dma_wait3A_260 = tpu.memref_squeeze %dma_wait3A_259 : memref<1x32xi32, #tpu.memory_space<vmem>> -> memref<32xi32, #tpu.memory_space<vmem>>
          %dma_wait3A_261 = arith.constant 0 : i32
          %dma_wait3A_262 = arith.constant 0 : i32
          %dma_wait3A_263 = tpu.memref_slice %arg2[%dma_wait3A_261, %dma_wait3A_262] : memref<10000x256xf32, #tpu.memory_space<hbm>> -> memref<10000x256xf32, #tpu.memory_space<hbm>>
          tpu.wait_indirect_dma semaphore(%arg26 : memref<!tpu.dma_semaphore, #tpu.memory_space<semaphore_mem>>) src(%dma_wait3A_263 : memref<10000x256xf32, #tpu.memory_space<hbm>>) dst(%dma_wait3A_257 : memref<32x256xf32, #tpu.memory_space<vmem>>)
          %run_scoped3A = arith.constant 0 : i32
          %run_scoped3A_264 = arith.constant 0 : i32
          "tpu.region"() ({
            %run_scoped3A_265 = tpu.sem_alloc : memref<!tpu.dma_semaphore, #tpu.memory_space<semaphore_mem>>
            %dma_start3A = arith.constant 0 : i32
            %dma_start3A_266 = arith.constant 0 : i32
            %dma_start3A_267 = tpu.memref_slice %arg18[%run_scoped3A, %dma_start3A, %dma_start3A_266] : memref<2x32x256xf32, #tpu.memory_space<vmem>> -> memref<1x32x256xf32, #tpu.memory_space<vmem>>
            %dma_start3A_268 = tpu.memref_squeeze %dma_start3A_267 : memref<1x32x256xf32, #tpu.memory_space<vmem>> -> memref<32x256xf32, #tpu.memory_space<vmem>>
            %dma_start3A_269 = arith.constant 0 : i32
            %dma_start3A_270 = tpu.memref_slice %arg16[%run_scoped3A_264, %dma_start3A_269] : memref<2x32xi32, #tpu.memory_space<vmem>> -> memref<1x32xi32, #tpu.memory_space<vmem>>
            %dma_start3A_271 = tpu.memref_squeeze %dma_start3A_270 : memref<1x32xi32, #tpu.memory_space<vmem>> -> memref<32xi32, #tpu.memory_space<vmem>>
            %dma_start3A_272 = arith.constant 0 : i32
            %dma_start3A_273 = arith.constant 0 : i32
            %dma_start3A_274 = tpu.memref_slice %arg20[%dma_start3A_272, %dma_start3A_273] : memref<1552x256xf32, #tpu.memory_space<vmem_shared>> -> memref<1552x256xf32, #tpu.memory_space<vmem_shared>>
            tpu.enqueue_indirect_dma source(%dma_start3A_268 : memref<32x256xf32, #tpu.memory_space<vmem>>) target(%dma_start3A_274 : memref<1552x256xf32, #tpu.memory_space<vmem_shared>>) offsets(%dma_start3A_271 : memref<32xi32, #tpu.memory_space<vmem>>) semaphore(%run_scoped3A_265 : memref<!tpu.dma_semaphore, #tpu.memory_space<semaphore_mem>>) {add = true}
            %dma_wait3A_275 = arith.constant 0 : i32
            %dma_wait3A_276 = arith.constant 0 : i32
            %dma_wait3A_277 = tpu.memref_slice %arg18[%run_scoped3A, %dma_wait3A_275, %dma_wait3A_276] : memref<2x32x256xf32, #tpu.memory_space<vmem>> -> memref<1x32x256xf32, #tpu.memory_space<vmem>>
            %dma_wait3A_278 = tpu.memref_squeeze %dma_wait3A_277 : memref<1x32x256xf32, #tpu.memory_space<vmem>> -> memref<32x256xf32, #tpu.memory_space<vmem>>
            %dma_wait3A_279 = arith.constant 0 : i32
            %dma_wait3A_280 = tpu.memref_slice %arg16[%run_scoped3A_264, %dma_wait3A_279] : memref<2x32xi32, #tpu.memory_space<vmem>> -> memref<1x32xi32, #tpu.memory_space<vmem>>
            %dma_wait3A_281 = tpu.memref_squeeze %dma_wait3A_280 : memref<1x32xi32, #tpu.memory_space<vmem>> -> memref<32xi32, #tpu.memory_space<vmem>>
            %dma_wait3A_282 = arith.constant 0 : i32
            %dma_wait3A_283 = arith.constant 0 : i32
            %dma_wait3A_284 = tpu.memref_slice %arg20[%dma_wait3A_282, %dma_wait3A_283] : memref<1552x256xf32, #tpu.memory_space<vmem_shared>> -> memref<1552x256xf32, #tpu.memory_space<vmem_shared>>
            tpu.wait_indirect_dma semaphore(%run_scoped3A_265 : memref<!tpu.dma_semaphore, #tpu.memory_space<semaphore_mem>>) src(%dma_wait3A_278 : memref<32x256xf32, #tpu.memory_space<vmem>>) dst(%dma_wait3A_284 : memref<1552x256xf32, #tpu.memory_space<vmem_shared>>)
            tpu.yield
          }) : () -> ()
        } else {
        }
        %add3A_240 = arith.constant 2 : i32
        %add3A_241 = arith.addi %mul3A_229, %add3A_240 : i32
        %lt3A_242 = arith.cmpi slt, %add3A_241, %select_n3A : i32
        %convert_element_type3A_243 = arith.extui %lt3A_242 : i1 to i32
        %cond3A_244 = arith.constant 0 : i32
        %cond3A_245 = arith.cmpi ne, %convert_element_type3A_243, %cond3A_244 : i32
        scf.if %cond3A_245 {
          %mul3A_253 = arith.constant 32 : i32
          %mul3A_254 = arith.muli %add3A_241, %mul3A_253 : i32
          %add3A_255 = arith.addi %get3A_128, %mul3A_254 : i32
          %mul3A_256 = arith.constant 32 : i32
          %mul3A_257 = arith.muli %add3A_241, %mul3A_256 : i32
          %add3A_258 = arith.constant 0 : i32
          %add3A_259 = arith.addi %mul3A_257, %add3A_258 : i32
          %add3A_260 = vector.broadcast %add3A_259 : i32 to vector<16xi32>
          %add3A_261 = arith.addi %add3A_260, %iota3A : vector<16xi32>
          %lt3A_262 = vector.broadcast %get3A_130 : i32 to vector<16xi32>
          %lt3A_263 = arith.cmpi slt, %add3A_261, %lt3A_262 : vector<16xi32>
          %add3A_264 = arith.constant 0 : i32
          %add3A_265 = arith.addi %add3A_255, %add3A_264 : i32
          %get3A_266 = arith.index_cast %add3A_265 : i32 to index
          %get3A_267 = tpu.vector_load %arg13[%get3A_266] {strides = array<i32>} : memref<10304xi32, #tpu.memory_space<vmem>>, vector<16xi32>,
          %add3A_268 = arith.constant 0 : i32
          %add3A_269 = arith.addi %add3A_255, %add3A_268 : i32
          %get3A_270 = arith.index_cast %add3A_269 : i32 to index
          %get3A_271 = tpu.vector_load %arg14[%get3A_270] {strides = array<i32>} : memref<10304xi32, #tpu.memory_space<vmem>>, vector<16xi32>,
          %shift_right_logical3A = arith.constant 6 : i32
          %shift_right_logical3A_272 = vector.broadcast %shift_right_logical3A : i32 to vector<16xi32>
          %shift_right_logical3A_273 = arith.shrui %get3A_267, %shift_right_logical3A_272 : vector<16xi32>
          %and3A_274 = arith.constant 63 : i32
          %and3A_275 = vector.broadcast %and3A_274 : i32 to vector<16xi32>
          %and3A_276 = arith.andi %get3A_267, %and3A_275 : vector<16xi32>
          %sub3A_277 = vector.broadcast %add3A : i32 to vector<16xi32>
          %sub3A_278 = arith.subi %shift_right_logical3A_273, %sub3A_277 : vector<16xi32>
          %ge3A = arith.constant 32 : i32
          %ge3A_279 = vector.broadcast %ge3A : i32 to vector<16xi32>
          %ge3A_280 = arith.cmpi sge, %and3A_276, %ge3A_279 : vector<16xi32>
          %jit3A_281 = arith.constant 768 : i32
          %jit3A_282 = arith.constant 0 : i32
          %broadcast_in_dim3A_283 = vector.broadcast %jit3A_281 : i32 to vector<16xi32>
          %broadcast_in_dim3A_284 = vector.broadcast %jit3A_282 : i32 to vector<16xi32>
          %select_n3A_285 = arith.select %ge3A_280, %broadcast_in_dim3A_283, %broadcast_in_dim3A_284 : vector<16xi1>, vector<16xi32>
          %add3A_286 = arith.addi %sub3A_278, %select_n3A_285 : vector<16xi32>
          %mul3A_287 = arith.constant 64 : i32
          %mul3A_288 = arith.muli %add3A, %mul3A_287 : i32
          %sub3A_289 = vector.broadcast %mul3A_288 : i32 to vector<16xi32>
          %sub3A_290 = arith.subi %get3A_267, %sub3A_289 : vector<16xi32>
          %jit3A_291 = arith.constant 0 : i32
          %broadcast_in_dim3A_292 = vector.broadcast %jit3A_291 : i32 to vector<16xi32>
          %select_n3A_293 = arith.select %lt3A_263, %sub3A_290, %broadcast_in_dim3A_292 : vector<16xi1>, vector<16xi32>
          %unique3A, %unique3A_294 = tpu.scan_count mask(%lt3A_263 : vector<16xi1>) value(%select_n3A_293 : vector<16xi32>) : vector<16xi1>, vector<16xi32>
          %shift_right_logical3A_295 = arith.constant 7 : i32
          %shift_right_logical3A_296 = vector.broadcast %shift_right_logical3A_295 : i32 to vector<16xi32>
          %shift_right_logical3A_297 = arith.shrui %select_n3A_293, %shift_right_logical3A_296 : vector<16xi32>
          %and3A_298 = arith.constant 127 : i32
          %and3A_299 = vector.broadcast %and3A_298 : i32 to vector<16xi32>
          %and3A_300 = arith.andi %select_n3A_293, %and3A_299 : vector<16xi32>
          tpu.vector_store_idx %arg19[%shift_right_logical3A_297, %and3A_300], %unique3A_294 masked %unique3A {add = true} : memref<384x128xi32, #tpu.memory_space<vmem>>[vector<16xi32>, vector<16xi32>], vector<16xi32>, vector<16xi1>
          %jit3A_301 = arith.constant 0 : i32
          %broadcast_in_dim3A_302 = vector.broadcast %jit3A_301 : i32 to vector<16xi32>
          %select_n3A_303 = arith.select %lt3A_263, %get3A_271, %broadcast_in_dim3A_302 : vector<16xi1>, vector<16xi32>
          %swap3A_304 = arith.constant 0 : i32
          %swap3A_305 = arith.index_cast %swap3A_304 : i32 to index
          %swap3A_306 = arith.constant 0 : index
          %swap3A_307 = tpu.vector_load %arg15[%swap3A_305, %swap3A_306] {strides = array<i32>} : memref<2x32xi32, #tpu.memory_space<vmem>>, vector<16xi32>,
          tpu.vector_store %arg15[%swap3A_305, %swap3A_306], %select_n3A_303 {strides = array<i32>} : memref<2x32xi32, #tpu.memory_space<vmem>>, vector<16xi32>,
          %add3A_308 = arith.constant 1536 : i32
          %add3A_309 = arith.addi %add3A_308, %arg1 : i32
          %broadcast_in_dim3A_310 = vector.broadcast %add3A_309 : i32 to vector<16xi32>
          %select_n3A_311 = arith.select %lt3A_263, %add3A_286, %broadcast_in_dim3A_310 : vector<16xi1>, vector<16xi32>
          %swap3A_312 = arith.constant 0 : i32
          %swap3A_313 = arith.index_cast %swap3A_312 : i32 to index
          %swap3A_314 = arith.constant 0 : index
          %swap3A_315 = tpu.vector_load %arg16[%swap3A_313, %swap3A_314] {strides = array<i32>} : memref<2x32xi32, #tpu.memory_space<vmem>>, vector<16xi32>,
          tpu.vector_store %arg16[%swap3A_313, %swap3A_314], %select_n3A_311 {strides = array<i32>} : memref<2x32xi32, #tpu.memory_space<vmem>>, vector<16xi32>,
          %mul3A_316 = arith.constant 32 : i32
          %mul3A_317 = arith.muli %add3A_241, %mul3A_316 : i32
          %add3A_318 = arith.constant 16 : i32
          %add3A_319 = arith.addi %mul3A_317, %add3A_318 : i32
          %add3A_320 = vector.broadcast %add3A_319 : i32 to vector<16xi32>
          %add3A_321 = arith.addi %add3A_320, %iota3A : vector<16xi32>
          %lt3A_322 = vector.broadcast %get3A_130 : i32 to vector<16xi32>
          %lt3A_323 = arith.cmpi slt, %add3A_321, %lt3A_322 : vector<16xi32>
          %add3A_324 = arith.constant 16 : i32
          %add3A_325 = arith.addi %add3A_255, %add3A_324 : i32
          %get3A_326 = arith.index_cast %add3A_325 : i32 to index
          %get3A_327 = tpu.vector_load %arg13[%get3A_326] {strides = array<i32>} : memref<10304xi32, #tpu.memory_space<vmem>>, vector<16xi32>,
          %add3A_328 = arith.constant 16 : i32
          %add3A_329 = arith.addi %add3A_255, %add3A_328 : i32
          %get3A_330 = arith.index_cast %add3A_329 : i32 to index
          %get3A_331 = tpu.vector_load %arg14[%get3A_330] {strides = array<i32>} : memref<10304xi32, #tpu.memory_space<vmem>>, vector<16xi32>,
          %shift_right_logical3A_332 = arith.constant 6 : i32
          %shift_right_logical3A_333 = vector.broadcast %shift_right_logical3A_332 : i32 to vector<16xi32>
          %shift_right_logical3A_334 = arith.shrui %get3A_327, %shift_right_logical3A_333 : vector<16xi32>
          %and3A_335 = arith.constant 63 : i32
          %and3A_336 = vector.broadcast %and3A_335 : i32 to vector<16xi32>
          %and3A_337 = arith.andi %get3A_327, %and3A_336 : vector<16xi32>
          %sub3A_338 = vector.broadcast %add3A : i32 to vector<16xi32>
          %sub3A_339 = arith.subi %shift_right_logical3A_334, %sub3A_338 : vector<16xi32>
          %ge3A_340 = arith.constant 32 : i32
          %ge3A_341 = vector.broadcast %ge3A_340 : i32 to vector<16xi32>
          %ge3A_342 = arith.cmpi sge, %and3A_337, %ge3A_341 : vector<16xi32>
          %jit3A_343 = arith.constant 768 : i32
          %jit3A_344 = arith.constant 0 : i32
          %broadcast_in_dim3A_345 = vector.broadcast %jit3A_343 : i32 to vector<16xi32>
          %broadcast_in_dim3A_346 = vector.broadcast %jit3A_344 : i32 to vector<16xi32>
          %select_n3A_347 = arith.select %ge3A_342, %broadcast_in_dim3A_345, %broadcast_in_dim3A_346 : vector<16xi1>, vector<16xi32>
          %add3A_348 = arith.addi %sub3A_339, %select_n3A_347 : vector<16xi32>
          %mul3A_349 = arith.constant 64 : i32
          %mul3A_350 = arith.muli %add3A, %mul3A_349 : i32
          %sub3A_351 = vector.broadcast %mul3A_350 : i32 to vector<16xi32>
          %sub3A_352 = arith.subi %get3A_327, %sub3A_351 : vector<16xi32>
          %jit3A_353 = arith.constant 0 : i32
          %broadcast_in_dim3A_354 = vector.broadcast %jit3A_353 : i32 to vector<16xi32>
          %select_n3A_355 = arith.select %lt3A_323, %sub3A_352, %broadcast_in_dim3A_354 : vector<16xi1>, vector<16xi32>
          %unique3A_356, %unique3A_357 = tpu.scan_count mask(%lt3A_323 : vector<16xi1>) value(%select_n3A_355 : vector<16xi32>) : vector<16xi1>, vector<16xi32>
          %shift_right_logical3A_358 = arith.constant 7 : i32
          %shift_right_logical3A_359 = vector.broadcast %shift_right_logical3A_358 : i32 to vector<16xi32>
          %shift_right_logical3A_360 = arith.shrui %select_n3A_355, %shift_right_logical3A_359 : vector<16xi32>
          %and3A_361 = arith.constant 127 : i32
          %and3A_362 = vector.broadcast %and3A_361 : i32 to vector<16xi32>
          %and3A_363 = arith.andi %select_n3A_355, %and3A_362 : vector<16xi32>
          tpu.vector_store_idx %arg19[%shift_right_logical3A_360, %and3A_363], %unique3A_357 masked %unique3A_356 {add = true} : memref<384x128xi32, #tpu.memory_space<vmem>>[vector<16xi32>, vector<16xi32>], vector<16xi32>, vector<16xi1>
          %jit3A_364 = arith.constant 0 : i32
          %broadcast_in_dim3A_365 = vector.broadcast %jit3A_364 : i32 to vector<16xi32>
          %select_n3A_366 = arith.select %lt3A_323, %get3A_331, %broadcast_in_dim3A_365 : vector<16xi1>, vector<16xi32>
          %swap3A_367 = arith.constant 0 : i32
          %swap3A_368 = arith.index_cast %swap3A_367 : i32 to index
          %swap3A_369 = arith.constant 16 : index
          %swap3A_370 = tpu.vector_load %arg15[%swap3A_368, %swap3A_369] {strides = array<i32>} : memref<2x32xi32, #tpu.memory_space<vmem>>, vector<16xi32>,
          tpu.vector_store %arg15[%swap3A_368, %swap3A_369], %select_n3A_366 {strides = array<i32>} : memref<2x32xi32, #tpu.memory_space<vmem>>, vector<16xi32>,
          %add3A_371 = arith.constant 1536 : i32
          %add3A_372 = arith.addi %add3A_371, %arg1 : i32
          %broadcast_in_dim3A_373 = vector.broadcast %add3A_372 : i32 to vector<16xi32>
          %select_n3A_374 = arith.select %lt3A_323, %add3A_348, %broadcast_in_dim3A_373 : vector<16xi1>, vector<16xi32>
          %swap3A_375 = arith.constant 0 : i32
          %swap3A_376 = arith.index_cast %swap3A_375 : i32 to index
          %swap3A_377 = arith.constant 16 : index
          %swap3A_378 = tpu.vector_load %arg16[%swap3A_376, %swap3A_377] {strides = array<i32>} : memref<2x32xi32, #tpu.memory_space<vmem>>, vector<16xi32>,
          tpu.vector_store %arg16[%swap3A_376, %swap3A_377], %select_n3A_374 {strides = array<i32>} : memref<2x32xi32, #tpu.memory_space<vmem>>, vector<16xi32>,
          %dma_start3A = arith.constant 0 : i32
          %dma_start3A_379 = arith.constant 0 : i32
          %dma_start3A_380 = arith.constant 0 : i32
          %dma_start3A_381 = arith.constant 0 : i32
          %dma_start3A_382 = tpu.memref_slice %arg18[%dma_start3A_379, %dma_start3A_380, %dma_start3A_381] : memref<2x32x256xf32, #tpu.memory_space<vmem>> -> memref<1x32x256xf32, #tpu.memory_space<vmem>>
          %dma_start3A_383 = tpu.memref_squeeze %dma_start3A_382 : memref<1x32x256xf32, #tpu.memory_space<vmem>> -> memref<32x256xf32, #tpu.memory_space<vmem>>
          %dma_start3A_384 = arith.constant 0 : i32
          %dma_start3A_385 = tpu.memref_slice %arg15[%dma_start3A, %dma_start3A_384] : memref<2x32xi32, #tpu.memory_space<vmem>> -> memref<1x32xi32, #tpu.memory_space<vmem>>
          %dma_start3A_386 = tpu.memref_squeeze %dma_start3A_385 : memref<1x32xi32, #tpu.memory_space<vmem>> -> memref<32xi32, #tpu.memory_space<vmem>>
          %dma_start3A_387 = arith.constant 0 : i32
          %dma_start3A_388 = arith.constant 0 : i32
          %dma_start3A_389 = tpu.memref_slice %arg2[%dma_start3A_387, %dma_start3A_388] : memref<10000x256xf32, #tpu.memory_space<hbm>> -> memref<10000x256xf32, #tpu.memory_space<hbm>>
          tpu.enqueue_indirect_dma source(%dma_start3A_389 : memref<10000x256xf32, #tpu.memory_space<hbm>>) target(%dma_start3A_383 : memref<32x256xf32, #tpu.memory_space<vmem>>) offsets(%dma_start3A_386 : memref<32xi32, #tpu.memory_space<vmem>>) semaphore(%arg26 : memref<!tpu.dma_semaphore, #tpu.memory_space<semaphore_mem>>)
        } else {
        }
        %add3A_246 = arith.constant 1 : i32
        %add3A_247 = arith.addi %mul3A_229, %add3A_246 : i32
        %lt3A_248 = arith.cmpi slt, %add3A_247, %select_n3A : i32
        %convert_element_type3A_249 = arith.extui %lt3A_248 : i1 to i32
        %cond3A_250 = arith.constant 0 : i32
        %cond3A_251 = arith.cmpi ne, %convert_element_type3A_249, %cond3A_250 : i32
        scf.if %cond3A_251 {
          %dma_wait3A = arith.constant 1 : i32
          %dma_wait3A_253 = arith.constant 1 : i32
          %dma_wait3A_254 = arith.constant 0 : i32
          %dma_wait3A_255 = arith.constant 0 : i32
          %dma_wait3A_256 = tpu.memref_slice %arg18[%dma_wait3A_253, %dma_wait3A_254, %dma_wait3A_255] : memref<2x32x256xf32, #tpu.memory_space<vmem>> -> memref<1x32x256xf32, #tpu.memory_space<vmem>>
          %dma_wait3A_257 = tpu.memref_squeeze %dma_wait3A_256 : memref<1x32x256xf32, #tpu.memory_space<vmem>> -> memref<32x256xf32, #tpu.memory_space<vmem>>
          %dma_wait3A_258 = arith.constant 0 : i32
          %dma_wait3A_259 = tpu.memref_slice %arg15[%dma_wait3A, %dma_wait3A_258] : memref<2x32xi32, #tpu.memory_space<vmem>> -> memref<1x32xi32, #tpu.memory_space<vmem>>
          %dma_wait3A_260 = tpu.memref_squeeze %dma_wait3A_259 : memref<1x32xi32, #tpu.memory_space<vmem>> -> memref<32xi32, #tpu.memory_space<vmem>>
          %dma_wait3A_261 = arith.constant 0 : i32
          %dma_wait3A_262 = arith.constant 0 : i32
          %dma_wait3A_263 = tpu.memref_slice %arg2[%dma_wait3A_261, %dma_wait3A_262] : memref<10000x256xf32, #tpu.memory_space<hbm>> -> memref<10000x256xf32, #tpu.memory_space<hbm>>
          tpu.wait_indirect_dma semaphore(%arg27 : memref<!tpu.dma_semaphore, #tpu.memory_space<semaphore_mem>>) src(%dma_wait3A_263 : memref<10000x256xf32, #tpu.memory_space<hbm>>) dst(%dma_wait3A_257 : memref<32x256xf32, #tpu.memory_space<vmem>>)
          %run_scoped3A = arith.constant 1 : i32
          %run_scoped3A_264 = arith.constant 1 : i32
          "tpu.region"() ({
            %run_scoped3A_265 = tpu.sem_alloc : memref<!tpu.dma_semaphore, #tpu.memory_space<semaphore_mem>>
            %dma_start3A = arith.constant 0 : i32
            %dma_start3A_266 = arith.constant 0 : i32
            %dma_start3A_267 = tpu.memref_slice %arg18[%run_scoped3A, %dma_start3A, %dma_start3A_266] : memref<2x32x256xf32, #tpu.memory_space<vmem>> -> memref<1x32x256xf32, #tpu.memory_space<vmem>>
            %dma_start3A_268 = tpu.memref_squeeze %dma_start3A_267 : memref<1x32x256xf32, #tpu.memory_space<vmem>> -> memref<32x256xf32, #tpu.memory_space<vmem>>
            %dma_start3A_269 = arith.constant 0 : i32
            %dma_start3A_270 = tpu.memref_slice %arg16[%run_scoped3A_264, %dma_start3A_269] : memref<2x32xi32, #tpu.memory_space<vmem>> -> memref<1x32xi32, #tpu.memory_space<vmem>>
            %dma_start3A_271 = tpu.memref_squeeze %dma_start3A_270 : memref<1x32xi32, #tpu.memory_space<vmem>> -> memref<32xi32, #tpu.memory_space<vmem>>
            %dma_start3A_272 = arith.constant 0 : i32
            %dma_start3A_273 = arith.constant 0 : i32
            %dma_start3A_274 = tpu.memref_slice %arg20[%dma_start3A_272, %dma_start3A_273] : memref<1552x256xf32, #tpu.memory_space<vmem_shared>> -> memref<1552x256xf32, #tpu.memory_space<vmem_shared>>
            tpu.enqueue_indirect_dma source(%dma_start3A_268 : memref<32x256xf32, #tpu.memory_space<vmem>>) target(%dma_start3A_274 : memref<1552x256xf32, #tpu.memory_space<vmem_shared>>) offsets(%dma_start3A_271 : memref<32xi32, #tpu.memory_space<vmem>>) semaphore(%run_scoped3A_265 : memref<!tpu.dma_semaphore, #tpu.memory_space<semaphore_mem>>) {add = true}
            %dma_wait3A_275 = arith.constant 0 : i32
            %dma_wait3A_276 = arith.constant 0 : i32
            %dma_wait3A_277 = tpu.memref_slice %arg18[%run_scoped3A, %dma_wait3A_275, %dma_wait3A_276] : memref<2x32x256xf32, #tpu.memory_space<vmem>> -> memref<1x32x256xf32, #tpu.memory_space<vmem>>
            %dma_wait3A_278 = tpu.memref_squeeze %dma_wait3A_277 : memref<1x32x256xf32, #tpu.memory_space<vmem>> -> memref<32x256xf32, #tpu.memory_space<vmem>>
            %dma_wait3A_279 = arith.constant 0 : i32
            %dma_wait3A_280 = tpu.memref_slice %arg16[%run_scoped3A_264, %dma_wait3A_279] : memref<2x32xi32, #tpu.memory_space<vmem>> -> memref<1x32xi32, #tpu.memory_space<vmem>>
            %dma_wait3A_281 = tpu.memref_squeeze %dma_wait3A_280 : memref<1x32xi32, #tpu.memory_space<vmem>> -> memref<32xi32, #tpu.memory_space<vmem>>
            %dma_wait3A_282 = arith.constant 0 : i32
            %dma_wait3A_283 = arith.constant 0 : i32
            %dma_wait3A_284 = tpu.memref_slice %arg20[%dma_wait3A_282, %dma_wait3A_283] : memref<1552x256xf32, #tpu.memory_space<vmem_shared>> -> memref<1552x256xf32, #tpu.memory_space<vmem_shared>>
            tpu.wait_indirect_dma semaphore(%run_scoped3A_265 : memref<!tpu.dma_semaphore, #tpu.memory_space<semaphore_mem>>) src(%dma_wait3A_278 : memref<32x256xf32, #tpu.memory_space<vmem>>) dst(%dma_wait3A_284 : memref<1552x256xf32, #tpu.memory_space<vmem_shared>>)
            tpu.yield
          }) : () -> ()
        } else {
        }
        %while3A_252 = arith.constant 0 : i32
        scf.yield %while3A_252 : i32
      }
      %scan3A_195 = arith.constant 0 : i32
      %scan3A_196 = arith.constant 0 : i32
      %scan3A_197 = arith.constant 3 : i32
      %scan3A_198 = arith.addi %scan3A_196, %scan3A_197 : i32
      %scan3A_199 = arith.constant 1 : i32
      %scan3A_200 = scf.for %scan3A_226 = %scan3A_196 to %scan3A_198 step %scan3A_199 iter_args(%scan3A_227 = %scan3A_195) -> (i32)  : i32 {
        %mul3A_228 = arith.constant 128 : i32
        %mul3A_229 = arith.muli %scan3A_226, %mul3A_228 : i32
        %add3A_230 = arith.constant 0 : i32
        %add3A_231 = arith.addi %mul3A_229, %add3A_230 : i32
        %add3A_232 = vector.broadcast %add3A_231 : i32 to vector<16xi32>
        %add3A_233 = arith.addi %add3A_232, %iota3A : vector<16xi32>
        %swap3A_234 = arith.constant 0 : index
        %swap3A_235 = tpu.vector_load %arg17[%swap3A_234] {strides = array<i32>} : memref<128xi32, #tpu.memory_space<vmem>>, vector<16xi32>,
        tpu.vector_store %arg17[%swap3A_234], %add3A_233 {strides = array<i32>} : memref<128xi32, #tpu.memory_space<vmem>>, vector<16xi32>,
        %mul3A_236 = arith.constant 128 : i32
        %mul3A_237 = arith.muli %scan3A_226, %mul3A_236 : i32
        %add3A_238 = arith.constant 16 : i32
        %add3A_239 = arith.addi %mul3A_237, %add3A_238 : i32
        %add3A_240 = vector.broadcast %add3A_239 : i32 to vector<16xi32>
        %add3A_241 = arith.addi %add3A_240, %iota3A : vector<16xi32>
        %swap3A_242 = arith.constant 16 : index
        %swap3A_243 = tpu.vector_load %arg17[%swap3A_242] {strides = array<i32>} : memref<128xi32, #tpu.memory_space<vmem>>, vector<16xi32>,
        tpu.vector_store %arg17[%swap3A_242], %add3A_241 {strides = array<i32>} : memref<128xi32, #tpu.memory_space<vmem>>, vector<16xi32>,
        %mul3A_244 = arith.constant 128 : i32
        %mul3A_245 = arith.muli %scan3A_226, %mul3A_244 : i32
        %add3A_246 = arith.constant 32 : i32
        %add3A_247 = arith.addi %mul3A_245, %add3A_246 : i32
        %add3A_248 = vector.broadcast %add3A_247 : i32 to vector<16xi32>
        %add3A_249 = arith.addi %add3A_248, %iota3A : vector<16xi32>
        %swap3A_250 = arith.constant 32 : index
        %swap3A_251 = tpu.vector_load %arg17[%swap3A_250] {strides = array<i32>} : memref<128xi32, #tpu.memory_space<vmem>>, vector<16xi32>,
        tpu.vector_store %arg17[%swap3A_250], %add3A_249 {strides = array<i32>} : memref<128xi32, #tpu.memory_space<vmem>>, vector<16xi32>,
        %mul3A_252 = arith.constant 128 : i32
        %mul3A_253 = arith.muli %scan3A_226, %mul3A_252 : i32
        %add3A_254 = arith.constant 48 : i32
        %add3A_255 = arith.addi %mul3A_253, %add3A_254 : i32
        %add3A_256 = vector.broadcast %add3A_255 : i32 to vector<16xi32>
        %add3A_257 = arith.addi %add3A_256, %iota3A : vector<16xi32>
        %swap3A_258 = arith.constant 48 : index
        %swap3A_259 = tpu.vector_load %arg17[%swap3A_258] {strides = array<i32>} : memref<128xi32, #tpu.memory_space<vmem>>, vector<16xi32>,
        tpu.vector_store %arg17[%swap3A_258], %add3A_257 {strides = array<i32>} : memref<128xi32, #tpu.memory_space<vmem>>, vector<16xi32>,
        %mul3A_260 = arith.constant 128 : i32
        %mul3A_261 = arith.muli %scan3A_226, %mul3A_260 : i32
        %add3A_262 = arith.constant 64 : i32
        %add3A_263 = arith.addi %mul3A_261, %add3A_262 : i32
        %add3A_264 = vector.broadcast %add3A_263 : i32 to vector<16xi32>
        %add3A_265 = arith.addi %add3A_264, %iota3A : vector<16xi32>
        %swap3A_266 = arith.constant 64 : index
        %swap3A_267 = tpu.vector_load %arg17[%swap3A_266] {strides = array<i32>} : memref<128xi32, #tpu.memory_space<vmem>>, vector<16xi32>,
        tpu.vector_store %arg17[%swap3A_266], %add3A_265 {strides = array<i32>} : memref<128xi32, #tpu.memory_space<vmem>>, vector<16xi32>,
        %mul3A_268 = arith.constant 128 : i32
        %mul3A_269 = arith.muli %scan3A_226, %mul3A_268 : i32
        %add3A_270 = arith.constant 80 : i32
        %add3A_271 = arith.addi %mul3A_269, %add3A_270 : i32
        %add3A_272 = vector.broadcast %add3A_271 : i32 to vector<16xi32>
        %add3A_273 = arith.addi %add3A_272, %iota3A : vector<16xi32>
        %swap3A_274 = arith.constant 80 : index
        %swap3A_275 = tpu.vector_load %arg17[%swap3A_274] {strides = array<i32>} : memref<128xi32, #tpu.memory_space<vmem>>, vector<16xi32>,
        tpu.vector_store %arg17[%swap3A_274], %add3A_273 {strides = array<i32>} : memref<128xi32, #tpu.memory_space<vmem>>, vector<16xi32>,
        %mul3A_276 = arith.constant 128 : i32
        %mul3A_277 = arith.muli %scan3A_226, %mul3A_276 : i32
        %add3A_278 = arith.constant 96 : i32
        %add3A_279 = arith.addi %mul3A_277, %add3A_278 : i32
        %add3A_280 = vector.broadcast %add3A_279 : i32 to vector<16xi32>
        %add3A_281 = arith.addi %add3A_280, %iota3A : vector<16xi32>
        %swap3A_282 = arith.constant 96 : index
        %swap3A_283 = tpu.vector_load %arg17[%swap3A_282] {strides = array<i32>} : memref<128xi32, #tpu.memory_space<vmem>>, vector<16xi32>,
        tpu.vector_store %arg17[%swap3A_282], %add3A_281 {strides = array<i32>} : memref<128xi32, #tpu.memory_space<vmem>>, vector<16xi32>,
        %mul3A_284 = arith.constant 128 : i32
        %mul3A_285 = arith.muli %scan3A_226, %mul3A_284 : i32
        %add3A_286 = arith.constant 112 : i32
        %add3A_287 = arith.addi %mul3A_285, %add3A_286 : i32
        %add3A_288 = vector.broadcast %add3A_287 : i32 to vector<16xi32>
        %add3A_289 = arith.addi %add3A_288, %iota3A : vector<16xi32>
        %swap3A_290 = arith.constant 112 : index
        %swap3A_291 = tpu.vector_load %arg17[%swap3A_290] {strides = array<i32>} : memref<128xi32, #tpu.memory_space<vmem>>, vector<16xi32>,
        tpu.vector_store %arg17[%swap3A_290], %add3A_289 {strides = array<i32>} : memref<128xi32, #tpu.memory_space<vmem>>, vector<16xi32>,
        %mul3A_292 = arith.constant 128 : i32
        %mul3A_293 = arith.muli %scan3A_226, %mul3A_292 : i32
        "tpu.region"() ({
          %run_scoped3A = tpu.sem_alloc : memref<!tpu.dma_semaphore, #tpu.memory_space<semaphore_mem>>
          %dma_start3A = arith.constant 0 : i32
          %dma_start3A_295 = tpu.memref_slice %arg19[%mul3A_293, %dma_start3A] : memref<384x128xi32, #tpu.memory_space<vmem>> -> memref<128x128xi32, #tpu.memory_space<vmem>>
          %dma_start3A_296 = arith.constant 0 : i32
          %dma_start3A_297 = arith.constant 0 : i32
          %dma_start3A_298 = tpu.memref_slice %arg21[%dma_start3A_296, %dma_start3A_297] : memref<384x128xi32, #tpu.memory_space<vmem_shared>> -> memref<384x128xi32, #tpu.memory_space<vmem_shared>>
          tpu.enqueue_indirect_dma source(%dma_start3A_295 : memref<128x128xi32, #tpu.memory_space<vmem>>) target(%dma_start3A_298 : memref<384x128xi32, #tpu.memory_space<vmem_shared>>) offsets(%arg17 : memref<128xi32, #tpu.memory_space<vmem>>) semaphore(%run_scoped3A : memref<!tpu.dma_semaphore, #tpu.memory_space<semaphore_mem>>) {add = true}
          %dma_wait3A = arith.constant 0 : i32
          %dma_wait3A_299 = tpu.memref_slice %arg19[%mul3A_293, %dma_wait3A] : memref<384x128xi32, #tpu.memory_space<vmem>> -> memref<128x128xi32, #tpu.memory_space<vmem>>
          %dma_wait3A_300 = arith.constant 0 : i32
          %dma_wait3A_301 = arith.constant 0 : i32
          %dma_wait3A_302 = tpu.memref_slice %arg21[%dma_wait3A_300, %dma_wait3A_301] : memref<384x128xi32, #tpu.memory_space<vmem_shared>> -> memref<384x128xi32, #tpu.memory_space<vmem_shared>>
          tpu.wait_indirect_dma semaphore(%run_scoped3A : memref<!tpu.dma_semaphore, #tpu.memory_space<semaphore_mem>>) src(%dma_wait3A_299 : memref<128x128xi32, #tpu.memory_space<vmem>>) dst(%dma_wait3A_302 : memref<384x128xi32, #tpu.memory_space<vmem_shared>>)
          tpu.yield
        }) : () -> ()
        %scan3A_294 = arith.constant 0 : i32
        scf.yield %scan3A_294 : i32
      }
      %scan3A_201 = arith.constant 3 : i32
      %barrier3A_202 = arith.constant 0 : index
      tpu.barrier barrier_id(%barrier3A_202)
      %mul3A_203 = arith.constant 48 : i32
      %mul3A_204 = arith.muli %arg1, %mul3A_203 : i32
      %add3A_205 = arith.addi %add3A, %mul3A_204 : i32
      %mul3A_206 = arith.constant 48 : i32
      %mul3A_207 = arith.muli %arg1, %mul3A_206 : i32
      "tpu.region"() ({
        %run_scoped3A = tpu.sem_alloc : memref<!tpu.dma_semaphore, #tpu.memory_space<semaphore_mem>>
        %dma_start3A = arith.constant 0 : i32
        %dma_start3A_226 = tpu.memref_slice %arg7[%add3A_205, %dma_start3A] : memref<21504x256xf32, #tpu.memory_space<hbm>> -> memref<48x256xf32, #tpu.memory_space<hbm>>
        %dma_start3A_227 = arith.constant 0 : i32
        %dma_start3A_228 = tpu.memref_slice %arg20[%mul3A_207, %dma_start3A_227] : memref<1552x256xf32, #tpu.memory_space<vmem_shared>> -> memref<48x256xf32, #tpu.memory_space<vmem_shared>>
        tpu.enqueue_dma source(%dma_start3A_228 : memref<48x256xf32, #tpu.memory_space<vmem_shared>>) target(%dma_start3A_226 : memref<48x256xf32, #tpu.memory_space<hbm>>) target_semaphore(%run_scoped3A : memref<!tpu.dma_semaphore, #tpu.memory_space<semaphore_mem>>)
        %dma_wait3A = arith.constant 0 : i32
        %dma_wait3A_229 = tpu.memref_slice %arg7[%add3A_205, %dma_wait3A] : memref<21504x256xf32, #tpu.memory_space<hbm>> -> memref<48x256xf32, #tpu.memory_space<hbm>>
        %dma_wait3A_230 = arith.constant 0 : i32
        %dma_wait3A_231 = tpu.memref_slice %arg20[%mul3A_207, %dma_wait3A_230] : memref<1552x256xf32, #tpu.memory_space<vmem_shared>> -> memref<48x256xf32, #tpu.memory_space<vmem_shared>>
        tpu.wait_dma2 semaphore(%run_scoped3A : memref<!tpu.dma_semaphore, #tpu.memory_space<semaphore_mem>>) src(%dma_wait3A_231 : memref<48x256xf32, #tpu.memory_space<vmem_shared>>) dst(%dma_wait3A_229 : memref<48x256xf32, #tpu.memory_space<hbm>>)
        tpu.yield
      }) : () -> ()
      %mul3A_208 = arith.constant 48 : i32
      %mul3A_209 = arith.muli %arg1, %mul3A_208 : i32
      %add3A_210 = arith.constant 768 : i32
      %add3A_211 = arith.addi %add3A_210, %mul3A_209 : i32
      %add3A_212 = arith.constant 10752 : i32
      %add3A_213 = arith.addi %add3A_212, %add3A_205 : i32
      "tpu.region"() ({
        %run_scoped3A = tpu.sem_alloc : memref<!tpu.dma_semaphore, #tpu.memory_space<semaphore_mem>>
        %dma_start3A = arith.constant 0 : i32
        %dma_start3A_226 = tpu.memref_slice %arg7[%add3A_213, %dma_start3A] : memref<21504x256xf32, #tpu.memory_space<hbm>> -> memref<48x256xf32, #tpu.memory_space<hbm>>
        %dma_start3A_227 = arith.constant 0 : i32
        %dma_start3A_228 = tpu.memref_slice %arg20[%add3A_211, %dma_start3A_227] : memref<1552x256xf32, #tpu.memory_space<vmem_shared>> -> memref<48x256xf32, #tpu.memory_space<vmem_shared>>
        tpu.enqueue_dma source(%dma_start3A_228 : memref<48x256xf32, #tpu.memory_space<vmem_shared>>) target(%dma_start3A_226 : memref<48x256xf32, #tpu.memory_space<hbm>>) target_semaphore(%run_scoped3A : memref<!tpu.dma_semaphore, #tpu.memory_space<semaphore_mem>>)
        %dma_wait3A = arith.constant 0 : i32
        %dma_wait3A_229 = tpu.memref_slice %arg7[%add3A_213, %dma_wait3A] : memref<21504x256xf32, #tpu.memory_space<hbm>> -> memref<48x256xf32, #tpu.memory_space<hbm>>
        %dma_wait3A_230 = arith.constant 0 : i32
        %dma_wait3A_231 = tpu.memref_slice %arg20[%add3A_211, %dma_wait3A_230] : memref<1552x256xf32, #tpu.memory_space<vmem_shared>> -> memref<48x256xf32, #tpu.memory_space<vmem_shared>>
        tpu.wait_dma2 semaphore(%run_scoped3A : memref<!tpu.dma_semaphore, #tpu.memory_space<semaphore_mem>>) src(%dma_wait3A_231 : memref<48x256xf32, #tpu.memory_space<vmem_shared>>) dst(%dma_wait3A_229 : memref<48x256xf32, #tpu.memory_space<hbm>>)
        tpu.yield
      }) : () -> ()
      %mul3A_214 = arith.constant 2 : i32
      %mul3A_215 = arith.muli %scan3A_107, %mul3A_214 : i32
      %add3A_216 = arith.addi %mul3A_215, %arg0 : i32
      %mul3A_217 = arith.constant 24 : i32
      %mul3A_218 = arith.muli %arg1, %mul3A_217 : i32
      %mul3A_219 = arith.constant 384 : i32
      %mul3A_220 = arith.muli %add3A_216, %mul3A_219 : i32
      %mul3A_221 = arith.constant 24 : i32
      %mul3A_222 = arith.muli %arg1, %mul3A_221 : i32
      %add3A_223 = arith.addi %mul3A_220, %mul3A_222 : i32
      "tpu.region"() ({
        %run_scoped3A = tpu.sem_alloc : memref<!tpu.dma_semaphore, #tpu.memory_space<semaphore_mem>>
        %dma_start3A = arith.constant 0 : i32
        %dma_start3A_226 = tpu.memref_slice %arg8[%add3A_223, %dma_start3A] : memref<5376x128xi32, #tpu.memory_space<hbm>> -> memref<24x128xi32, #tpu.memory_space<hbm>>
        %dma_start3A_227 = arith.constant 0 : i32
        %dma_start3A_228 = tpu.memref_slice %arg21[%mul3A_218, %dma_start3A_227] : memref<384x128xi32, #tpu.memory_space<vmem_shared>> -> memref<24x128xi32, #tpu.memory_space<vmem_shared>>
        tpu.enqueue_dma source(%dma_start3A_228 : memref<24x128xi32, #tpu.memory_space<vmem_shared>>) target(%dma_start3A_226 : memref<24x128xi32, #tpu.memory_space<hbm>>) target_semaphore(%run_scoped3A : memref<!tpu.dma_semaphore, #tpu.memory_space<semaphore_mem>>)
        %dma_wait3A = arith.constant 0 : i32
        %dma_wait3A_229 = tpu.memref_slice %arg8[%add3A_223, %dma_wait3A] : memref<5376x128xi32, #tpu.memory_space<hbm>> -> memref<24x128xi32, #tpu.memory_space<hbm>>
        %dma_wait3A_230 = arith.constant 0 : i32
        %dma_wait3A_231 = tpu.memref_slice %arg21[%mul3A_218, %dma_wait3A_230] : memref<384x128xi32, #tpu.memory_space<vmem_shared>> -> memref<24x128xi32, #tpu.memory_space<vmem_shared>>
        tpu.wait_dma2 semaphore(%run_scoped3A : memref<!tpu.dma_semaphore, #tpu.memory_space<semaphore_mem>>) src(%dma_wait3A_231 : memref<24x128xi32, #tpu.memory_space<vmem_shared>>) dst(%dma_wait3A_229 : memref<24x128xi32, #tpu.memory_space<hbm>>)
        tpu.yield
      }) : () -> ()
      %barrier3A_224 = arith.constant 0 : index
      tpu.barrier barrier_id(%barrier3A_224)
      %scan3A_225 = arith.constant 0 : i32
      scf.yield %scan3A_225 : i32
    }
    %scan3A_106 = arith.constant 7 : i32
    return
  }
}

module attributes {stable_mosaic.version = 14 : i64} {
  func.func @_tc_body(%arg0: i32, %arg1: memref<1000x64xi32, #tpu.memory_space<vmem>>, %arg2: memref<1000x256xf32, #tpu.memory_space<vmem>>, %arg3: memref<1000x256xf32, #tpu.memory_space<vmem>>, %arg4: memref<64x256xf32, #tpu.memory_space<vmem>>, %arg5: memref<256x256xf32, #tpu.memory_space<vmem>>, %arg6: memref<256x256xf32, #tpu.memory_space<vmem>>, %arg7: memref<1x256xf32, #tpu.memory_space<vmem>>, %arg8: memref<1x256xf32, #tpu.memory_space<vmem>>, %arg9: memref<128x256xf32, #tpu.memory_space<vmem>>, %arg10: memref<1x128xf32, #tpu.memory_space<vmem>>, %arg11: memref<1000x128xf32, #tpu.memory_space<vmem>>) attributes {dimension_semantics = [#tpu.dimension_semantics<arbitrary>], iteration_bounds = array<i64: 10>, scalar_prefetch = 0 : i64, scratch_operands = 0 : i64, tpu.core_type = #tpu.core_type<tc>, window_params = [{transform_indices = @transform_0, window_bounds = array<i64: 1000, 64>}, {transform_indices = @transform_1, window_bounds = array<i64: 1000, 256>}, {transform_indices = @transform_2, window_bounds = array<i64: 1000, 256>}, {pipeline_mode = #tpu.pipeline_mode<synchronous>, transform_indices = @transform_3, window_bounds = array<i64: 64, 256>}, {pipeline_mode = #tpu.pipeline_mode<synchronous>, transform_indices = @transform_4, window_bounds = array<i64: 256, 256>}, {pipeline_mode = #tpu.pipeline_mode<synchronous>, transform_indices = @transform_5, window_bounds = array<i64: 256, 256>}, {pipeline_mode = #tpu.pipeline_mode<synchronous>, transform_indices = @transform_6, window_bounds = array<i64: 1, 256>}, {pipeline_mode = #tpu.pipeline_mode<synchronous>, transform_indices = @transform_7, window_bounds = array<i64: 1, 256>}, {pipeline_mode = #tpu.pipeline_mode<synchronous>, transform_indices = @transform_8, window_bounds = array<i64: 128, 256>}, {pipeline_mode = #tpu.pipeline_mode<synchronous>, transform_indices = @transform_9, window_bounds = array<i64: 1, 128>}, {transform_indices = @transform_10, window_bounds = array<i64: 1000, 128>}]} {
    %get3A = arith.constant 0 : index
    %get3A_0 = arith.constant 0 : index
    %get3A_1 = vector.load %arg1[%get3A, %get3A_0] : memref<1000x64xi32, #tpu.memory_space<vmem>>, vector<1000x64xi32>
    %convert_element_type3A = arith.sitofp %get3A_1 : vector<1000x64xi32> to vector<1000x64xf32>
    %slice3A = vector.extract_strided_slice %convert_element_type3A {offsets = [0, 0], sizes = [1000, 32], strides = [1, 1]} : vector<1000x64xf32> to vector<1000x32xf32>
    %slice3A_2 = vector.extract_strided_slice %convert_element_type3A {offsets = [0, 32], sizes = [1000, 32], strides = [1, 1]} : vector<1000x64xf32> to vector<1000x32xf32>
    %get3A_3 = arith.constant 0 : index
    %get3A_4 = arith.constant 0 : index
    %get3A_5 = vector.load %arg4[%get3A_3, %get3A_4] : memref<64x256xf32, #tpu.memory_space<vmem>>, vector<64x256xf32>
    %slice3A_6 = vector.extract_strided_slice %get3A_5 {offsets = [0, 0], sizes = [32, 256], strides = [1, 1]} : vector<64x256xf32> to vector<32x256xf32>
    %dot_general3A = arith.constant dense<0.000000e+00> : vector<1000x256xf32>
    %dot_general3A_7 = tpu.matmul %slice3A, %slice3A_6, %dot_general3A {dimension_numbers = #tpu.dot_dimension_numbers<[1], [0], [0], [1], [0, 0, 1, 1], [], []>, transpose_lhs_hint = false} : vector<1000x32xf32>, vector<32x256xf32>, vector<1000x256xf32> -> vector<1000x256xf32>
    %slice3A_8 = vector.extract_strided_slice %get3A_5 {offsets = [32, 0], sizes = [32, 256], strides = [1, 1]} : vector<64x256xf32> to vector<32x256xf32>
    %dot_general3A_9 = arith.constant dense<0.000000e+00> : vector<1000x256xf32>
    %dot_general3A_10 = tpu.matmul %slice3A_2, %slice3A_8, %dot_general3A_9 {dimension_numbers = #tpu.dot_dimension_numbers<[1], [0], [0], [1], [0, 0, 1, 1], [], []>, transpose_lhs_hint = false} : vector<1000x32xf32>, vector<32x256xf32>, vector<1000x256xf32> -> vector<1000x256xf32>
    %reduce_sum3A = arith.constant dense<0.000000e+00> : vector<1000xf32>
    %reduce_sum3A_11 = vector.multi_reduction <add>, %slice3A, %reduce_sum3A [1] : vector<1000x32xf32> to vector<1000xf32>
    %broadcast_in_dim3A = vector.shape_cast %reduce_sum3A_11 : vector<1000xf32> to vector<1000x1xf32>
    %reduce_sum3A_12 = arith.constant dense<0.000000e+00> : vector<1000xf32>
    %reduce_sum3A_13 = vector.multi_reduction <add>, %slice3A_2, %reduce_sum3A_12 [1] : vector<1000x32xf32> to vector<1000xf32>
    %broadcast_in_dim3A_14 = vector.shape_cast %reduce_sum3A_13 : vector<1000xf32> to vector<1000x1xf32>
    %get3A_15 = arith.constant 0 : index
    %get3A_16 = arith.constant 0 : index
    %get3A_17 = vector.load %arg2[%get3A_15, %get3A_16] : memref<1000x256xf32, #tpu.memory_space<vmem>>, vector<1000x256xf32>
    %sub3A = arith.subf %get3A_17, %dot_general3A_7 : vector<1000x256xf32>
    %get3A_18 = arith.constant 0 : index
    %get3A_19 = arith.constant 0 : index
    %get3A_20 = vector.load %arg3[%get3A_18, %get3A_19] : memref<1000x256xf32, #tpu.memory_space<vmem>>, vector<1000x256xf32>
    %sub3A_21 = arith.subf %get3A_20, %dot_general3A_10 : vector<1000x256xf32>
    %get3A_22 = arith.constant 0 : index
    %get3A_23 = arith.constant 0 : index
    %get3A_24 = vector.load %arg5[%get3A_22, %get3A_23] : memref<256x256xf32, #tpu.memory_space<vmem>>, vector<256x256xf32>
    %dot_general3A_25 = arith.constant dense<0.000000e+00> : vector<1000x256xf32>
    %dot_general3A_26 = tpu.matmul %sub3A, %get3A_24, %dot_general3A_25 {dimension_numbers = #tpu.dot_dimension_numbers<[1], [1], [0], [0], [0, 0, 1, 0], [], []>, transpose_lhs_hint = false} : vector<1000x256xf32>, vector<256x256xf32>, vector<1000x256xf32> -> vector<1000x256xf32>
    %get3A_27 = arith.constant 0 : index
    %get3A_28 = arith.constant 0 : index
    %get3A_29 = vector.load %arg6[%get3A_27, %get3A_28] : memref<256x256xf32, #tpu.memory_space<vmem>>, vector<256x256xf32>
    %dot_general3A_30 = arith.constant dense<0.000000e+00> : vector<1000x256xf32>
    %dot_general3A_31 = tpu.matmul %sub3A_21, %get3A_29, %dot_general3A_30 {dimension_numbers = #tpu.dot_dimension_numbers<[1], [1], [0], [0], [0, 0, 1, 0], [], []>, transpose_lhs_hint = false} : vector<1000x256xf32>, vector<256x256xf32>, vector<1000x256xf32> -> vector<1000x256xf32>
    %add3A = arith.addf %dot_general3A_26, %dot_general3A_31 : vector<1000x256xf32>
    %get3A_32 = arith.constant 0 : index
    %get3A_33 = arith.constant 0 : index
    %get3A_34 = vector.load %arg7[%get3A_32, %get3A_33] : memref<1x256xf32, #tpu.memory_space<vmem>>, vector<1x256xf32>
    %mul3A = vector.broadcast %broadcast_in_dim3A : vector<1000x1xf32> to vector<1000x256xf32>
    %mul3A_35 = vector.broadcast %get3A_34 : vector<1x256xf32> to vector<1000x256xf32>
    %mul3A_36 = arith.mulf %mul3A, %mul3A_35 : vector<1000x256xf32>
    %add3A_37 = arith.addf %add3A, %mul3A_36 : vector<1000x256xf32>
    %get3A_38 = arith.constant 0 : index
    %get3A_39 = arith.constant 0 : index
    %get3A_40 = vector.load %arg8[%get3A_38, %get3A_39] : memref<1x256xf32, #tpu.memory_space<vmem>>, vector<1x256xf32>
    %mul3A_41 = vector.broadcast %broadcast_in_dim3A_14 : vector<1000x1xf32> to vector<1000x256xf32>
    %mul3A_42 = vector.broadcast %get3A_40 : vector<1x256xf32> to vector<1000x256xf32>
    %mul3A_43 = arith.mulf %mul3A_41, %mul3A_42 : vector<1000x256xf32>
    %add3A_44 = arith.addf %add3A_37, %mul3A_43 : vector<1000x256xf32>
    %add3A_45 = arith.addf %broadcast_in_dim3A, %broadcast_in_dim3A_14 : vector<1000x1xf32>
    %max3A = arith.constant 1.000000e+00 : f32
    %max3A_46 = vector.broadcast %max3A : f32 to vector<1000x1xf32>
    %max3A_47 = arith.maximumf %add3A_45, %max3A_46 : vector<1000x1xf32>
    %div3A = vector.broadcast %max3A_47 : vector<1000x1xf32> to vector<1000x256xf32>
    %div3A_48 = arith.divf %add3A_44, %div3A : vector<1000x256xf32>
    %get3A_49 = arith.constant 0 : index
    %get3A_50 = arith.constant 0 : index
    %get3A_51 = vector.load %arg9[%get3A_49, %get3A_50] : memref<128x256xf32, #tpu.memory_space<vmem>>, vector<128x256xf32>
    %dot_general3A_52 = arith.constant dense<0.000000e+00> : vector<1000x128xf32>
    %dot_general3A_53 = tpu.matmul %div3A_48, %get3A_51, %dot_general3A_52 {dimension_numbers = #tpu.dot_dimension_numbers<[1], [1], [0], [0], [0, 0, 1, 0], [], []>, transpose_lhs_hint = false} : vector<1000x256xf32>, vector<128x256xf32>, vector<1000x128xf32> -> vector<1000x128xf32>
    %get3A_54 = arith.constant 0 : index
    %get3A_55 = arith.constant 0 : index
    %get3A_56 = vector.load %arg10[%get3A_54, %get3A_55] : memref<1x128xf32, #tpu.memory_space<vmem>>, vector<1x128xf32>
    %add3A_57 = vector.broadcast %get3A_56 : vector<1x128xf32> to vector<1000x128xf32>
    %add3A_58 = arith.addf %dot_general3A_53, %add3A_57 : vector<1000x128xf32>
    %logistic3A = arith.negf %add3A_58 : vector<1000x128xf32>
    %logistic3A_59 = math.exp %logistic3A : vector<1000x128xf32>
    %logistic3A_60 = arith.constant 1.000000e+00 : f32
    %logistic3A_61 = vector.broadcast %logistic3A_60 : f32 to vector<1000x128xf32>
    %logistic3A_62 = arith.addf %logistic3A_61, %logistic3A_59 : vector<1000x128xf32>
    %logistic3A_63 = arith.divf %logistic3A_61, %logistic3A_62 : vector<1000x128xf32>
    %swap3A = arith.constant 0 : index
    %swap3A_64 = arith.constant 0 : index
    %swap3A_65 = vector.load %arg11[%swap3A, %swap3A_64] : memref<1000x128xf32, #tpu.memory_space<vmem>>, vector<1000x128xf32>
    tpu.vector_store %arg11[%swap3A, %swap3A_64], %logistic3A_63 {strides = array<i32>} : memref<1000x128xf32, #tpu.memory_space<vmem>>, vector<1000x128xf32>,
    return
  }
  func.func @transform_0(%arg0: i32) -> (i32, i32) {
    %c0_i32 = arith.constant 0 : i32
    %c0_i32_0 = arith.constant 0 : i32
    return %arg0, %c0_i32 : i32, i32
  }
  func.func @transform_1(%arg0: i32) -> (i32, i32) {
    %c0_i32 = arith.constant 0 : i32
    %c0_i32_0 = arith.constant 0 : i32
    return %arg0, %c0_i32 : i32, i32
  }
  func.func @transform_2(%arg0: i32) -> (i32, i32) {
    %c0_i32 = arith.constant 0 : i32
    %c0_i32_0 = arith.constant 0 : i32
    return %arg0, %c0_i32 : i32, i32
  }
  func.func @transform_3(%arg0: i32) -> (i32, i32) {
    %c0_i32 = arith.constant 0 : i32
    %c0_i32_0 = arith.constant 0 : i32
    %c0_i32_1 = arith.constant 0 : i32
    return %c0_i32, %c0_i32_0 : i32, i32
  }
  func.func @transform_4(%arg0: i32) -> (i32, i32) {
    %c0_i32 = arith.constant 0 : i32
    %c0_i32_0 = arith.constant 0 : i32
    %c0_i32_1 = arith.constant 0 : i32
    return %c0_i32, %c0_i32_0 : i32, i32
  }
  func.func @transform_5(%arg0: i32) -> (i32, i32) {
    %c0_i32 = arith.constant 0 : i32
    %c0_i32_0 = arith.constant 0 : i32
    %c0_i32_1 = arith.constant 0 : i32
    return %c0_i32, %c0_i32_0 : i32, i32
  }
  func.func @transform_6(%arg0: i32) -> (i32, i32) {
    %c0_i32 = arith.constant 0 : i32
    %c0_i32_0 = arith.constant 0 : i32
    %c0_i32_1 = arith.constant 0 : i32
    return %c0_i32, %c0_i32_0 : i32, i32
  }
  func.func @transform_7(%arg0: i32) -> (i32, i32) {
    %c0_i32 = arith.constant 0 : i32
    %c0_i32_0 = arith.constant 0 : i32
    %c0_i32_1 = arith.constant 0 : i32
    return %c0_i32, %c0_i32_0 : i32, i32
  }
  func.func @transform_8(%arg0: i32) -> (i32, i32) {
    %c0_i32 = arith.constant 0 : i32
    %c0_i32_0 = arith.constant 0 : i32
    %c0_i32_1 = arith.constant 0 : i32
    return %c0_i32, %c0_i32_0 : i32, i32
  }
  func.func @transform_9(%arg0: i32) -> (i32, i32) {
    %c0_i32 = arith.constant 0 : i32
    %c0_i32_0 = arith.constant 0 : i32
    %c0_i32_1 = arith.constant 0 : i32
    return %c0_i32, %c0_i32_0 : i32, i32
  }
  func.func @transform_10(%arg0: i32) -> (i32, i32) {
    %c0_i32 = arith.constant 0 : i32
    %c0_i32_0 = arith.constant 0 : i32
    return %arg0, %c0_i32 : i32, i32
  }
}

</mosaic_0001>

<sc_bundles>
// kernel: kernel.4.cloned.1.call-start
scs
__scs_entry_jumppad:
0x0: {  	(pc) =	sbr.rel $0x88, $3  }
0x1: {  	(tag) =	ssettag $0x0;
	lr =	simm.s32 $0x1  }
0x2: {  	[smem:$0x3F96] =	sst lr;
	_ =	strace $0xD0000000  }
0x3: {  	_ = 	snop  }
0x4: {  	_ = 	snop  }
0x5: {  	_ = 	snop  }
0x6: {  	_ = 	snop  }
0x7: {  	_ = 	snop  }
__scs_overlays_trampoline_lowered:
0x8: {  	[smem:$0x3FA5] =	sst s0  }
0x9: {  	[smem:$0x3FA6] =	sst s1  }
0xa: {  	[smem:$0x3FA7] =	sst s2  }
0xb: {  	[smem:$0x3FA8] =	sst s3  }
0xc: {  	[smem:$0x3FA9] =	sst s4  }
0xd: {  	[smem:$0x3FAA] =	sst s5  }
0xe: {  	[smem:$0x3FAB] =	sst s6  }
0xf: {  	[smem:$0x3FAC] =	sst s7  }
0x10: {  	[smem:$0x3FAD] =	sst s8  }
0x11: {  	[smem:$0x3FAE] =	sst s9;
	s0 =	simm.s32 @!p0 $0x0  }
0x12: {  	s1 =	sld [smem:$0x3F94];
	s0 =	simm.s32 @p0 $0x1  }
0x13: {  	[smem:$0x3FAF] =	sst s0;
	s0 =	simm.s32 @!p1 $0x0  }
0x14: {  	s2 =	sld [smem:$0x3F93];
	s0 =	simm.s32 @p1 $0x1  }
0x15: {  	[smem:$0x3FB0] =	sst s0;
	s0 =	simm.s32 @!p2 $0x0  }
0x16: {  	s3 =	sld [smem:$0x3FDB];
	s0 =	simm.s32 @p2 $0x1  }
0x17: {  	s4 =	simm.s32 $0x1BF5;
	[smem:$0x3FB2] =	sst s0  }
0x18: {  	s0 =	sld [smem:$0x3F95];
	_ =	swait.ge [sflag:s4], $0x0  }
0x19: {  	s7 =	sld [smem:$0x3F96]  }
0x1a: {  	s8 =	sadd.s32 $0xFFFFE003, lr  }
0x1b: {  	s9 =	sadd.s32 $0xFFFFFEF7, lr;
	s5 =	simm.s32 $0xFFFFFFFF;
	p2 =	slt.u32 s8, $0xFFFFF086  }
0x1c: {  	p1 =	slt.u32 s9, $0xF7A;
	s5 =	simm.s32 @!p2 $0x0  }
0x1d: {  	s5 =	simm.s32 @p1 $0x1;
	p0 =	seq.s32 s7, s2  }
0x1e: {  	s7 =	smul.u32 @!p0 $0xF7A, s2;
	p2 =	seq.s32 @!p0 s5, $0x0  }
0x1f: {  	s9 =	smul.u32 $0xF7A, s1;
	s8 =	simm.s32 @!p0 $0x1BF5;
	p2 =	por !p2, p0  }
0x20: {  	[sflag:s8] =	ssyncset.s32 @!p0 $0xFFFFF086;
	s6 =	sadd.s32 @!p0 s3, s7;
	s7 =	simm.s32 @!p0 $0x108  }
0x21: {  	s3 =	sadd.s32 s3, s9;
	s6 =	sadd.s32 @!p0 $0x88, s6;
	s7 =	simm.s32 @p2 $0x1082  }
0x22: {  	[simem:s7], [sflag:s8] =	dma.local @!p0 [hbm:s6], $0xF7A  }
0x23: {  	s9 =	sor.u32 $0xD0000000, s2;
	s6 =	simm.s32 $0x108;
	_ =	swait.ge @!p0 [sflag:s8], $0x0  }
0x24: {  	s3 =	sadd.s32 $0x88, s3;
	s6 =	simm.s32 @!p1 $0x1082;
	[sflag:s4] =	ssyncset.s32 $0xFFFFF086  }
0x25: {  	[simem:s6], [sflag:s4] =	dma.local [hbm:s3], $0xF7A  }
0x26: {  	[smem:$0x3F96] =	sst s1;
	(tag) =	ssettag s2;
	_ =	strace s9  }
0x27: {  	s1 =	sld [smem:$0x3FA6]  }
0x28: {  	s2 =	sld [smem:$0x3FA7]  }
0x29: {  	s4 =	sld [smem:$0x3FA9]  }
0x2a: {  	p0 =	seq.s32 s5, $0x0;
	s5 =	sld [smem:$0x3FAA]  }
0x2b: {  	s6 =	sld [smem:$0x3FAB]  }
0x2c: {  	s7 =	sld [smem:$0x3FAC]  }
0x2d: {  	s3 =	simm.s32 $0x108;
	s8 =	sld [smem:$0x3FAD]  }
0x2e: {  	s3 =	simm.s32 @!p0 $0x1082;
	s9 =	sld [smem:$0x3FAE]  }
0x2f: {  	lr =	sadd.s32 s0, s3;
	s0 =	sld [smem:$0x3FA5]  }
0x30: {  	s3 =	sld [smem:$0x3FA8]  }
0x31: {  	[smem:$0x3FB1] =	sst s10  }
0x32: {  	s10 =	sld [smem:$0x3FAF];
	_ =	sdelay $0x3  }
0x33: {  	p0 =	seq.s32 s10, $0x1;
	s10 =	sld [smem:$0x3FB1];
	_ =	sdelay $0x3  }
0x34: {  	[smem:$0x3FB1] =	sst s10  }
0x35: {  	s10 =	sld [smem:$0x3FB0];
	_ =	sdelay $0x3  }
0x36: {  	p1 =	seq.s32 s10, $0x1;
	s10 =	sld [smem:$0x3FB1];
	_ =	sdelay $0x3  }
0x37: {  	[smem:$0x3FB1] =	sst s10  }
0x38: {  	s10 =	sld [smem:$0x3FB2]  }
0x39: {  	_ = 	snop;
	(pc) =	sbr.ind lr, $3  }
0x3a: {  	_ = 	snop  }
0x3b: {  	_ = 	snop  }
0x3c: {  	p2 =	seq.s32 s10, $0x1;
	s10 =	sld [smem:$0x3FB1]  }
0x3d: {  	_ =	shalt  }
0x3e: {  	_ =	shalt  }
0x3f: {  	_ =	shalt  }
0x40: {  	_ =	shalt  }
0x41: {  	_ =	shalt  }
0x42: {  	_ =	shalt  }
0x43: {  	_ =	shalt  }
0x44: {  	_ =	shalt  }
0x45: {  	_ =	shalt  }
0x46: {  	_ =	shalt  }
0x47: {  	_ =	shalt  }
0x48: {  	_ =	shalt  }
0x49: {  	_ =	shalt  }
0x4a: {  	_ =	shalt  }
0x4b: {  	_ =	shalt  }
0x4c: {  	_ =	shalt  }
0x4d: {  	_ =	shalt  }
0x4e: {  	_ =	shalt  }
0x4f: {  	_ =	shalt  }
0x50: {  	_ =	shalt  }
0x51: {  	_ =	shalt  }
0x52: {  	_ =	shalt  }
0x53: {  	_ =	shalt  }
0x54: {  	_ =	shalt  }
0x55: {  	_ =	shalt  }
0x56: {  	_ =	shalt  }
0x57: {  	_ =	shalt  }
0x58: {  	_ =	shalt  }
0x59: {  	_ =	shalt  }
0x5a: {  	_ =	shalt  }
0x5b: {  	_ =	shalt  }
0x5c: {  	_ =	shalt  }
0x5d: {  	_ =	shalt  }
0x5e: {  	_ =	shalt  }
0x5f: {  	_ =	shalt  }
0x60: {  	_ =	shalt  }
0x61: {  	_ =	shalt  }
0x62: {  	_ =	shalt  }
0x63: {  	_ =	shalt  }
0x64: {  	_ =	shalt  }
0x65: {  	_ =	shalt  }
0x66: {  	_ =	shalt  }
0x67: {  	_ =	shalt  }
0x68: {  	_ =	shalt  }
0x69: {  	_ =	shalt  }
0x6a: {  	_ =	shalt  }
0x6b: {  	_ =	shalt  }
0x6c: {  	_ =	shalt  }
0x6d: {  	_ =	shalt  }
0x6e: {  	_ =	shalt  }
0x6f: {  	_ =	shalt  }
0x70: {  	_ =	shalt  }
0x71: {  	_ =	shalt  }
0x72: {  	_ =	shalt  }
0x73: {  	_ =	shalt  }
0x74: {  	_ =	shalt  }
0x75: {  	_ =	shalt  }
0x76: {  	_ =	shalt  }
0x77: {  	_ =	shalt  }
0x78: {  	_ =	shalt  }
0x79: {  	_ =	shalt  }
0x7a: {  	_ =	shalt  }
0x7b: {  	_ =	shalt  }
0x7c: {  	_ =	shalt  }
0x7d: {  	_ =	shalt  }
0x7e: {  	_ =	shalt  }
0x7f: {  	_ =	shalt  }
0x80: {  	_ =	shalt  }
0x81: {  	_ =	shalt  }
0x82: {  	_ =	shalt  }
0x83: {  	_ =	shalt  }
0x84: {  	_ =	shalt  }
0x85: {  	_ =	shalt  }
0x86: {  	_ =	shalt  }
0x87: {  	_ =	shalt  }
.Lfunc_end0:
.L_simem_size_0:
called_computation_lowered:
.L_overlay_start_0:
0x88: {  	s2 =	sld [smem:$0x3FD9]  }
0x89: {  	s3 =	sld [smem:$0x3FFE];
	_ =	sdelay $0x1  }
0x8a: {  	s1 =	srdreg.scid  }
0x8b: {  	s0 =	sand.u32 $0x1, s1  }
0x8c: {  	s17 =	sshll.u32 s0, $0xA;
	s2 =	sadd.s32 s3, s2  }
0x8d: {  	s2 =	sadd.s32 s2, s17  }
0x8e: {  	[smem:$0x3FBD] =	sst s2  }
0x8f: {  	_ = 	snop  }
0x90: {  	s2 =	sld [smem:$0x3FC9]  }
0x91: {  	s18 =	sld [smem:$0x3FD0];
	(tm) =	ssettm $0x1  }
0x92: {  	s4 =	sld [smem:$0x3FFB];
	_ =	sdelay $0x3  }
0x93: {  	_ =	strace s4  }
0x94: {  	s4 =	sld [smem:$0x3FFC];
	_ =	sdelay $0x3  }
0x95: {  	_ =	strace s4  }
0x96: {  	s4 =	sld [smem:$0x3FFD];
	_ =	sdelay $0x3  }
0x97: {  	_ =	strace s4  }
0x98: {  	_ =	strace $0x8FFFFFFF  }
0x99: {  	s19 =	sld [smem:$0x3FDB];
	_ =	sdelay $0x1  }
0x9a: {  	s5 =	simm.s32 $_scs_section_size  }
0x9b: {  	s6 =	simm.s32 $_size__tile_overlayer_lowered;
	s7 =	simm.s32 $_tile_overlayer_lowered  }
0x9c: {  	s22 =	simm.s32 $0x1BFF;
	s21 =	sshll.u32 s7, $0x1;
	s4 =	sadd.s32 s5, s19  }
0x9d: {  	s8 =	simm.s32 $0x0;
	s20 =	sshll.u32 s6, $0x1;
	s6 =	sadd.s32 s21, s4  }
0x9e: {  	[timem:s8], [sflag:s22] =	dma.local [hbm:s6], s20  }
0x9f: {  	_ =	swait.ge [sflag:s22], s20  }
0xa0: {  	s5 =	ssub.s32 $0x0, s20;
	[sflag:s22] =	ssyncset.done $0x0  }
0xa1: {  	[sflag:s22] =	ssyncadd.s32 s5;
	_ =	sdelay $0x1  }
0xa2: {  	s23 =	simm.s32 $0x1B8B  }
0xa3: {  	_ =	swait.ge [sflag:s23], $0x1  }
0xa4: {  	[sflag:s23] =	ssyncset.done $0x0  }
0xa5: {  	s25 =	simm.s32 $0x1B8E;
	s24 =	sld [smem:$0x3FFE];
	[sflag:s23] =	ssyncadd.s32 $0xFFFFFFFF  }
0xa6: {  	s26 =	simm.s32 $execute0_lowered;
	[smem:$0x3FD2] =	sst s25  }
0xa7: {  	s6 =	sshll.u32 s26, $0x1;
	_ =	strace $0x80000046;
	[dreg:$0x1] =	wrdreg $0xFFFFFFFF  }
0xa8: {  	s28 =	simm.s32 $_size_execute0_lowered;
	s4 =	sadd.s32 s4, s6;
	[dreg:$0x0] =	wrdreg $0x0  }
0xa9: {  	s6 =	sshll.u32 s28, $0x1;
	[dreg:$0x2] =	wrdreg s4  }
0xaa: {  	[dreg:$0x3] =	wrdreg s6  }
0xab: {  	[dreg:$0x4] =	wrdreg $0xC0  }
0xac: {  	_ =	task [dreg:s8], $0x5FFFF  }
0xad: {  	[dreg:$0x1] =	wrdreg $0xFFFFFFFF  }
0xae: {  	[dreg:$0x0] =	wrdreg $0x60  }
0xaf: {  	[dreg:$0x2] =	wrdreg s24  }
0xb0: {  	[dreg:$0x3] =	wrdreg s2  }
0xb1: {  	[dreg:$0x4] =	wrdreg s18  }
0xb2: {  	[dreg:$0x5] =	wrdreg $0x1F1900  }
0xb3: {  	[dreg:$0x6] =	wrdreg $0x1F3900  }
0xb4: {  	[dreg:$0x7] =	wrdreg $0x184900  }
0xb5: {  	[dreg:$0x8] =	wrdreg $0x1E5900  }
0xb6: {  	[dreg:$0x9] =	wrdreg $0x9  }
0xb7: {  	_ =	task.clear_ibuf [dreg:s8], $0xAFFFF;
	_ =	strace $0x90000046  }
0xb8: {  	s29 =	simm.s32 $0x9;
	_ =	strace $0x80000048  }
0xb9: {  	_ =	swait.ge [sflag:s29], $0x1  }
0xba: {  	[sflag:s29] =	ssyncadd.s32 $0xFFFFFFFF  }
0xbb: {  	_ =	strace $0x90000048  }
0xbc: {  	_ =	sfence  }
0xbd: {  	s30 =	sld [smem:$0x0];
	_ =	sdelay $0x2  }
0xbe: {  	s31 =	sshll.u32 s1, $0xD;
	s1 =	sshrl.u32 s1, $0x2  }
0xbf: {  	s3 =	sand.u32 $0x4000, s31;
	s1 =	sadd.s32 s1, s30  }
0xc0: {  	s0 =	sor.u32 s3, s0;
	s1 =	sshll.u32 s1, $0x11  }
0xc1: {  	s0 =	sor.u32 s1, s0  }
0xc2: {  	s0 =	sadd.s32 $0x8F2B, s0  }
0xc3: {  	[sflag:s0] =	ssyncadd.remote.s32 $0x1  }
0xc4: {  	_ =	sfence.sel $0xFFFF  }
0xc5: {  	[dreg:$0x0] =	wrdreg $0xFFFFFFFF;
	(pc) =	sbr.abs _section_cstart, $3  }
0xc6: {  	[dreg:$0x1] =	wrdreg $0xFFFFFFFF  }
0xc7: {  	_ =	task.clear_ibuf [dreg:s8], $0x2FFFF;
	_ =	strace $0x9FFFFFFF  }
0xc8: {  	(tm) =	ssettm $0x7FFFFFFF  }
0xc9: {  	_ =	shalt  }
tec
execute0_lowered:
.L_overlay_start_1:
0x0: {  	(tag) =	ssettag $0x1  }
0x1: {  	s0 =	rddreg [dreg:$0x0]  }
0x2: {  	s4 =	rddreg [dreg:$0x3]  }
0x3: {  	s5 =	rddreg [dreg:$0x4]  }
0x4: {  	s6 =	rddreg [dreg:$0x5]  }
0x5: {  	s7 =	rddreg [dreg:$0x6]  }
0x6: {  	s23 =	simm.s32 $0x0;
	s1 =	srdreg.scid;
	s8 =	stileid.u32  }
0x7: {  	[smem:$0x7FF] =	sst s23;
	s21 =	sadd.s32 $0xB000, s0;
	s2 =	sadd.s32 $0x6000, s0  }
0x8: {  	s24 =	sadd.s32 $0x59200, s0;
	_ =	strace $0x80000047;
	[dreg:$0xf] =	wrdreg s2  }
0x9: {  	s25 =	sadd.s32 $0x1000, s0;
	s3 =	smul.u32 $0x18000, s8;
	[dreg:$0x11] =	wrdreg s24  }
0xa: {  	s22 =	sand.u32 $0x1, s1;
	s31 =	smul.u32 $0x2800, s8;
	[dreg:$0x12] =	wrdreg s25  }
0xb: {  	s29 =	sshll.u32 s8, $0xB;
	s9 =	smul.u32 $0x3000, s8;
	[dreg:$0xe] =	wrdreg s21  }
0xc: {  	s11 =	smul.u32 $0xC000, s8;
	s2 =	sadd.s32 s29, s4;
	[dreg:$0x10] =	wrdreg s22  }
0xd: {  	s19 =	smul.u32 $0x18, s8;
	[dreg:$0x14] =	wrdreg s2  }
0xe: {  	s30 =	sshll.u32 s8, $0xA;
	s20 =	smul.u32 $0x30, s8;
	[dreg:$0x15] =	wrdreg s31  }
0xf: {  	p0 =	sne.s32 s8, $0x0;
	s26 =	ssub.s32 $0x2, s22;
	[smem:$0x7FC] =	sst s19  }
0x10: {  	s24 =	sadd.s32 $0x5E200, s0;
	s28 =	sshrl.u32 s26, $0x1;
	[smem:$0x7FD] =	sst s20  }
0x11: {  	s2 =	sadd.s32 s30, s5;
	s5 =	sshrl.u32 s3, $0x2;
	[dreg:$0x13] =	wrdreg s24  }
0x12: {  	s30 =	sadd.s32 $0xB2200, s0;
	s0 =	sadd.s32 $0x60000, s6;
	[dreg:$0x16] =	wrdreg s2  }
0x13: {  	s3 =	sshrl.u32 s9, $0x2;
	s0 =	sshrl.u32 @!p0 s0, $0x3;
	[dreg:$0x1b] =	wrdreg s30  }
0x14: {  	v3 =	vimm.s32 $0xECA86420;
	v2 =	vimm.f32 $0.0e+00;
	vm12 =	vcmask $0xB08;
	s14 =	sshrl.u32 s11, $0x2;
	s25 =	sadd.s32 s5, s6;
	[dreg:$0x1f] =	wrdreg s0  }
0x15: {  	vm15 =	vcmask $0x1310;
	vm2 =	vcmask $0x1B18;
	vm7 =	vcmask $0x2320;
	s1 =	ssub.s32 s26, s28;
	s28 =	sadd.s32 s3, s7;
	[dreg:$0x17] =	wrdreg s25  }
0x16: {  	vm10 =	vcmask $0x2B28;
	v5 =	vlaneseq.u32;
	vm0 =	vmmov $0xff;
	s29 =	sadd.s32 s14, s6;
	[dreg:$0x19] =	wrdreg s28  }
0x17: {  	v7 =	vimm.s32 $0x0;
	vm9 =	vcmask $0xF0C;
	vm8 =	vcmask $0x1F1C;
	s26 =	smul.u32 $0x300, s22;
	s15 =	smax.u32 s1, $0x1;
	[dreg:$0x1a] =	wrdreg s29  }
0x18: {  	vm13 =	vcmask $0x2724;
	vm1 =	vcmask $0x2F2C;
	vm5 =	vcmask $0x3734;
	s10 =	sor.u32 $0x600, s8;
	s13 =	sadd.s32 $0x4000, s25;
	[dreg:$0x1c] =	wrdreg s15  }
0x19: {  	vm14 =	vmmov $0x1;
	v4 =	vunpack.c.l.s4.s8 v3;
	v7 =	vsel vm0, $0xFFFFFFFF, v7;
	s17 =	sadd.s32 $0x30000, s29;
	s16 =	sshrl.u32 s13, $0x3;
	[dreg:$0x18] =	wrdreg s26  }
0x1a: {  	v3 =	vimm.s32 $0x0;
	v6 =	vmul.u32 $0x2, v5;
	[tilespmem:$0x1FFE0] =	vst v7;
	v7 =	vimm.s32 $0x0;
	s12 =	sadd.s32 $0x2000, s25;
	s18 =	sshrl.u32 s17, $0x3;
	[dreg:$0x1e] =	wrdreg s16  }
0x1b: {  	p1 =	sgt.u32 s8, $0x3;
	vm0 =	vcmask $0x704;
	v0 =	vmov s22;
	v7 =	vsel vm14, $0xFFFFFFFF, v7;
	s31 =	sshrl.u32 s12, $0x3;
	[smem:$0x7FB] =	sst s18  }
0x1c: {  	v1 =	vmov s10;
	s10 =	simm.s32 $0x4;
	v4 =	vunpack.c.0.s8.s32 v4;
	vm14 =	vcmask $0x308;
	[tilespmem:$0x1FFF0] =	vst v7;
	s1 =	simm.s32 $0x0;
	[dreg:$0x1d] =	wrdreg s31  }
.LBB2_1:
0x1d: {  	[smem:$0x7FA] =	sst s1  }
0x1e: {  	s0 =	rddreg [dreg:$0x1]  }
0x1f: {  	[tilespmem:s23], [sflag:$0x4] =	stream.linear.gather [hbm4b:s0+s23], $0x2710, $0x38;
	[tilespmem:$0x1F790] =	vst v63  }
0x20: {  	_ =	swait.ge [sflag:s10], $0x2710  }
0x21: {  	[sflag:s10] =	ssyncset.done $0x0  }
0x22: {  	s1 =	simm.s32 $0x400;
	s0 =	simm.s32 $0x0;
	[sflag:s10] =	ssyncadd.s32 $0xFFFFD8F0  }
.LBB2_2:
0x23: {  	p2 =	sne.s32 s1, $0x7C00;
	[tilespmem:s0+$0x8580] =	vst v2  }
0x24: {  	[tilespmem:s0+$0x8490] =	vst v2  }
0x25: {  	[tilespmem:s0+$0x84A0] =	vst v2  }
0x26: {  	[tilespmem:s0+$0x84B0] =	vst v2  }
0x27: {  	[tilespmem:s0+$0x84C0] =	vst v2  }
0x28: {  	[tilespmem:s0+$0x84D0] =	vst v2  }
0x29: {  	[tilespmem:s0+$0x84E0] =	vst v2  }
0x2a: {  	[tilespmem:s0+$0x84F0] =	vst v2  }
0x2b: {  	[tilespmem:s0+$0x8500] =	vst v2  }
0x2c: {  	[tilespmem:s0+$0x8510] =	vst v2  }
0x2d: {  	[tilespmem:s0+$0x8520] =	vst v2  }
.Ltmp0:
0x2e: {  	[tilespmem:s0+$0x8530] =	vst v2;
	(pc) =	sbr.rel @p2 .LBB2_2-.Ltmp0, $4  }
0x2f: {  	[tilespmem:s0+$0x8540] =	vst v2  }
0x30: {  	[tilespmem:s0+$0x8550] =	vst v2  }
0x31: {  	[tilespmem:s0+$0x8560] =	vst v2  }
0x32: {  	[tilespmem:s0+$0x8570] =	vst v2;
	s0 =	sshra.s32 s1, $0x2;
	s1 =	sadd.s32 $0x400, s1  }
0x33: {  	[tilespmem:s0+$0x8580] =	vst v2  }
0x34: {  	[tilespmem:s0+$0x8490] =	vst v2  }
0x35: {  	[tilespmem:s0+$0x84A0] =	vst v2  }
0x36: {  	[tilespmem:s0+$0x84B0] =	vst v2  }
0x37: {  	[tilespmem:s0+$0x84C0] =	vst v2  }
0x38: {  	[tilespmem:s0+$0x84D0] =	vst v2  }
0x39: {  	[tilespmem:s0+$0x84E0] =	vst v2  }
0x3a: {  	[tilespmem:s0+$0x84F0] =	vst v2  }
0x3b: {  	[tilespmem:s0+$0x8500] =	vst v2  }
0x3c: {  	[tilespmem:s0+$0x8510] =	vst v2  }
0x3d: {  	[tilespmem:s0+$0x8520] =	vst v2  }
0x3e: {  	[tilespmem:s0+$0x8530] =	vst v2  }
0x3f: {  	[tilespmem:s0+$0x8540] =	vst v2  }
0x40: {  	[tilespmem:s0+$0x8550] =	vst v2  }
0x41: {  	[tilespmem:s0+$0x8560] =	vst v2  }
0x42: {  	vm3 =	vmmov vm10;
	[tilespmem:s0+$0x8570] =	vst v2;
	s0 =	simm.s32 $0x0;
	s1 =	simm.s32 $0x200  }
.LBB2_4:
0x43: {  	p2 =	sne.s32 s1, $0x3E00;
	[tilespmem:s0+$0xC500] =	vst v3  }
0x44: {  	[tilespmem:s0+$0xC490] =	vst v3  }
0x45: {  	[tilespmem:s0+$0xC4A0] =	vst v3  }
.Ltmp1:
0x46: {  	[tilespmem:s0+$0xC4B0] =	vst v3;
	(pc) =	sbr.rel @p2 .LBB2_4-.Ltmp1, $4  }
0x47: {  	[tilespmem:s0+$0xC4C0] =	vst v3  }
0x48: {  	[tilespmem:s0+$0xC4D0] =	vst v3  }
0x49: {  	[tilespmem:s0+$0xC4E0] =	vst v3  }
0x4a: {  	[tilespmem:s0+$0xC4F0] =	vst v3;
	s0 =	sshra.s32 s1, $0x2;
	s1 =	sadd.s32 $0x200, s1  }
0x4b: {  	[tilespmem:s0+$0xC500] =	vst v3  }
0x4c: {  	[tilespmem:s0+$0xC490] =	vst v3  }
0x4d: {  	[tilespmem:s0+$0xC4A0] =	vst v3  }
0x4e: {  	[tilespmem:s0+$0xC4B0] =	vst v3  }
0x4f: {  	[tilespmem:s0+$0xC4C0] =	vst v3  }
0x50: {  	[tilespmem:s0+$0xC4D0] =	vst v3  }
0x51: {  	[tilespmem:s0+$0xC4E0] =	vst v3  }
0x52: {  	[tilespmem:s0+$0xC4F0] =	vst v3;
	s0 =	simm.s32 @!p1 $0x8490;
	s1 =	rddreg [dreg:$0x14]  }
0x53: {  	[spmem:s1] =	stream.linear.scatter @!p1 [tilespmem:s0], [sflag:$0x4], $0x800, $0x38;
	[tilespmem:$0x1F790] =	vst v63  }
0x54: {  	s0 =	simm.s32 @!p1 $0x4  }
0x55: {  	_ =	swait.ge @!p1 [sflag:s0], $0x800  }
0x56: {  	[sflag:s0] =	ssyncset.done @!p1 $0x0  }
0x57: {  	s31 =	simm.s32 $0xC490;
	s30 =	rddreg [dreg:$0x16];
	[sflag:s0] =	ssyncadd.s32 @!p1 $0xFFFFF800  }
0x58: {  	[spmem:s30] =	stream.linear.scatter [tilespmem:s31], [sflag:$0x4], $0x400, $0x38;
	[tilespmem:$0x1F790] =	vst v63  }
0x59: {  	_ =	swait.ge [sflag:s10], $0x400  }
0x5a: {  	[sflag:s10] =	ssyncset.done $0x0  }
0x5b: {  	v7 =	vimm.s32 $0x0;
	[sflag:s10] =	ssyncadd.s32 $0xFFFFFC00  }
0x5c: {  	vm11 =	vcmask $0x1714;
	vm6 =	vcmask $0x3B38;
	vm10 =	vcmask $0x300;
	s0 =	simm.s32 $0x0;
	[bflag:$0x0] =	sbarrier.arrive $0xFFFF  }
.LBB2_6:
0x5d: {  	s18 =	sshll.u32 s0, $0xA;
	s1 =	rddreg [dreg:$0x15]  }
0x5e: {  	[smem:$0x7F9] =	sst s0;
	s0 =	sadd.s32 s1, s18  }
0x5f: {  	s19 =	rddreg [dreg:$0x11];
	s20 =	simm.s32 $0x2B10;
	s0 =	sshrl.u32 s0, $0x3  }
0x60: {  	s2 =	simm.s32 $0x0;
	s21 =	simm.s32 $0x4;
	s0 =	sadd.s32 s19, s0  }
0x61: {  	[tilespmem:s20], [sflag:$0x4] =	stream.linear.gather [hbm4b:s0+s2], $0x400, $0x38;
	[tilespmem:$0x1F790] =	vst v63  }
0x62: {  	_ =	swait.ge [sflag:s21], $0x400  }
0x63: {  	[sflag:s21] =	ssyncset.done $0x0  }
0x64: {  	s22 =	simm.s32 $0x0;
	[sflag:s21] =	ssyncadd.s32 $0xFFFFFC00  }
0x65: {  	v8 =	vld [tilespmem:s22+$0x2B10];
	_ =	sdelay $0x4  }
0x66: {  	(v2sf) =	vpush v8, $0x3  }
0x67: {  	(v2sf) =	vpush v8, $0xF;
	_ =	sdelay $0x2  }
0x68: {  	(v2sf) =	vpush v8, $0x7  }
0x69: {  	(v2sf) =	vpush v8, $0x0;
	_ =	sdelay $0x2  }
0x6a: {  	(v2sf) =	vpush v8, $0x1;
	_ =	sdelay $0x1  }
0x6b: {  	(v2sf) =	vpush v8, $0x4;
	_ =	sdelay $0x1  }
0x6c: {  	(v2sf) =	vpush v8, $0x5  }
0x6d: {  	(v2sf) =	vpush v8, $0x6  }
0x6e: {  	(v2sf) =	vpush v8, $0xC  }
0x6f: {  	s23 =	spop (v2sf)  }
0x70: {  	s25 =	spop (v2sf);
	s26 =	smulhi.u32 $0x2AAAAAAB, s23  }
0x71: {  	(v2sf) =	vpush v8, $0x8;
	s0 =	sshra.s32 s23, $0x1F;
	s6 =	smulhi.u32 $0x2AAAAAAB, s25  }
0x72: {  	(v2sf) =	vpush v8, $0xD;
	s1 =	sshra.s32 s25, $0x1F;
	s0 =	smul.u32 $0x2AAAAAAB, s0  }
0x73: {  	s4 =	spop (v2sf);
	s9 =	smul.u32 $0x2AAAAAAB, s1  }
0x74: {  	(v2sf) =	vpush v8, $0xE;
	s8 =	spop (v2sf);
	s13 =	smulhi.u32 $0x2AAAAAAB, s4  }
0x75: {  	s4 =	sshra.s32 s4, $0x1F;
	s11 =	smulhi.u32 $0x2AAAAAAB, s8  }
0x76: {  	s8 =	sshra.s32 s8, $0x1F;
	s4 =	smul.u32 $0x2AAAAAAB, s4  }
0x77: {  	s10 =	spop (v2sf);
	s8 =	smul.u32 $0x2AAAAAAB, s8  }
0x78: {  	s20 =	sshra.s32 s10, $0x1F;
	s10 =	smulhi.u32 $0x2AAAAAAB, s10  }
0x79: {  	s12 =	spop (v2sf);
	s20 =	smul.u32 $0x2AAAAAAB, s20  }
0x7a: {  	(v2sf) =	vpush v8, $0x9;
	s24 =	sshra.s32 s12, $0x1F;
	s12 =	smulhi.u32 $0x2AAAAAAB, s12  }
0x7b: {  	(v2sf) =	vpush v8, $0xB;
	s5 =	spop (v2sf);
	s7 =	smul.u32 $0x2AAAAAAB, s24  }
0x7c: {  	(v2sf) =	vpush v8, $0xA;
	s3 =	spop (v2sf);
	s21 =	sshra.s32 s5, $0x1F;
	s5 =	smulhi.u32 $0x2AAAAAAB, s5  }
0x7d: {  	s1 =	smulhi.u32 $0x2AAAAAAB, s3;
	s14 =	spop (v2sf)  }
0x7e: {  	(v2sf) =	vpush v8, $0x2;
	s0 =	sadd.s32 s0, s26;
	s3 =	sshra.s32 s3, $0x1F;
	s16 =	smulhi.u32 $0x2AAAAAAB, s14  }
0x7f: {  	s26 =	simm.s32 $0x10;
	s14 =	sshra.s32 s14, $0x1F;
	s3 =	smul.u32 $0x2AAAAAAB, s3  }
0x80: {  	s6 =	sadd.s32 s9, s6;
	s15 =	spop (v2sf);
	s14 =	smul.u32 $0x2AAAAAAB, s14  }
0x81: {  	s17 =	spop (v2sf);
	s9 =	sshra.s32 s15, $0x1F;
	s15 =	smulhi.u32 $0x2AAAAAAB, s15  }
0x82: {  	s4 =	sadd.s32 s4, s13;
	s8 =	sadd.s32 s8, s11;
	s22 =	smulhi.u32 $0x2AAAAAAB, s17  }
0x83: {  	s10 =	sadd.s32 s20, s10;
	s18 =	spop (v2sf);
	s9 =	smul.u32 $0x2AAAAAAB, s9  }
0x84: {  	s20 =	sshrl.u32 s8, $0x1F;
	s17 =	sshra.s32 s17, $0x1F;
	s19 =	smulhi.u32 $0x2AAAAAAB, s18  }
0x85: {  	s12 =	sadd.s32 s7, s12;
	s18 =	sshra.s32 s18, $0x1F;
	s17 =	smul.u32 $0x2AAAAAAB, s17  }
0x86: {  	v9 =	vld [tilespmem:s26+$0x2B10];
	s28 =	sadd.s32 s3, s1;
	s1 =	simm.s32 $0x80;
	s18 =	smul.u32 $0x2AAAAAAB, s18  }
0x87: {  	s14 =	sadd.s32 s14, s16;
	s9 =	sadd.s32 s9, s15;
	s17 =	sadd.s32 s17, s22  }
0x88: {  	s29 =	sshra.s32 s9, $0x7;
	s30 =	sshrl.u32 s9, $0x1F;
	s18 =	sadd.s32 s18, s19  }
0x89: {  	s7 =	sshra.s32 s17, $0x7;
	s17 =	sshrl.u32 s17, $0x1F;
	s23 =	spop (v2sf)  }
0x8a: {  	s25 =	sshra.s32 s23, $0x1F;
	s16 =	spop (v2sf);
	s23 =	smulhi.u32 $0x2AAAAAAB, s23  }
0x8b: {  	(v2sf) =	vpush v9, $0x3;
	s11 =	spop (v2sf);
	s24 =	smul.u32 $0x2AAAAAAB, s25;
	s25 =	sshra.s32 s14, $0x7  }
0x8c: {  	s19 =	sshra.s32 s16, $0x1F;
	s14 =	sshrl.u32 s14, $0x1F;
	s16 =	smulhi.u32 $0x2AAAAAAB, s16  }
0x8d: {  	(v2sf) =	vpush v9, $0xF;
	s2 =	sshra.s32 s11, $0x1F;
	s11 =	smulhi.u32 $0x2AAAAAAB, s11;
	s13 =	spop (v2sf)  }
0x8e: {  	(v2sf) =	vpush v9, $0x7;
	v11 =	vmov s25;
	s25 =	sshrl.u32 s0, $0x1F;
	v13 =	vmov s14;
	s14 =	sshrl.u32 s12, $0x1F;
	s22 =	smul.u32 $0x2AAAAAAB, s2  }
0x8f: {  	(v2sf) =	vpush v9, $0x0;
	s2 =	sshrl.u32 s6, $0x1F;
	s26 =	sshra.s32 s13, $0x1F;
	s13 =	smulhi.u32 $0x2AAAAAAB, s13  }
0x90: {  	(v2sf) =	vpush v9, $0x1;
	s6 =	sshra.s32 s6, $0x7;
	s23 =	sadd.s32 s24, s23;
	s15 =	smul.u32 $0x2AAAAAAB, s26  }
0x91: {  	(v2sf) =	vpush v9, $0x4;
	s24 =	sshra.s32 s8, $0x7;
	s26 =	sshra.s32 s8, $0x1F;
	s8 =	smul.u32 $0x2AAAAAAB, s19  }
0x92: {  	(v2sf) =	vpush v9, $0x5;
	s19 =	sshra.s32 s10, $0x1F;
	s11 =	sadd.s32 s22, s11;
	s22 =	sshrl.u32 s10, $0x1F  }
0x93: {  	(v2sf) =	vpush v9, $0x6;
	s13 =	sadd.s32 s15, s13;
	s15 =	sshra.s32 s10, $0x7;
	s10 =	smul.u32 $0x2AAAAAAB, s21  }
0x94: {  	v10 =	vmov s20;
	v11 =	vsel vm12, s7, v11;
	s7 =	sshra.s32 s4, $0x7;
	s9 =	sshra.s32 s23, $0x7;
	s16 =	sadd.s32 s8, s16  }
0x95: {  	v10 =	vnsel vm10, $0x0, v10;
	(v2sf) =	vpush v9, $0xC;
	s21 =	sshrl.u32 s18, $0x1F;
	s8 =	sadd.s32 s10, s5;
	s10 =	sshra.s32 s4, $0x1F  }
0x96: {  	s18 =	sshra.s32 s18, $0x7;
	s3 =	sshrl.u32 s11, $0x1F;
	v10 =	vsel vm12, s22, v10;
	s22 =	sshra.s32 s0, $0x7;
	v12 =	vmov s10  }
0x97: {  	(v2sf) =	vpush v9, $0x8;
	s0 =	sshra.s32 s0, $0x1F;
	s20 =	sshrl.u32 s13, $0x1F;
	v11 =	vsel vm15, s18, v11;
	s18 =	sshra.s32 s12, $0x7;
	v12 =	vsel vm10, s24, v12  }
0x98: {  	v15 =	vmov s29;
	(v2sf) =	vpush v9, $0xD;
	s12 =	sshra.s32 s12, $0x1F;
	s5 =	sshra.s32 s11, $0x7;
	s11 =	sshrl.u32 s23, $0x1F;
	v12 =	vsel vm0, s26, v12  }
0x99: {  	v13 =	vsel vm12, s17, v13;
	(v2sf) =	vpush v9, $0xE;
	s23 =	sshra.s32 s13, $0x7;
	s13 =	sshra.s32 s13, $0x1F;
	s10 =	sshrl.u32 s16, $0x1F;
	v12 =	vsel vm12, s15, v12  }
0x9a: {  	(v2sf) =	vpush v9, $0x9;
	v13 =	vsel vm15, s21, v13;
	s16 =	sshra.s32 s16, $0x7;
	s17 =	sshrl.u32 s8, $0x1F;
	v12 =	vsel vm9, s19, v12;
	s19 =	spop (v2sf)  }
0x9b: {  	v15 =	vsel vm12, s9, v15;
	v13 =	vsel vm2, s2, v13;
	s26 =	sshra.s32 s28, $0x7;
	v12 =	vsel vm15, s23, v12;
	s2 =	smulhi.u32 $0x2AAAAAAB, s19;
	s19 =	sshra.s32 s19, $0x1F  }
0x9c: {  	v10 =	vsel vm15, s20, v10;
	v15 =	vsel vm15, s5, v15;
	s15 =	sshrl.u32 s28, $0x1F;
	s21 =	spop (v2sf);
	v12 =	vsel vm11, s13, v12;
	s5 =	smul.u32 $0x2AAAAAAB, s19  }
0x9d: {  	v11 =	vsel vm2, s6, v11;
	v10 =	vsel vm2, s25, v10;
	s20 =	spop (v2sf);
	s6 =	sshra.s32 s21, $0x1F;
	v12 =	vsel vm2, s22, v12;
	s22 =	smulhi.u32 $0x2AAAAAAB, s21  }
0x9e: {  	v10 =	vsel vm7, s14, v10;
	s23 =	sshra.s32 s28, $0x1F;
	s25 =	spop (v2sf);
	s14 =	smul.u32 $0x2AAAAAAB, s6  }
0x9f: {  	(v2sf) =	vpush v9, $0xB;
	s21 =	sshra.s32 s20, $0x1F;
	s20 =	smulhi.u32 $0x2AAAAAAB, s20;
	v12 =	vsel vm8, s0, v12;
	s28 =	spop (v2sf)  }
0xa0: {  	v14 =	vmov s30;
	s24 =	sshra.s32 s8, $0x1F;
	(v2sf) =	vpush v9, $0xA;
	s6 =	smulhi.u32 $0x2AAAAAAB, s25;
	v12 =	vsel vm7, s18, v12;
	s0 =	spop (v2sf)  }
0xa1: {  	v14 =	vsel vm12, s11, v14;
	(v2sf) =	vpush v9, $0x2;
	v12 =	vsel vm13, s12, v12;
	s18 =	sshra.s32 s0, $0x1F;
	s12 =	spop (v2sf);
	s0 =	smulhi.u32 $0x2AAAAAAB, s0  }
0xa2: {  	s8 =	sshra.s32 s8, $0x7;
	v14 =	vsel vm15, s3, v14;
	v15 =	vsel vm2, s16, v15;
	v10 =	vsel vm3, s17, v10;
	s11 =	smul.u32 $0x2AAAAAAB, s18;
	s9 =	spop (v2sf)  }
0xa3: {  	s4 =	sshrl.u32 s4, $0x1F;
	v14 =	vsel vm2, s10, v14;
	vm8 =	vcmask $0x3330;
	v12 =	vsel vm3, s8, v12;
	s17 =	sshra.s32 s12, $0x1F;
	s16 =	smulhi.u32 $0x2AAAAAAB, s9  }
0xa4: {  	v16 =	vld [tilespmem:$0x1FFE0];
	v11 =	vcombine.low v15, v11;
	s13 =	sshra.s32 s25, $0x1F;
	v10 =	vsel vm8, s15, v10;
	v12 =	vsel vm1, s24, v12;
	[dreg:$0xa] =	wrdreg s17;
	s18 =	spop (v2sf)  }
0xa5: {  	v13 =	vcombine.low v14, v13;
	v10 =	vsel vm6, s4, v10;
	s24 =	sadd.s32 s14, s22;
	[dreg:$0x9] =	wrdreg s11;
	v12 =	vsel vm8, s26, v12;
	s4 =	smulhi.u32 $0x2AAAAAAB, s18  }
0xa6: {  	v17 =	vadd.s32 $0x5FF, v8;
	s11 =	sshra.s32 s28, $0x1F;
	s19 =	sshra.s32 s18, $0x1F;
	v12 =	vsel vm5, s23, v12;
	s23 =	smul.u32 $0x2AAAAAAB, s13  }
0xa7: {  	v14 =	vperm.xlane v11, v4;
	v13 =	vperm.xlane v13, v4;
	s25 =	spop (v2sf);
	s29 =	sshrl.u32 s24, $0x1F;
	s14 =	smul.u32 $0x2AAAAAAB, s19;
	v11 =	vsel vm6, s7, v12  }
0xa8: {  	v20 =	vadd.s32 $0xFFFFF400, v9;
	v10 =	vperm.xlane v10, v6;
	[dreg:$0x8] =	wrdreg s16;
	s19 =	sadd.s32 s5, s2;
	s5 =	smulhi.u32 $0x2AAAAAAB, s28;
	v15 =	vperm.xlane v11, v6  }
0xa9: {  	vm0 =	vnez.u8 v16;
	v16 =	vadd.s32 $0xFFFFEE00, v8;
	vm13 =	vmmov vm2;
	s22 =	spop (v2sf);
	s26 =	sshra.s32 s25, $0x1F;
	s31 =	smul.u32 $0x2AAAAAAB, s11  }
0xaa: {  	vm2 =	vmmov vm15;
	v10 =	vsel vm0, v10, v13;
	s10 =	spop (v2sf);
	s16 =	sshra.s32 s22, $0x1F;
	s17 =	sshra.s32 s19, $0x7;
	v15 =	vsel vm0, v15, v14  }
0xab: {  	vm1 =	vmmov vm12;
	v13 =	vadd.s32 $0xFFFFE200, v8;
	s13 =	smulhi.u32 $0x2AAAAAAB, s10;
	[dreg:$0xb] =	wrdreg s17;
	s17 =	sadd.s32 s23, s6;
	v21 =	vadd.s32 v10, v15  }
0xac: {  	v12 =	vadd.s32 $0xFFFFFA00, v8;
	v11 =	vadd.s32 $0xFFFFDC00, v8;
	s30 =	spop (v2sf);
	s8 =	sshra.s32 s10, $0x1F;
	s6 =	sshrl.u32 s17, $0x1F;
	v18 =	vshrl.u32 v21, $0x1F  }
0xad: {  	s4 =	sadd.s32 s14, s4;
	s2 =	sshra.s32 s30, $0x1F;
	s18 =	smul.u32 $0x2AAAAAAB, s8;
	v14 =	vadd.s32 $0xFFFFF400, v8;
	v23 =	vmov s6;
	v19 =	vadd.s32 v18, v21  }
0xae: {  	s8 =	smulhi.u32 $0x2AAAAAAB, s22;
	s22 =	sshrl.u32 s19, $0x1F;
	v15 =	vadd.s32 $0xFFFFE800, v8;
	v10 =	vadd.s32 $0xFFFFDC00, v9;
	s28 =	spop (v2sf);
	v22 =	vand.u32 $0xFFFFFFFE, v19  }
0xaf: {  	s7 =	sshra.s32 s4, $0x7;
	s23 =	sadd.s32 s18, s13;
	v18 =	vadd.s32 $0xFFFFFA00, v9;
	s14 =	spop (v2sf);
	v19 =	vadd.s32 $0xFFFFE200, v9;
	v24 =	vsub.s32 v21, v22  }
0xb0: {  	s11 =	sshra.s32 s28, $0x1F;
	s15 =	sshra.s32 s14, $0x1F;
	s6 =	spop (v2sf);
	v21 =	vadd.s32 $0xFFFFE800, v9;
	v22 =	vadd.s32 $0xFFFFEE00, v9;
	vm10 =	veq.s32 v24, v0  }
.LBB2_7:
0xb1: {  	s10 =	smul.u32 $0x2AAAAAAB, s16  }
0xb2: {  	v24 =	vmov s7;
	v25 =	vadd.s32 $0x5FF, v9;
	s21 =	smul.u32 $0x2AAAAAAB, s21  }
0xb3: {  	s3 =	sshra.s32 s1, $0x2;
	s7 =	smulhi.u32 $0x2AAAAAAB, s14;
	vm0 =	vlt.u32 v17, $0xBFF;
	v28 =	vimm.s32 $0x0;
	vm12 =	vlt.u32 v16, $0x600  }
0xb4: {  	s14 =	smul.u32 $0x2AAAAAAB, s15;
	vm11 =	vlt.u32 v14, $0x600;
	vm6 =	vlt.u32 v15, $0x600;
	vm15 =	vlt.u32 v12, $0x600;
	v26 =	vld [tilespmem:s3+$0x2B10]  }
0xb5: {  	s24 =	sshra.s32 s24, $0x7;
	vm3 =	vlt.u32 v13, $0x600;
	vm4 =	vlt.u32 v11, $0x600;
	vm5 =	vgt.s32 v8, $0xFFFFFFFF;
	s11 =	smul.u32 $0x2AAAAAAB, s11  }
0xb6: {  	s13 =	sshra.s32 s6, $0x1F;
	s16 =	sshra.s32 s17, $0x7;
	vm9 =	vcmask $0x2320;
	vm7 =	vcmask $0x3330;
	vm8 =	vcmask $0x3B38;
	s3 =	smul.u32 $0x2AAAAAAB, s2  }
0xb7: {  	s4 =	sshrl.u32 s4, $0x1F;
	s5 =	sadd.s32 s31, s5;
	v27 =	vsel vm0, $0xFFFFFFFF, v28;
	vm0 =	vcmask $0x300;
	s13 =	smul.u32 $0x2AAAAAAB, s13;
	vm5 =	vmand vm5, vm10  }
0xb8: {  	v16 =	vmovc v22;
	v12 =	vmovc v18;
	v18 =	vmov s4;
	s10 =	sadd.s32 s10, s8;
	s8 =	sshra.s32 s17, $0x1F;
	v22 =	vnsel vm0, $0x0, v23;
	s17 =	smulhi.u32 $0x2AAAAAAB, s25;
	vm4 =	vmand vm4, vm5  }
0xb9: {  	s18 =	sshrl.u32 s5, $0x1F;
	s2 =	sshra.s32 s5, $0x7;
	s25 =	smul.u32 $0x2AAAAAAB, s26;
	vm10 =	vmand vm15, vm5;
	vm3 =	vmand vm3, vm5;
	(v2sf) =	vpush v26, $0x3  }
0xba: {  	v14 =	vmovc v20;
	s4 =	sadd.s32 s21, s20;
	s26 =	smulhi.u32 $0x2AAAAAAB, s30;
	vm12 =	vmand vm12, vm5;
	v20 =	vsel vm1, s18, v22;
	s18 =	sshra.s32 s10, $0x7;
	(v2sf) =	vpush v26, $0xF  }
0xbb: {  	v13 =	vmovc v19;
	s21 =	smulhi.u32 $0x2AAAAAAB, s6;
	vm15 =	vcmask $0x1F1C;
	s10 =	sshrl.u32 s10, $0x1F;
	v58 =	vmpcnt.ones.xlane vm12;
	v19 =	vsel vm1, s18, v24;
	s18 =	sshra.s32 s23, $0x7  }
0xbc: {  	v15 =	vmovc v21;
	s7 =	sadd.s32 s14, s7;
	v18 =	vsel vm1, s10, v18;
	s10 =	sshrl.u32 s23, $0x1F;
	s17 =	sadd.s32 s25, s17;
	v19 =	vsel vm2, s18, v19;
	(v2sf) =	vpush v26, $0x7  }
0xbd: {  	v8 =	vmovc v9;
	s23 =	sshra.s32 s4, $0x1F;
	s3 =	sadd.s32 s3, s26;
	s6 =	sadd.s32 s13, s21;
	v18 =	vsel vm2, s10, v18;
	v21 =	vadd.s32 $0xFFFFDC00, v26;
	v9 =	vmovc v26;
	(v2sf) =	vpush v26, $0x0  }
0xbe: {  	s26 =	sshrl.u32 s6, $0x1F;
	v19 =	vsel vm13, s24, v19;
	s24 =	sshra.s32 s17, $0x7;
	s17 =	sshrl.u32 s17, $0x1F;
	v18 =	vsel vm13, s29, v18;
	(v2sf) =	vpush v9, $0x1  }
0xbf: {  	v11 =	vmovc v10;
	s5 =	sshra.s32 s5, $0x1F;
	s25 =	smulhi.u32 $0x2AAAAAAB, s28;
	s13 =	sshrl.u32 s7, $0x1F;
	v20 =	vsel vm2, s26, v20;
	v10 =	vmovc v21;
	v21 =	vmov s23;
	v22 =	vmov s17  }
0xc0: {  	s7 =	sshra.s32 s7, $0x7;
	s21 =	rddreg [dreg:$0xa];
	s10 =	sshrl.u32 s3, $0x1F;
	v23 =	vmov s24;
	v20 =	vsel vm13, s22, v20;
	(v2sf) =	vpush v9, $0x4  }
0xc1: {  	s18 =	smulhi.u32 $0x2AAAAAAB, s12;
	s3 =	sshra.s32 s3, $0x7;
	s17 =	rddreg [dreg:$0x9];
	v21 =	vsel vm0, s16, v21;
	vm0 =	vcmask $0x704;
	v22 =	vsel vm1, s10, v22  }
0xc2: {  	s14 =	smul.u32 $0x2AAAAAAB, s21;
	s11 =	sadd.s32 s11, s25;
	s0 =	sadd.s32 s17, s0;
	v23 =	vsel vm1, s3, v23;
	v21 =	vsel vm0, s8, v21;
	vm0 =	vcmask $0xF0C  }
0xc3: {  	s25 =	sshra.s32 s6, $0x1F;
	s23 =	sshra.s32 s9, $0x1F;
	s20 =	sshrl.u32 s0, $0x1F;
	v23 =	vsel vm2, s7, v23;
	v21 =	vsel vm1, s2, v21;
	(v2sf) =	vpush v9, $0x5  }
0xc4: {  	s22 =	sshrl.u32 s11, $0x1F;
	s24 =	sshra.s32 s6, $0x7;
	v20 =	vsel vm9, s20, v20;
	s2 =	smul.u32 $0x2AAAAAAB, s23;
	v21 =	vsel vm0, s5, v21;
	(v2sf) =	vpush v9, $0x6  }
0xc5: {  	s9 =	rddreg [dreg:$0x8];
	s10 =	sshra.s32 s11, $0x7;
	s8 =	sadd.s32 s14, s18;
	vm0 =	vcmask $0x1714;
	v21 =	vsel vm2, s24, v21;
	(v2sf) =	vpush v9, $0xC  }
0xc6: {  	s11 =	sshra.s32 s19, $0x1F;
	s26 =	sshrl.u32 s8, $0x1F;
	s3 =	sadd.s32 s2, s9;
	v21 =	vsel vm0, s25, v21;
	vm0 =	vcmask $0x2B28;
	(v2sf) =	vpush v9, $0x8  }
0xc7: {  	v22 =	vsel vm2, s13, v22;
	s13 =	rddreg [dreg:$0xb];
	s14 =	sshra.s32 s0, $0x7;
	v23 =	vsel vm13, s10, v23;
	s12 =	sshrl.u32 s3, $0x1F;
	v20 =	vsel vm0, s26, v20  }
0xc8: {  	v22 =	vsel vm13, s22, v22;
	s2 =	sshra.s32 s4, $0x7;
	s4 =	sshrl.u32 s4, $0x1F;
	v20 =	vsel vm7, s12, v20;
	(v2sf) =	vpush v9, $0xD;
	s16 =	spop (v2sf)  }
0xc9: {  	s15 =	sshra.s32 s0, $0x1F;
	v19 =	vcombine.low v23, v19;
	v18 =	vcombine.low v22, v18;
	v20 =	vsel vm8, s4, v20;
	s4 =	smulhi.u32 $0x2AAAAAAB, s16;
	s18 =	spop (v2sf)  }
0xca: {  	[tilespmem:$0x1FFD0] =	vst v27;
	s17 =	sshra.s32 s8, $0x1F;
	v22 =	vmpcnt.ones.xlane vm10;
	v23 =	vmpcnt.ones.xlane vm3;
	(v2sf) =	vpush v9, $0xE;
	s19 =	smulhi.u32 $0x2AAAAAAB, s18;
	s6 =	sshra.s32 s18, $0x1F  }
0xcb: {  	v55 =	vld [tilespmem:$0x1FFD0];
	s8 =	sshra.s32 s8, $0x7;
	vm3 =	vmand vm6, vm5;
	vm10 =	vmand vm11, vm5;
	(v2sf) =	vpush v9, $0x9;
	s20 =	spop (v2sf);
	s22 =	smul.u32 $0x2AAAAAAB, s6  }
0xcc: {  	vm6 =	vcmask $0x2724;
	v57 =	vmpcnt.ones.xlane vm10;
	v21 =	vsel vm13, s13, v21;
	s21 =	sshra.s32 s20, $0x1F;
	s24 =	spop (v2sf);
	s20 =	smulhi.u32 $0x2AAAAAAB, s20  }
0xcd: {  	v54 =	vld [tilespmem:$0x1FFE0];
	v59 =	vmpcnt.ones.xlane vm3;
	v22 =	vsel vm14, $0x0, v22;
	v21 =	vsel vm15, s11, v21;
	s25 =	sshra.s32 s16, $0x1F;
	s5 =	smulhi.u32 $0x2AAAAAAB, s24;
	s6 =	spop (v2sf)  }
0xce: {  	v60 =	vld [tilespmem:$0x1FFF0];
	v19 =	vperm.xlane v19, v4;
	v21 =	vsel vm9, s14, v21;
	(v2sf) =	vpush v9, $0xB;
	s10 =	sshra.s32 s24, $0x1F;
	s24 =	sadd.s32 s22, s19;
	s22 =	smul.u32 $0x2AAAAAAB, s25  }
0xcf: {  	v18 =	vperm.xlane v18, v4;
	v21 =	vsel vm6, s15, v21;
	(v2sf) =	vpush v9, $0xA;
	s23 =	sshra.s32 s6, $0x1F;
	s0 =	spop (v2sf);
	s10 =	smul.u32 $0x2AAAAAAB, s10  }
0xd0: {  	v21 =	vsel vm0, s8, v21;
	vm0 =	vnez.u8 v55;
	(v2sf) =	vpush v9, $0x2;
	s26 =	sshra.s32 s0, $0x1F;
	s31 =	smul.u32 $0x2AAAAAAB, s23  }
0xd1: {  	p2 =	sne.s32 s1, $0xFC0;
	s7 =	sshra.s32 s3, $0x1F;
	v20 =	vperm.xlane v20, v6;
	vm5 =	vmand vm0, vm5;
	vm0 =	vcmask $0x2F2C;
	s9 =	smul.u32 $0x2AAAAAAB, s26  }
0xd2: {  	s3 =	sshra.s32 s3, $0x7;
	vm6 =	vnez.u8 v54;
	v21 =	vsel vm0, s17, v21;
	v56 =	vmpcnt.ones.xlane vm5;
	s12 =	spop (v2sf);
	s0 =	smulhi.u32 $0x2AAAAAAB, s0  }
0xd3: {  	s1 =	sadd.s32 $0x40, s1;
	vm5 =	vcmask $0x3734;
	vm0 =	vnez.u8 v60;
	v21 =	vsel vm7, s3, v21;
	[dreg:$0x9] =	wrdreg s9;
	s9 =	spop (v2sf)  }
0xd4: {  	v18 =	vsel vm6, v20, v18;
	v21 =	vsel vm5, s7, v21;
	v24 =	vnsel vm0, $0x0, v56;
	s15 =	sshra.s32 s12, $0x1F;
	s17 =	smulhi.u32 $0x2AAAAAAB, s9;
	s18 =	spop (v2sf)  }
0xd5: {  	vm0 =	vcmask $0x70C;
	v21 =	vsel vm8, s2, v21;
	v7 =	vadd.s32 v7, v24;
	s29 =	sshrl.u32 s24, $0x1F;
	[dreg:$0xa] =	wrdreg s15;
	s25 =	spop (v2sf)  }
0xd6: {  	v61 =	vsel vm0, $0x0, v57;
	vm0 =	vcmask $0xF14;
	v21 =	vperm.xlane v21, v6;
	s19 =	sshra.s32 s18, $0x1F;
	s13 =	smulhi.u32 $0x2AAAAAAB, s18;
	[dreg:$0x8] =	wrdreg s17  }
0xd7: {  	v62 =	vsel vm0, $0x0, v59;
	v7 =	vadd.s32 v22, v7;
	vm0 =	vcmask $0xB10;
	s26 =	sshra.s32 s25, $0x1F;
	s14 =	spop (v2sf);
	s3 =	smul.u32 $0x2AAAAAAB, s19  }
0xd8: {  	v20 =	vsel vm0, $0x0, v58;
	v7 =	vadd.s32 v61, v7;
	vm0 =	vcmask $0x1318;
	s19 =	sadd.s32 s22, s4;
	s17 =	sadd.s32 s10, s5;
	s5 =	smulhi.u32 $0x2AAAAAAB, s6  }
0xd9: {  	v19 =	vsel vm6, v21, v19;
	v21 =	vmpcnt.ones.xlane vm4;
	v7 =	vadd.s32 v20, v7;
	s16 =	sshra.s32 s14, $0x1F;
	s15 =	spop (v2sf);
	s8 =	smulhi.u32 $0x2AAAAAAB, s14  }
0xda: {  	v22 =	vadd.s32 v18, v19;
	v19 =	vsel vm0, $0x0, v23;
	v7 =	vadd.s32 v62, v7;
	s4 =	sshra.s32 s19, $0x7;
	s30 =	spop (v2sf);
	s18 =	smulhi.u32 $0x2AAAAAAB, s15  }
.Ltmp2:
0xdb: {  	vm0 =	vcmask $0x171C;
	v18 =	vadd.s32 $0xFFFFFA00, v9;
	v20 =	vshrl.u32 v22, $0x1F;
	s22 =	sshrl.u32 s19, $0x1F;
	[dreg:$0xb] =	wrdreg s4;
	(pc) =	sbr.rel @p2 .LBB2_7-.Ltmp2, $4  }
0xdc: {  	v21 =	vsel vm0, $0x0, v21;
	v7 =	vadd.s32 v19, v7;
	v20 =	vadd.s32 v20, v22;
	s4 =	sadd.s32 s3, s13;
	s11 =	sshra.s32 s15, $0x1F;
	s13 =	sshrl.u32 s17, $0x1F  }
0xdd: {  	v19 =	vadd.s32 $0xFFFFE200, v9;
	v7 =	vadd.s32 v21, v7;
	v23 =	vand.u32 $0xFFFFFFFE, v20;
	s2 =	sshra.s32 s30, $0x1F;
	s28 =	spop (v2sf);
	s3 =	smul.u32 $0x2AAAAAAB, s11  }
0xde: {  	v21 =	vadd.s32 $0xFFFFE800, v9;
	v20 =	vadd.s32 $0xFFFFF400, v9;
	v63 =	vsub.s32 v22, v23;
	s7 =	sshra.s32 s4, $0x7;
	s14 =	spop (v2sf);
	s11 =	sshra.s32 s28, $0x1F  }
0xdf: {  	v17 =	vmovc v25;
	v22 =	vadd.s32 $0xFFFFEE00, v9;
	vm10 =	veq.s32 v63, v0;
	v23 =	vmov s13;
	s15 =	sshra.s32 s14, $0x1F;
	s23 =	sadd.s32 s3, s18;
	s6 =	spop (v2sf)  }
0xe0: {  	s1 =	smul.u32 $0x2AAAAAAB, s16  }
0xe1: {  	s2 =	smul.u32 $0x2AAAAAAB, s2  }
0xe2: {  	s3 =	smul.u32 $0x2AAAAAAB, s21  }
0xe3: {  	s10 =	smulhi.u32 $0x2AAAAAAB, s14  }
0xe4: {  	s13 =	smul.u32 $0x2AAAAAAB, s15  }
0xe5: {  	s21 =	smulhi.u32 $0x2AAAAAAB, s25  }
0xe6: {  	s25 =	smul.u32 $0x2AAAAAAB, s26  }
0xe7: {  	s26 =	smulhi.u32 $0x2AAAAAAB, s30  }
0xe8: {  	s18 =	sadd.s32 s31, s5;
	s31 =	smulhi.u32 $0x2AAAAAAB, s6  }
0xe9: {  	s11 =	smul.u32 $0x2AAAAAAB, s11  }
0xea: {  	s30 =	sshra.s32 s6, $0x1F;
	s12 =	smulhi.u32 $0x2AAAAAAB, s12;
	s15 =	rddreg [dreg:$0xa]  }
0xeb: {  	s4 =	sshrl.u32 s4, $0x1F;
	s14 =	sshra.s32 s19, $0x1F;
	s16 =	smul.u32 $0x2AAAAAAB, s15  }
0xec: {  	vm6 =	vcmask $0x300;
	s8 =	sadd.s32 s1, s8;
	s1 =	sadd.s32 s3, s20;
	s3 =	sadd.s32 s25, s21  }
0xed: {  	vm0 =	vcmask $0x704;
	v25 =	vmov s7;
	vm8 =	vcmask $0x1714;
	s20 =	smul.u32 $0x2AAAAAAB, s30;
	s5 =	sadd.s32 s2, s26;
	s2 =	sadd.s32 s13, s10  }
0xee: {  	vm3 =	vcmask $0x1F1C;
	vm7 =	vcmask $0x2724;
	vm15 =	vcmask $0x2B28;
	s25 =	sshra.s32 s17, $0x7;
	s26 =	smulhi.u32 $0x2AAAAAAB, s28;
	s28 =	sshra.s32 s17, $0x1F  }
0xef: {  	vm4 =	vlt.u32 v16, $0x600;
	vm11 =	vlt.u32 v12, $0x600;
	vm12 =	vlt.u32 v13, $0x600;
	s30 =	rddreg [dreg:$0x9];
	s17 =	sshra.s32 s18, $0x1F;
	s21 =	sshra.s32 s1, $0x1F  }
0xf0: {  	vm9 =	vcmask $0x171C;
	v23 =	vnsel vm6, $0x0, v23;
	v26 =	vmov s4;
	s15 =	sshrl.u32 s3, $0x1F;
	s3 =	sshra.s32 s3, $0x7;
	s6 =	sadd.s32 s20, s31  }
0xf1: {  	v24 =	vmov s21;
	s31 =	sshra.s32 s18, $0x7;
	s18 =	sshrl.u32 s18, $0x1F;
	s21 =	sshra.s32 s8, $0x7;
	v27 =	vmov s15;
	v28 =	vmov s3  }
0xf2: {  	s10 =	sadd.s32 s30, s0;
	s30 =	sshra.s32 s23, $0x7;
	s19 =	sshrl.u32 s5, $0x1F;
	v24 =	vsel vm6, s25, v24;
	v23 =	vsel vm1, s18, v23;
	v25 =	vsel vm1, s21, v25  }
0xf3: {  	s0 =	sadd.s32 s11, s26;
	s20 =	sshra.s32 s6, $0x7;
	s25 =	sshrl.u32 s8, $0x1F;
	v27 =	vsel vm1, s19, v27;
	vm6 =	vcmask $0x3B38;
	v24 =	vsel vm0, s28, v24  }
0xf4: {  	s26 =	sshra.s32 s6, $0x1F;
	s6 =	sshrl.u32 s6, $0x1F;
	vm0 =	vcmask $0xF0C;
	v26 =	vsel vm1, s25, v26;
	s28 =	sshrl.u32 s23, $0x1F;
	v25 =	vsel vm2, s30, v25  }
0xf5: {  	s11 =	sadd.s32 s16, s12;
	s12 =	sshra.s32 s24, $0x7;
	v23 =	vsel vm2, s6, v23;
	v24 =	vsel vm1, s31, v24;
	v26 =	vsel vm2, s28, v26  }
0xf6: {  	s25 =	sshrl.u32 s2, $0x1F;
	v25 =	vsel vm13, s12, v25;
	v23 =	vsel vm13, s22, v23;
	v24 =	vsel vm0, s17, v24  }
0xf7: {  	s2 =	sshra.s32 s2, $0x7;
	s31 =	sshra.s32 s9, $0x1F;
	s22 =	sshra.s32 s5, $0x7;
	v27 =	vsel vm2, s25, v27;
	v26 =	vsel vm13, s29, v26;
	v24 =	vsel vm2, s20, v24  }
0xf8: {  	s9 =	rddreg [dreg:$0xb];
	s28 =	sshra.s32 s0, $0x7;
	s0 =	sshrl.u32 s0, $0x1F;
	v28 =	vsel vm1, s22, v28;
	vm0 =	vcmask $0x3330;
	v24 =	vsel vm8, s26, v24  }
0xf9: {  	s13 =	smul.u32 $0x2AAAAAAB, s31;
	v27 =	vsel vm13, s0, v27;
	v28 =	vsel vm2, s2, v28;
	v24 =	vsel vm13, s9, v24  }
0xfa: {  	s16 =	sshra.s32 s10, $0x7;
	s17 =	rddreg [dreg:$0x8];
	s20 =	sshrl.u32 s10, $0x1F;
	v44 =	vcombine.low v27, v26;
	vm8 =	vcmask $0x2320;
	v24 =	vsel vm3, s14, v24  }
0xfb: {  	v50 =	vld [tilespmem:$0x1FFF0];
	s18 =	sshra.s32 s10, $0x1F;
	s23 =	sshrl.u32 s11, $0x1F;
	s4 =	sadd.s32 s13, s17;
	v28 =	vsel vm13, s28, v28;
	v23 =	vsel vm8, s20, v23;
	v24 =	vsel vm8, s16, v24  }
0xfc: {  	s21 =	sshra.s32 s11, $0x7;
	s29 =	sshrl.u32 s4, $0x1F;
	v42 =	vcombine.low v28, v25;
	v23 =	vsel vm15, s23, v23;
	v24 =	vsel vm7, s18, v24  }
0xfd: {  	s24 =	sshra.s32 s11, $0x1F;
	s30 =	sshra.s32 s1, $0x7;
	s1 =	sshrl.u32 s1, $0x1F;
	v23 =	vsel vm0, s29, v23;
	vm7 =	vcmask $0x2F2C;
	v24 =	vsel vm15, s21, v24  }
0xfe: {  	s26 =	sshra.s32 s4, $0x7;
	vm3 =	vlt.u32 v17, $0xBFF;
	v23 =	vsel vm6, s1, v23;
	v24 =	vsel vm7, s24, v24  }
0xff: {  	s4 =	sshra.s32 s4, $0x1F;
	v43 =	vperm.xlane v23, v6;
	vm7 =	vcmask $0x1318;
	v24 =	vsel vm0, s26, v24  }
0x100: {  	vm0 =	vnez.u8 v50;
	v24 =	vsel vm5, s4, v24;
	vm5 =	vgt.s32 v8, $0xFFFFFFFF  }
0x101: {  	v8 =	vadd.s32 $0x5FF, v9;
	v24 =	vsel vm6, s30, v24;
	vm5 =	vmand vm5, vm10  }
0x102: {  	vm10 =	vlt.u32 v14, $0x600;
	vm11 =	vmand vm11, vm5;
	vm12 =	vmand vm12, vm5  }
0x103: {  	vm3 =	vmand vm3, vm5;
	vm10 =	vmand vm10, vm5;
	v47 =	vperm.xlane v24, v6  }
0x104: {  	vm4 =	vmand vm4, vm5;
	v40 =	vmpcnt.ones.xlane vm11;
	v41 =	vmpcnt.ones.xlane vm12  }
0x105: {  	v51 =	vld [tilespmem:$0x1FFE0];
	vm11 =	vlt.u32 v15, $0x600;
	v45 =	vmpcnt.ones.xlane vm3;
	v46 =	vmpcnt.ones.xlane vm10  }
0x106: {  	vm12 =	vlt.u32 v11, $0x600;
	v11 =	vperm.xlane v42, v4;
	v15 =	vperm.xlane v44, v4  }
0x107: {  	v48 =	vmpcnt.ones.xlane vm4;
	vm4 =	vlt.u32 v8, $0xBFF;
	vm10 =	vlt.u32 v22, $0x600  }
0x108: {  	vm12 =	vmand vm12, vm5;
	vm3 =	vmand vm11, vm5;
	vm5 =	vgt.s32 v9, $0xFFFFFFFF  }
0x109: {  	vm11 =	vlt.u32 v18, $0x600;
	v12 =	vsel vm14, $0x0, v40;
	v49 =	vmpcnt.ones.xlane vm3  }
0x10a: {  	v16 =	vnsel vm0, $0x0, v45;
	vm3 =	vnez.u8 v51;
	v56 =	vmpcnt.ones.xlane vm12  }
0x10b: {  	v14 =	vsel vm3, v43, v15;
	v11 =	vsel vm3, v47, v11;
	vm3 =	vcmask $0x70C  }
0x10c: {  	v7 =	vadd.s32 v7, v16;
	v52 =	vsel vm3, $0x0, v46;
	v11 =	vadd.s32 v14, v11  }
0x10d: {  	vm3 =	vcmask $0xF14;
	v7 =	vadd.s32 v12, v7;
	v54 =	vshrl.u32 v11, $0x1F  }
0x10e: {  	v53 =	vsel vm3, $0x0, v49;
	vm3 =	vcmask $0xB10;
	v12 =	vadd.s32 v54, v11  }
0x10f: {  	v7 =	vadd.s32 v52, v7;
	v55 =	vsel vm3, $0x0, v48;
	v12 =	vand.u32 $0xFFFFFFFE, v12  }
0x110: {  	v13 =	vsel vm7, $0x0, v41;
	v7 =	vadd.s32 v55, v7;
	v11 =	vsub.s32 v11, v12  }
0x111: {  	vm12 =	vlt.u32 v21, $0x600;
	v7 =	vadd.s32 v53, v7;
	vm3 =	veq.s32 v11, v0  }
0x112: {  	v58 =	vsel vm9, $0x0, v56;
	v7 =	vadd.s32 v13, v7;
	vm3 =	vmand vm5, vm3  }
0x113: {  	vm5 =	vlt.u32 v20, $0x600;
	v7 =	vadd.s32 v58, v7;
	vm11 =	vmand vm11, vm3  }
0x114: {  	vm4 =	vmand vm4, vm3;
	vm12 =	vmand vm12, vm3;
	vm5 =	vmand vm5, vm3  }
0x115: {  	v8 =	vmpcnt.ones.xlane vm11;
	vm11 =	vlt.u32 v10, $0x600;
	v57 =	vmpcnt.ones.xlane vm4  }
0x116: {  	vm4 =	vlt.u32 v19, $0x600;
	v59 =	vmpcnt.ones.xlane vm5;
	vm5 =	vcmask $0x3734  }
0x117: {  	v61 =	vmpcnt.ones.xlane vm12;
	vm12 =	vmmov vm1;
	vm1 =	vcmask $0x2F2C  }
0x118: {  	vm11 =	vmand vm11, vm3;
	vm4 =	vmand vm4, vm3;
	vm3 =	vmand vm10, vm3  }
0x119: {  	s31 =	sld [smem:$0x7F9];
	vm10 =	vcmask $0x300;
	v9 =	vnsel vm0, $0x0, v57;
	v60 =	vmpcnt.ones.xlane vm3  }
0x11a: {  	v8 =	vsel vm14, $0x0, v8;
	vm0 =	vcmask $0x70C;
	v62 =	vmpcnt.ones.xlane vm11  }
0x11b: {  	vm3 =	vmmov vm15;
	vm15 =	vmmov vm2;
	vm2 =	vmmov vm13  }
0x11c: {  	s0 =	sadd.s32 $0x1, s31;
	vm11 =	vcmask $0x1714;
	v7 =	vadd.s32 v7, v9;
	v11 =	vsel vm0, $0x0, v59  }
0x11d: {  	p2 =	sne.s32 s0, $0xA;
	vm0 =	vcmask $0xB10;
	v7 =	vadd.s32 v8, v7;
	v8 =	vmpcnt.ones.xlane vm4  }
.Ltmp3:
0x11e: {  	v10 =	vsel vm0, $0x0, v60;
	vm0 =	vcmask $0xF14;
	v7 =	vadd.s32 v11, v7;
	(pc) =	sbr.rel @p2 .LBB2_6-.Ltmp3, $4  }
0x11f: {  	vm13 =	vcmask $0x2724;
	v9 =	vsel vm0, $0x0, v61;
	v7 =	vadd.s32 v10, v7  }
0x120: {  	v63 =	vsel vm9, $0x0, v62;
	v8 =	vsel vm7, $0x0, v8;
	v7 =	vadd.s32 v9, v7  }
0x121: {  	vm9 =	vcmask $0xF0C;
	vm0 =	vcmask $0x704;
	v7 =	vadd.s32 v8, v7  }
0x122: {  	vm7 =	vmmov vm8;
	vm8 =	vcmask $0x1F1C;
	v7 =	vadd.s32 v63, v7  }
0x123: {  	(xrf0) =	vadd.scan.msk.s32 $0xffff, v7;
	_ =	sdelay $0x5  }
0x124: {  	v8, _, _ =	vpop (xrf0)  }
0x125: {  	v8 =	vsub.s32 v8, v7  }
0x126: {  	(v2sf) =	vpush v8, $0x0  }
0x127: {  	(v2sf) =	vpush v7, $0x0  }
0x128: {  	(v2sf) =	vpush v8, $0x1  }
0x129: {  	(v2sf) =	vpush v7, $0x1  }
0x12a: {  	(v2sf) =	vpush v8, $0x2  }
0x12b: {  	(v2sf) =	vpush v7, $0x2  }
0x12c: {  	(v2sf) =	vpush v8, $0x3  }
0x12d: {  	(v2sf) =	vpush v7, $0x3  }
0x12e: {  	(v2sf) =	vpush v8, $0x4  }
0x12f: {  	(v2sf) =	vpush v7, $0x4  }
0x130: {  	(v2sf) =	vpush v8, $0x5  }
0x131: {  	(v2sf) =	vpush v7, $0x5  }
0x132: {  	(v2sf) =	vpush v8, $0x6  }
0x133: {  	(v2sf) =	vpush v7, $0x6;
	_ =	sdelay $0x1  }
0x134: {  	s0 =	spop (v2sf)  }
0x135: {  	s1 =	spop (v2sf);
	[smem:$0x0] =	sst s0  }
0x136: {  	s19 =	spop (v2sf);
	[smem:$0x10] =	sst s1  }
0x137: {  	s20 =	spop (v2sf);
	[smem:$0x1] =	sst s19  }
0x138: {  	s21 =	spop (v2sf);
	[smem:$0x11] =	sst s20  }
0x139: {  	s22 =	spop (v2sf);
	[smem:$0x2] =	sst s21  }
0x13a: {  	s23 =	spop (v2sf);
	[smem:$0x12] =	sst s22  }
0x13b: {  	s24 =	spop (v2sf);
	[smem:$0x3] =	sst s23  }
0x13c: {  	s25 =	spop (v2sf);
	[smem:$0x13] =	sst s24  }
0x13d: {  	s26 =	spop (v2sf);
	[smem:$0x4] =	sst s25  }
0x13e: {  	s28 =	spop (v2sf);
	[smem:$0x14] =	sst s26  }
0x13f: {  	s29 =	spop (v2sf);
	[smem:$0x5] =	sst s28  }
0x140: {  	s30 =	spop (v2sf);
	[smem:$0x15] =	sst s29  }
0x141: {  	vm5 =	vcmask $0x3330;
	[smem:$0x6] =	sst s30;
	s31 =	spop (v2sf)  }
0x142: {  	vm4 =	vmmov vm6;
	vm6 =	vmmov vm10;
	vm10 =	vmmov vm3;
	s1 =	simm.s32 $0x0;
	s23 =	simm.s32 $0x0;
	[smem:$0x16] =	sst s31  }
.LBB2_10:
0x143: {  	s0 =	sshll.u32 s1, $0xA;
	s16 =	rddreg [dreg:$0x15]  }
0x144: {  	[smem:$0x7F8] =	sst s1;
	s0 =	sadd.s32 s16, s0  }
0x145: {  	s17 =	rddreg [dreg:$0xf];
	s2 =	simm.s32 $0x2710;
	s0 =	sshrl.u32 s0, $0x3  }
0x146: {  	s3 =	simm.s32 $0x0;
	s18 =	rddreg [dreg:$0x11];
	s1 =	sadd.s32 s17, s0  }
0x147: {  	[tilespmem:s2], [sflag:$0x3] =	stream.linear.gather [hbm4b:s1+s3], $0x400, $0x38;
	[tilespmem:$0x1F790] =	vst v63  }
0x148: {  	s19 =	simm.s32 $0x2B10;
	s20 =	rddreg [dreg:$0x12];
	s1 =	sadd.s32 s18, s0  }
0x149: {  	[tilespmem:s19], [sflag:$0x3] =	stream.linear.gather [hbm4b:s1+s3], $0x400, $0x38;
	[tilespmem:$0x1F790] =	vst v63  }
0x14a: {  	s21 =	simm.s32 $0x2F10;
	s22 =	simm.s32 $0x3;
	s0 =	sadd.s32 s20, s0  }
0x14b: {  	[tilespmem:s21], [sflag:$0x3] =	stream.linear.gather [hbm4b:s0+s3], $0x400, $0x38;
	[tilespmem:$0x1F790] =	vst v63  }
0x14c: {  	_ =	swait.ge [sflag:s22], $0x400  }
0x14d: {  	[sflag:s22] =	ssyncset.done $0x0  }
0x14e: {  	[sflag:s22] =	ssyncadd.s32 $0xFFFFFC00  }
0x14f: {  	_ =	swait.ge [sflag:s22], $0x400  }
0x150: {  	[sflag:s22] =	ssyncset.done $0x0  }
0x151: {  	[sflag:s22] =	ssyncadd.s32 $0xFFFFFC00  }
0x152: {  	_ =	swait.ge [sflag:s22], $0x400  }
0x153: {  	[sflag:s22] =	ssyncset.done $0x0  }
0x154: {  	s1 =	simm.s32 $0x0;
	[sflag:s22] =	ssyncadd.s32 $0xFFFFFC00  }
0x155: {  	v7 =	vld [tilespmem:s1+$0x2B10];
	_ =	sdelay $0x4  }
0x156: {  	(v2sf) =	vpush v7, $0x2  }
0x157: {  	(v2sf) =	vpush v7, $0x1;
	_ =	sdelay $0x2  }
0x158: {  	(v2sf) =	vpush v7, $0x0;
	_ =	sdelay $0x1  }
0x159: {  	(v2sf) =	vpush v7, $0x7;
	_ =	sdelay $0x1  }
0x15a: {  	(v2sf) =	vpush v7, $0x3  }
0x15b: {  	(v2sf) =	vpush v7, $0x4;
	_ =	sdelay $0x1  }
0x15c: {  	(v2sf) =	vpush v7, $0xC;
	_ =	sdelay $0x1  }
0x15d: {  	(v2sf) =	vpush v7, $0x6;
	_ =	sdelay $0x1  }
0x15e: {  	(v2sf) =	vpush v7, $0x8;
	s24 =	spop (v2sf)  }
0x15f: {  	s25 =	spop (v2sf);
	s7 =	smulhi.u32 $0x2AAAAAAB, s24  }
0x160: {  	(v2sf) =	vpush v7, $0xD;
	s0 =	sshra.s32 s24, $0x1F;
	s9 =	smulhi.u32 $0x2AAAAAAB, s25  }
0x161: {  	s3 =	sshra.s32 s25, $0x1F;
	s0 =	smul.u32 $0x2AAAAAAB, s0  }
0x162: {  	s4 =	spop (v2sf);
	s16 =	smul.u32 $0x2AAAAAAB, s3  }
0x163: {  	(v2sf) =	vpush v7, $0x9;
	s5 =	sshra.s32 s4, $0x1F;
	s4 =	smulhi.u32 $0x2AAAAAAB, s4  }
0x164: {  	(v2sf) =	vpush v7, $0x5;
	s6 =	spop (v2sf);
	s8 =	smul.u32 $0x2AAAAAAB, s5  }
0x165: {  	s10 =	sshra.s32 s6, $0x1F;
	s6 =	smulhi.u32 $0x2AAAAAAB, s6  }
0x166: {  	s26 =	spop (v2sf);
	s25 =	sadd.s32 s0, s7;
	s10 =	smul.u32 $0x2AAAAAAB, s10  }
0x167: {  	(v2sf) =	vpush v7, $0xE;
	s11 =	spop (v2sf);
	s12 =	sshra.s32 s26, $0x1F;
	s18 =	smulhi.u32 $0x2AAAAAAB, s26  }
0x168: {  	(v2sf) =	vpush v7, $0xA;
	s26 =	sshra.s32 s25, $0x7;
	s9 =	sadd.s32 s16, s9;
	s12 =	smul.u32 $0x2AAAAAAB, s12  }
0x169: {  	(v2sf) =	vpush v7, $0xF;
	s13 =	spop (v2sf);
	s28 =	sshra.s32 s11, $0x1F;
	s11 =	smulhi.u32 $0x2AAAAAAB, s11  }
0x16a: {  	s8 =	sadd.s32 s8, s4;
	s17 =	sshra.s32 s13, $0x1F;
	s13 =	smulhi.u32 $0x2AAAAAAB, s13  }
0x16b: {  	s14 =	spop (v2sf);
	s21 =	smul.u32 $0x2AAAAAAB, s28;
	s6 =	sadd.s32 s10, s6  }
0x16c: {  	(v2sf) =	vpush v7, $0xB;
	s2 =	sshra.s32 s8, $0x7;
	s15 =	smulhi.u32 $0x2AAAAAAB, s14;
	s14 =	sshra.s32 s14, $0x1F  }
0x16d: {  	s19 =	spop (v2sf);
	s10 =	sshra.s32 s6, $0x1F;
	s17 =	smul.u32 $0x2AAAAAAB, s17  }
0x16e: {  	s12 =	sadd.s32 s12, s18;
	s18 =	sshra.s32 s25, $0x1F;
	s14 =	smul.u32 $0x2AAAAAAB, s14  }
0x16f: {  	s5 =	sshra.s32 s19, $0x1F;
	s20 =	spop (v2sf);
	s19 =	smulhi.u32 $0x2AAAAAAB, s19  }
0x170: {  	s11 =	sadd.s32 s21, s11;
	s22 =	sshra.s32 s20, $0x1F;
	s20 =	smulhi.u32 $0x2AAAAAAB, s20  }
0x171: {  	v9 =	vmov s10;
	s10 =	sshrl.u32 s8, $0x1F;
	s8 =	sshra.s32 s8, $0x1F;
	s5 =	smul.u32 $0x2AAAAAAB, s5  }
0x172: {  	s21 =	sshra.s32 s9, $0x7;
	s22 =	smul.u32 $0x2AAAAAAB, s22;
	s24 =	spop (v2sf)  }
0x173: {  	v9 =	vsel vm6, s2, v9;
	s13 =	sadd.s32 s17, s13;
	s0 =	smulhi.u32 $0x2AAAAAAB, s24;
	s29 =	spop (v2sf)  }
0x174: {  	s14 =	sadd.s32 s14, s15;
	v9 =	vsel vm0, s8, v9;
	s3 =	sshra.s32 s24, $0x1F;
	s30 =	smulhi.u32 $0x2AAAAAAB, s29  }
0x175: {  	v9 =	vsel vm12, s21, v9;
	s21 =	sshrl.u32 s9, $0x1F;
	s24 =	sshra.s32 s29, $0x1F;
	s3 =	smul.u32 $0x2AAAAAAB, s3  }
0x176: {  	s5 =	sadd.s32 s5, s19;
	s28 =	spop (v2sf);
	s24 =	smul.u32 $0x2AAAAAAB, s24  }
0x177: {  	s4 =	sadd.s32 s22, s20;
	s31 =	spop (v2sf);
	s22 =	smulhi.u32 $0x2AAAAAAB, s28  }
0x178: {  	s7 =	sshra.s32 s28, $0x1F;
	s29 =	smulhi.u32 $0x2AAAAAAB, s31;
	s20 =	spop (v2sf)  }
0x179: {  	s16 =	sshra.s32 s31, $0x1F;
	s31 =	sshra.s32 s12, $0x7;
	s7 =	smul.u32 $0x2AAAAAAB, s7  }
0x17a: {  	s24 =	sadd.s32 s24, s30;
	s30 =	sshra.s32 s9, $0x1F;
	s9 =	smulhi.u32 $0x2AAAAAAB, s20  }
0x17b: {  	vm3 =	vcmask $0x2724;
	v10 =	vmov s10;
	s0 =	sadd.s32 s3, s0;
	s28 =	spop (v2sf);
	s2 =	smul.u32 $0x2AAAAAAB, s16;
	v9 =	vsel vm9, s30, v9  }
0x17c: {  	vm1 =	vmmov vm12;
	v10 =	vnsel vm6, $0x0, v10;
	s16 =	sshra.s32 s12, $0x1F;
	s15 =	smulhi.u32 $0x2AAAAAAB, s28;
	s30 =	sshra.s32 s11, $0x1F;
	v9 =	vsel vm15, s26, v9  }
0x17d: {  	v14 =	vadd.s32 $0x5FF, v7;
	v10 =	vsel vm12, s21, v10;
	s28 =	sshra.s32 s28, $0x1F;
	s8 =	sadd.s32 s2, s29;
	s2 =	sshrl.u32 s25, $0x1F;
	v9 =	vsel vm11, s18, v9  }
0x17e: {  	v13 =	vadd.s32 $0xFFFFF400, v7;
	s26 =	sshrl.u32 s11, $0x1F;
	s11 =	sshra.s32 s11, $0x7;
	s25 =	sshrl.u32 s12, $0x1F;
	v10 =	vsel vm15, s2, v10;
	v9 =	vsel vm2, s31, v9  }
0x17f: {  	v17 =	vadd.s32 $0xFFFFE800, v7;
	s29 =	sshra.s32 s24, $0x7;
	s2 =	sshrl.u32 s24, $0x1F;
	s31 =	sshra.s32 s20, $0x1F;
	v10 =	vsel vm2, s25, v10;
	v9 =	vsel vm8, s16, v9  }
0x180: {  	(v2sf) =	vpush v8, $0x1;
	s20 =	smul.u32 $0x2AAAAAAB, s28;
	s28 =	sshrl.u32 s14, $0x1F;
	s16 =	sshra.s32 s6, $0x7;
	v10 =	vsel vm7, s26, v10;
	v9 =	vsel vm7, s11, v9  }
0x181: {  	(v2sf) =	vpush v8, $0x0;
	s6 =	sshrl.u32 s6, $0x1F;
	s10 =	smul.u32 $0x2AAAAAAB, s31;
	v10 =	vsel vm10, s2, v10;
	s11 =	sshrl.u32 s13, $0x1F;
	v9 =	vsel vm3, s30, v9  }
0x182: {  	s17 =	sadd.s32 s20, s15;
	s20 =	sshrl.u32 s5, $0x1F;
	s5 =	sshra.s32 s5, $0x7;
	vm3 =	vcmask $0x2F2C;
	v10 =	vsel vm5, s28, v10;
	v11 =	vmov s11  }
0x183: {  	s7 =	sadd.s32 s7, s22;
	s18 =	sshrl.u32 s4, $0x1F;
	s30 =	sshra.s32 s24, $0x1F;
	v12 =	vmov s5;
	v9 =	vsel vm10, s29, v9;
	v18 =	vsel vm4, s6, v10  }
0x184: {  	s22 =	sshrl.u32 s0, $0x1F;
	s21 =	sshrl.u32 s7, $0x1F;
	s9 =	sadd.s32 s10, s9;
	v10 =	vsel vm12, s18, v11;
	v11 =	vmov s20;
	v9 =	vsel vm3, s30, v9  }
0x185: {  	s0 =	sshra.s32 s0, $0x7;
	s31 =	sshra.s32 s14, $0x7;
	s25 =	sshrl.u32 s9, $0x1F;
	vm3 =	vcmask $0x3734;
	v10 =	vsel vm15, s21, v10;
	v11 =	vsel vm12, s22, v11  }
0x186: {  	s14 =	sshra.s32 s14, $0x1F;
	s24 =	sshrl.u32 s8, $0x1F;
	v9 =	vsel vm5, s31, v9;
	v20 =	vsel vm2, s25, v10;
	v10 =	vsel vm12, s0, v12  }
0x187: {  	s19 =	sshra.s32 s13, $0x7;
	s26 =	sshra.s32 s8, $0x7;
	v11 =	vsel vm15, s24, v11;
	v12 =	vshll.u32 v7, $0x6;
	v9 =	vsel vm3, s14, v9  }
0x188: {  	s4 =	sshra.s32 s4, $0x7;
	s28 =	sshrl.u32 s17, $0x1F;
	v15 =	vsel vm15, s26, v10;
	v19 =	vsel vm4, s16, v9;
	v9 =	vmov s19  }
0x189: {  	s29 =	sshra.s32 s7, $0x7;
	s31 =	sshra.s32 s17, $0x7;
	v21 =	vsel vm2, s28, v11;
	v10 =	vadd.s32 $0xFFFFFA00, v7;
	v9 =	vsel vm12, s4, v9  }
0x18a: {  	s30 =	sshra.s32 s9, $0x7;
	v11 =	vadd.s32 $0xFFFFDC00, v7;
	v23 =	vsel vm2, s31, v15;
	v9 =	vsel vm15, s29, v9  }
0x18b: {  	v16 =	vld [tilespmem:s1+$0x2710];
	s3 =	simm.s32 $0x40;
	v15 =	vadd.s32 $0xFFFFEE00, v7;
	v22 =	vsel vm2, s30, v9;
	v9 =	vadd.s32 $0xFFFFE200, v7  }
.LBB2_11:
0x18c: {  	v20 =	vcombine.low v21, v20;
	v21 =	vcombine.low v23, v22;
	v22 =	vld [tilespmem:$0x1FFE0];
	_ =	sdelay $0x2  }
0x18d: {  	v18 =	vperm.xlane v18, v6;
	v19 =	vperm.xlane v19, v6;
	(v2sf) =	vpush v8, $0x2  }
0x18e: {  	v20 =	vperm.xlane v20, v4;
	v21 =	vperm.xlane v21, v4  }
0x18f: {  	(v2sf) =	vpush v8, $0x3;
	vm3 =	vnez.u8 v22  }
0x190: {  	v18 =	vsel vm3, v18, v20;
	v19 =	vsel vm3, v19, v21  }
0x191: {  	(v2sf) =	vpush v8, $0x4;
	v18 =	vadd.s32 v18, v19  }
0x192: {  	v19 =	vshrl.u32 v18, $0x1F  }
0x193: {  	(v2sf) =	vpush v8, $0x5;
	v20 =	vld [tilespmem:s1+$0x2F10];
	v19 =	vadd.s32 v19, v18  }
0x194: {  	v19 =	vand.u32 $0xFFFFFFFE, v19  }
0x195: {  	v16 =	vld.idx.msk [tilespmem:v16+s23+$0x0], $0xffff;
	(v2sf) =	vpush v8, $0x6;
	v18 =	vsub.s32 v18, v19  }
0x196: {  	vm3 =	vgt.s32 v7, $0xFFFFFFFF;
	vm4 =	veq.s32 v18, v0  }
0x197: {  	vm11 =	vmand vm3, vm4;
	vm3 =	vlt.u32 v14, $0xBFF;
	s20 =	spop (v2sf)  }
0x198: {  	v7 =	vadd.s32 v20, v12;
	vm3 =	vmand vm3, vm11;
	s4 =	spop (v2sf)  }
0x199: {  	vm8 =	vmmov vm9;
	vm9 =	vmmov vm0;
	vm4 =	vlt.u32 v10, $0x600;
	[tilespmem:s4+$0x3310] =	vst.msk vm3, v7  }
0x19a: {  	vm0 =	vmmov vm2;
	vm2 =	vmmov vm15;
	vm15 =	vmand vm4, vm11;
	[tilespmem:s4+$0x5B50] =	vst.msk vm3, v16  }
0x19b: {  	vm12 =	vlt.u32 v13, $0x600;
	[tilespmem:s20+$0x3310] =	vst.msk vm15, v7  }
0x19c: {  	vm12 =	vmand vm12, vm11;
	s21 =	spop (v2sf);
	[tilespmem:s20+$0x5B50] =	vst.msk vm15, v16  }
0x19d: {  	vm10 =	vlt.u32 v15, $0x600;
	[tilespmem:s21+$0x3310] =	vst.msk vm12, v7  }
0x19e: {  	vm10 =	vmand vm10, vm11;
	s22 =	spop (v2sf);
	[tilespmem:s21+$0x5B50] =	vst.msk vm12, v16  }
0x19f: {  	vm5 =	vlt.u32 v17, $0x600;
	[tilespmem:s22+$0x3310] =	vst.msk vm10, v7  }
0x1a0: {  	vm5 =	vmand vm5, vm11;
	s23 =	spop (v2sf);
	[tilespmem:s22+$0x5B50] =	vst.msk vm10, v16  }
0x1a1: {  	vm14 =	vlt.u32 v9, $0x600;
	[tilespmem:s23+$0x3310] =	vst.msk vm5, v7  }
0x1a2: {  	vm4 =	vmand vm14, vm11;
	s24 =	spop (v2sf);
	[tilespmem:s23+$0x5B50] =	vst.msk vm5, v16  }
0x1a3: {  	vm13 =	vlt.u32 v11, $0x600;
	[tilespmem:s24+$0x3310] =	vst.msk vm4, v7  }
0x1a4: {  	v11 =	vmpcnt.ones.xlane vm3;
	vm3 =	vmand vm13, vm11;
	s25 =	spop (v2sf);
	[tilespmem:s24+$0x5B50] =	vst.msk vm4, v16  }
0x1a5: {  	s0 =	smov.u32 s3;
	[tilespmem:s25+$0x3310] =	vst.msk vm3, v7  }
0x1a6: {  	s0 =	sshra.s32 s0, $0x2;
	[tilespmem:s25+$0x5B50] =	vst.msk vm3, v16  }
0x1a7: {  	v7 =	vld [tilespmem:s0+$0x2B10];
	_ =	sdelay $0x4  }
0x1a8: {  	(v2sf) =	vpush v7, $0x2  }
0x1a9: {  	(v2sf) =	vpush v7, $0x1;
	_ =	sdelay $0x2  }
0x1aa: {  	(v2sf) =	vpush v7, $0x0;
	_ =	sdelay $0x1  }
0x1ab: {  	(v2sf) =	vpush v7, $0x7  }
0x1ac: {  	(v2sf) =	vpush v7, $0x3  }
0x1ad: {  	(v2sf) =	vpush v7, $0x4;
	_ =	sdelay $0x1  }
0x1ae: {  	(v2sf) =	vpush v7, $0xC  }
0x1af: {  	(v2sf) =	vpush v7, $0x6;
	_ =	sdelay $0x3  }
0x1b0: {  	(v2sf) =	vpush v7, $0x8;
	s26 =	spop (v2sf)  }
0x1b1: {  	s28 =	spop (v2sf);
	s6 =	smulhi.u32 $0x2AAAAAAB, s26  }
0x1b2: {  	[dreg:$0xc] =	wrdreg s0;
	v16 =	vld [tilespmem:s0+$0x2710];
	(v2sf) =	vpush v7, $0xD;
	s0 =	sshra.s32 s26, $0x1F;
	s18 =	smulhi.u32 $0x2AAAAAAB, s28  }
0x1b3: {  	s5 =	sshra.s32 s28, $0x1F;
	s0 =	smul.u32 $0x2AAAAAAB, s0  }
0x1b4: {  	(v2sf) =	vpush v7, $0x9;
	s12 =	spop (v2sf);
	s25 =	smul.u32 $0x2AAAAAAB, s5  }
0x1b5: {  	s7 =	sshra.s32 s12, $0x1F;
	s12 =	smulhi.u32 $0x2AAAAAAB, s12  }
0x1b6: {  	p2 =	sne.s32 s3, $0xFC0;
	(v2sf) =	vpush v7, $0x5;
	s8 =	spop (v2sf);
	s14 =	smul.u32 $0x2AAAAAAB, s7  }
0x1b7: {  	s29 =	sshra.s32 s8, $0x1F;
	s15 =	spop (v2sf);
	s13 =	smulhi.u32 $0x2AAAAAAB, s8  }
0x1b8: {  	v9 =	vld [tilespmem:$0x1FFF0];
	(v2sf) =	vpush v7, $0xE;
	s30 =	sshra.s32 s15, $0x1F;
	s17 =	spop (v2sf);
	s20 =	smul.u32 $0x2AAAAAAB, s29  }
0x1b9: {  	s15 =	smulhi.u32 $0x2AAAAAAB, s15;
	s25 =	sadd.s32 s25, s18;
	s19 =	sshra.s32 s17, $0x1F  }
0x1ba: {  	s16 =	spop (v2sf);
	s21 =	smul.u32 $0x2AAAAAAB, s30;
	s14 =	sadd.s32 s14, s12  }
0x1bb: {  	s23 =	sshra.s32 s25, $0x7;
	s10 =	sshra.s32 s16, $0x1F;
	s31 =	spop (v2sf)  }
0x1bc: {  	s13 =	sadd.s32 s20, s13;
	s20 =	sadd.s32 s0, s6;
	s16 =	smulhi.u32 $0x2AAAAAAB, s16  }
0x1bd: {  	vm13 =	vnez.u8 v9;
	(v2sf) =	vpush v7, $0xA;
	s30 =	smul.u32 $0x2AAAAAAB, s19;
	s12 =	sshra.s32 s14, $0x7;
	s0 =	sshrl.u32 s14, $0x1F  }
0x1be: {  	v10 =	vmpcnt.ones.xlane vm15;
	v9 =	vnsel vm13, $0x0, v11;
	v11 =	vmpcnt.ones.xlane vm12;
	s14 =	sshra.s32 s14, $0x1F;
	s22 =	sshra.s32 s31, $0x1F;
	s11 =	smulhi.u32 $0x2AAAAAAB, s31  }
0x1bf: {  	vm15 =	vmmov vm2;
	vm2 =	vmmov vm0;
	vm0 =	vmmov vm9;
	s7 =	spop (v2sf);
	s15 =	sadd.s32 s21, s15;
	s21 =	smulhi.u32 $0x2AAAAAAB, s17  }
0x1c0: {  	vm9 =	vmmov vm8;
	v8 =	vadd.s32 v8, v9;
	vm8 =	vcmask $0x308;
	s26 =	sshra.s32 s13, $0x1F;
	s31 =	sshra.s32 s20, $0x7;
	s10 =	smul.u32 $0x2AAAAAAB, s10  }
0x1c1: {  	v9 =	vsel vm8, $0x0, v10;
	v10 =	vmpcnt.ones.xlane vm10;
	vm8 =	vcmask $0x70C;
	s9 =	sshra.s32 s7, $0x1F;
	s24 =	spop (v2sf);
	s22 =	smul.u32 $0x2AAAAAAB, s22  }
0x1c2: {  	v8 =	vadd.s32 v8, v9;
	v9 =	vsel vm8, $0x0, v11;
	v18 =	vmov s26;
	s26 =	sshra.s32 s20, $0x1F;
	s7 =	smulhi.u32 $0x2AAAAAAB, s7;
	s20 =	sshrl.u32 s20, $0x1F  }
0x1c3: {  	v11 =	vmpcnt.ones.xlane vm5;
	vm8 =	vcmask $0xB10;
	(v2sf) =	vpush v7, $0xF;
	s8 =	sshra.s32 s24, $0x1F;
	s28 =	spop (v2sf);
	s6 =	smulhi.u32 $0x2AAAAAAB, s24  }
0x1c4: {  	v8 =	vadd.s32 v8, v9;
	v9 =	vsel vm8, $0x0, v10;
	v10 =	vmpcnt.ones.xlane vm4;
	s21 =	sadd.s32 s30, s21;
	s10 =	sadd.s32 s10, s16;
	s9 =	smul.u32 $0x2AAAAAAB, s9  }
0x1c5: {  	vm8 =	vcmask $0xF14;
	v8 =	vadd.s32 v8, v9;
	v18 =	vsel vm6, s12, v18;
	s4 =	sshra.s32 s28, $0x1F;
	s29 =	spop (v2sf);
	s28 =	smulhi.u32 $0x2AAAAAAB, s28  }
0x1c6: {  	v9 =	vsel vm8, $0x0, v11;
	(v2sf) =	vpush v7, $0xB;
	v18 =	vsel vm0, s14, v18;
	s14 =	sshra.s32 s25, $0x1F;
	s30 =	sshrl.u32 s21, $0x1F;
	s8 =	smul.u32 $0x2AAAAAAB, s8  }
0x1c7: {  	v11 =	vmpcnt.ones.xlane vm3;
	vm8 =	vcmask $0x1318;
	v8 =	vadd.s32 v8, v9;
	s19 =	spop (v2sf);
	s2 =	sshra.s32 s29, $0x1F;
	s29 =	smulhi.u32 $0x2AAAAAAB, s29  }
0x1c8: {  	v9 =	vsel vm8, $0x0, v10;
	vm5 =	vcmask $0x171C;
	v18 =	vsel vm1, s23, v18;
	s23 =	sshra.s32 s15, $0x1F;
	s7 =	sadd.s32 s9, s7;
	s5 =	sshra.s32 s19, $0x1F  }
0x1c9: {  	v8 =	vadd.s32 v8, v9;
	v9 =	vsel vm5, $0x0, v11;
	[dreg:$0xd] =	wrdreg s28;
	s12 =	smulhi.u32 $0x2AAAAAAB, s19;
	s28 =	sshrl.u32 s25, $0x1F  }
0x1ca: {  	v8 =	vadd.s32 v8, v9;
	s25 =	sshra.s32 s15, $0x7;
	v18 =	vsel vm9, s14, v18;
	s14 =	sshra.s32 s21, $0x1F;
	s2 =	smul.u32 $0x2AAAAAAB, s2  }
0x1cb: {  	vm4 =	vcmask $0x2F2C;
	vm3 =	vcmask $0x1714;
	s15 =	sshrl.u32 s15, $0x1F;
	s6 =	sadd.s32 s8, s6;
	v18 =	vsel vm15, s31, v18;
	s31 =	sshra.s32 s21, $0x7  }
0x1cc: {  	v12 =	vshll.u32 v7, $0x6;
	v14 =	vadd.s32 $0x5FF, v7;
	v10 =	vadd.s32 $0xFFFFFA00, v7;
	s21 =	sadd.s32 s22, s11;
	s5 =	smul.u32 $0x2AAAAAAB, s5;
	s1 =	spop (v2sf)  }
0x1cd: {  	v9 =	vadd.s32 $0xFFFFE200, v7;
	v19 =	vmov s0;
	v18 =	vsel vm3, s26, v18;
	s26 =	sshra.s32 s13, $0x7;
	s2 =	sadd.s32 s2, s29;
	s11 =	sshrl.u32 s21, $0x1F  }
0x1ce: {  	v13 =	vadd.s32 $0xFFFFF400, v7;
	v11 =	vadd.s32 $0xFFFFDC00, v7;
	v19 =	vnsel vm6, $0x0, v19;
	s29 =	sshra.s32 s21, $0x7;
	s16 =	sshra.s32 s21, $0x1F;
	s21 =	smul.u32 $0x2AAAAAAB, s4  }
0x1cf: {  	v19 =	vsel vm1, s28, v19;
	s13 =	sshrl.u32 s13, $0x1F;
	vm3 =	vcmask $0x1F1C;
	s18 =	smulhi.u32 $0x2AAAAAAB, s1;
	s24 =	sshra.s32 s1, $0x1F;
	v18 =	vsel vm2, s25, v18  }
0x1d0: {  	v15 =	vadd.s32 $0xFFFFEE00, v7;
	v19 =	vsel vm15, s20, v19;
	s22 =	sshra.s32 s2, $0x7;
	s25 =	sshrl.u32 s6, $0x1F;
	s24 =	smul.u32 $0x2AAAAAAB, s24;
	v18 =	vsel vm3, s23, v18  }
0x1d1: {  	v19 =	vsel vm2, s15, v19;
	s28 =	sshra.s32 s2, $0x1F;
	s2 =	sshrl.u32 s2, $0x1F;
	s5 =	sadd.s32 s5, s12;
	vm3 =	vcmask $0x2724;
	v18 =	vsel vm7, s31, v18  }
0x1d2: {  	s6 =	sshra.s32 s6, $0x7;
	v19 =	vsel vm7, s30, v19;
	s1 =	spop (v2sf);
	v18 =	vsel vm3, s14, v18;
	vm3 =	vcmask $0x2B28;
	s31 =	sadd.s32 s24, s18  }
0x1d3: {  	v17 =	vadd.s32 $0xFFFFE800, v7;
	s18 =	sshrl.u32 s10, $0x1F;
	s24 =	sshrl.u32 s7, $0x1F;
	s7 =	sshra.s32 s7, $0x7;
	v18 =	vsel vm3, s22, v18;
	v19 =	vsel vm3, s2, v19  }
0x1d4: {  	s30 =	sshra.s32 s10, $0x7;
	s19 =	smulhi.u32 $0x2AAAAAAB, s1;
	s1 =	sshra.s32 s1, $0x1F;
	vm3 =	vcmask $0x3330;
	v21 =	vmov s18;
	v23 =	vmov s7  }
0x1d5: {  	s22 =	sshrl.u32 s31, $0x1F;
	s0 =	spop (v2sf);
	v18 =	vsel vm4, s28, v18;
	s1 =	smul.u32 $0x2AAAAAAB, s1;
	v19 =	vsel vm3, s11, v19;
	v21 =	vsel vm1, s25, v21  }
0x1d6: {  	s25 =	sshrl.u32 s5, $0x1F;
	(v2sf) =	vpush v8, $0x1;
	s17 =	smulhi.u32 $0x2AAAAAAB, s0;
	s0 =	sshra.s32 s0, $0x1F;
	v18 =	vsel vm3, s29, v18;
	vm3 =	vcmask $0x3734  }
0x1d7: {  	s29 =	rddreg [dreg:$0xd];
	(v2sf) =	vpush v8, $0x0;
	s0 =	smul.u32 $0x2AAAAAAB, s0;
	v20 =	vsel vm3, s16, v18;
	s1 =	sadd.s32 s1, s19;
	vm3 =	vcmask $0x3B38  }
.Ltmp4:
0x1d8: {  	s2 =	sadd.s32 s21, s29;
	v18 =	vsel vm3, s13, v19;
	v19 =	vsel vm3, s26, v20;
	v20 =	vmov s30;
	s26 =	sshra.s32 s31, $0x7;
	(pc) =	sbr.rel @p2 .LBB2_11-.Ltmp4, $4  }
0x1d9: {  	s28 =	sshrl.u32 s1, $0x1F;
	s31 =	sshrl.u32 s2, $0x1F;
	s2 =	sshra.s32 s2, $0x7;
	v22 =	vsel vm1, s6, v20;
	v20 =	vsel vm15, s25, v21;
	v21 =	vmov s24  }
0x1da: {  	s5 =	sshra.s32 s5, $0x7;
	s0 =	sadd.s32 s0, s17;
	v23 =	vsel vm1, s2, v23;
	v20 =	vsel vm2, s28, v20;
	v21 =	vsel vm1, s31, v21  }
0x1db: {  	s1 =	sshra.s32 s1, $0x7;
	s30 =	sshrl.u32 s0, $0x1F;
	s0 =	sshra.s32 s0, $0x7;
	v22 =	vsel vm15, s5, v22;
	v23 =	vsel vm15, s26, v23;
	v21 =	vsel vm15, s22, v21  }
0x1dc: {  	s3 =	sadd.s32 $0x40, s3;
	s23 =	simm.s32 $0x0;
	v22 =	vsel vm2, s1, v22;
	s1 =	rddreg [dreg:$0xc];
	v23 =	vsel vm2, s0, v23;
	v21 =	vsel vm2, s30, v21  }
0x1dd: {  	v62 =	vld [tilespmem:$0x1FFE0];
	_ =	sdelay $0x1  }
0x1de: {  	v20 =	vcombine.low v21, v20;
	v61 =	vcombine.low v23, v22  }
0x1df: {  	v18 =	vperm.xlane v18, v6;
	v19 =	vperm.xlane v19, v6;
	(v2sf) =	vpush v8, $0x2  }
0x1e0: {  	v20 =	vperm.xlane v20, v4;
	v21 =	vperm.xlane v61, v4  }
0x1e1: {  	(v2sf) =	vpush v8, $0x3;
	vm3 =	vnez.u8 v62  }
0x1e2: {  	v18 =	vsel vm3, v18, v20;
	v19 =	vsel vm3, v19, v21  }
0x1e3: {  	v18 =	vadd.s32 v18, v19  }
0x1e4: {  	(v2sf) =	vpush v8, $0x4;
	v19 =	vshrl.u32 v18, $0x1F  }
0x1e5: {  	v63 =	vld [tilespmem:s1+$0x2F10];
	v19 =	vadd.s32 v19, v18  }
0x1e6: {  	(v2sf) =	vpush v8, $0x5;
	v19 =	vand.u32 $0xFFFFFFFE, v19  }
0x1e7: {  	v16 =	vld.idx.msk [tilespmem:v16+s23+$0x0], $0xffff;
	vm14 =	vlt.u32 v11, $0x600;
	v18 =	vsub.s32 v18, v19  }
0x1e8: {  	v11 =	vld [tilespmem:$0x1FFF0];
	(v2sf) =	vpush v8, $0x6;
	vm3 =	vgt.s32 v7, $0xFFFFFFFF;
	vm4 =	veq.s32 v18, v0  }
0x1e9: {  	s0 =	spop (v2sf);
	vm4 =	vmand vm3, vm4;
	vm3 =	vlt.u32 v14, $0xBFF  }
0x1ea: {  	v7 =	vadd.s32 v63, v12;
	s24 =	spop (v2sf);
	vm3 =	vmand vm3, vm4  }
0x1eb: {  	vm5 =	vlt.u32 v10, $0x600;
	vm10 =	vlt.u32 v17, $0x600;
	vm11 =	vlt.u32 v13, $0x600;
	[tilespmem:s24+$0x3310] =	vst.msk vm3, v7  }
0x1ec: {  	vm12 =	vlt.u32 v15, $0x600;
	vm13 =	vlt.u32 v9, $0x600;
	vm5 =	vmand vm5, vm4;
	[tilespmem:s24+$0x5B50] =	vst.msk vm3, v16  }
0x1ed: {  	vm8 =	vnez.u8 v11;
	vm11 =	vmand vm11, vm4;
	v9 =	vmpcnt.ones.xlane vm3;
	[tilespmem:s0+$0x3310] =	vst.msk vm5, v7  }
0x1ee: {  	vm13 =	vmand vm13, vm4;
	s25 =	spop (v2sf);
	v10 =	vmpcnt.ones.xlane vm5;
	v11 =	vmpcnt.ones.xlane vm11;
	[tilespmem:s0+$0x5B50] =	vst.msk vm5, v16  }
0x1ef: {  	vm3 =	vmand vm14, vm4;
	vm14 =	vcmask $0x308;
	v9 =	vnsel vm8, $0x0, v9;
	[tilespmem:s25+$0x3310] =	vst.msk vm11, v7  }
0x1f0: {  	s31 =	sld [smem:$0x7F8];
	s26 =	spop (v2sf);
	vm8 =	vcmask $0x1F1C;
	vm5 =	vmand vm12, vm4;
	vm4 =	vmand vm10, vm4;
	[tilespmem:s25+$0x5B50] =	vst.msk vm11, v16  }
0x1f1: {  	v8 =	vadd.s32 v8, v9;
	v9 =	vsel vm14, $0x0, v10;
	vm10 =	vcmask $0x2B28;
	[tilespmem:s26+$0x3310] =	vst.msk vm5, v7  }
0x1f2: {  	vm12 =	vmmov vm1;
	v10 =	vmpcnt.ones.xlane vm5;
	[tilespmem:s26+$0x5B50] =	vst.msk vm5, v16;
	vm5 =	vcmask $0x70C  }
0x1f3: {  	s1 =	sadd.s32 $0x1, s31;
	s28 =	spop (v2sf);
	v8 =	vadd.s32 v8, v9;
	v9 =	vsel vm5, $0x0, v11;
	vm5 =	vcmask $0xB10  }
0x1f4: {  	p2 =	seq.s32 s1, $0xA;
	v11 =	vmpcnt.ones.xlane vm4;
	[tilespmem:s28+$0x3310] =	vst.msk vm4, v7;
	v8 =	vadd.s32 v8, v9;
	v9 =	vsel vm5, $0x0, v10  }
.Ltmp5:
0x1f5: {  	s29 =	spop (v2sf);
	v10 =	vmpcnt.ones.xlane vm13;
	[tilespmem:s28+$0x5B50] =	vst.msk vm4, v16;
	vm4 =	vcmask $0xF14;
	v8 =	vadd.s32 v8, v9;
	(pc) =	sbr.rel @!p2 .LBB2_10-.Ltmp5, $4  }
0x1f6: {  	v9 =	vsel vm4, $0x0, v11;
	v11 =	vmpcnt.ones.xlane vm3;
	[tilespmem:s29+$0x3310] =	vst.msk vm13, v7;
	vm4 =	vcmask $0x1318  }
0x1f7: {  	s30 =	spop (v2sf);
	v8 =	vadd.s32 v8, v9;
	v9 =	vsel vm4, $0x0, v10;
	[tilespmem:s29+$0x5B50] =	vst.msk vm13, v16;
	vm4 =	vcmask $0x171C  }
0x1f8: {  	vm11 =	vcmask $0x1714;
	v8 =	vadd.s32 v8, v9;
	v9 =	vsel vm4, $0x0, v11;
	[tilespmem:s30+$0x3310] =	vst.msk vm3, v7  }
0x1f9: {  	vm5 =	vcmask $0x3330;
	vm4 =	vcmask $0x3B38;
	v8 =	vadd.s32 v8, v9;
	[tilespmem:s30+$0x5B50] =	vst.msk vm3, v16  }
0x1fa: {  	s11 =	rddreg [dreg:$0x2]  }
0x1fb: {  	s14 =	rddreg [dreg:$0x3]  }
0x1fc: {  	s15 =	rddreg [dreg:$0x4]  }
0x1fd: {  	s16 =	rddreg [dreg:$0x5]  }
0x1fe: {  	s17 =	rddreg [dreg:$0x6]  }
0x1ff: {  	s21 =	rddreg [dreg:$0xe]  }
0x200: {  	s22 =	rddreg [dreg:$0x10]  }
0x201: {  	s24 =	rddreg [dreg:$0x13]  }
0x202: {  	s25 =	rddreg [dreg:$0x17]  }
0x203: {  	s26 =	rddreg [dreg:$0x18]  }
0x204: {  	s28 =	rddreg [dreg:$0x19]  }
0x205: {  	s0 =	stileid.u32;
	s29 =	rddreg [dreg:$0x1a]  }
0x206: {  	s2 =	simm.s32 $0x0;
	s30 =	rddreg [dreg:$0x1b];
	s0 =	sshll.u32 s0, $0x6  }
0x207: {  	s31 =	rddreg [dreg:$0x1d];
	s10 =	simm.s32 $0x4;
	s1 =	sor.u32 $0x1C04, s0  }
.LBB2_14:
0x208: {  	s0 =	sshrl.u32 s14, $0x3;
	s3 =	sshrl.u32 s25, $0x3  }
0x209: {  	[spmem:s3], [sflag:s1] =	dma.local [spmem:s0], $0x400  }
0x20a: {  	_ =	swait.ge [sflag:s10], $0x400  }
0x20b: {  	[sflag:s10] =	ssyncset.done $0x0  }
0x20c: {  	[sflag:s10] =	ssyncadd.s32 $0xFFFFFC00  }
0x20d: {  	[spmem:s31], [sflag:s1] =	dma.local [spmem:s0], $0x400  }
0x20e: {  	_ =	swait.ge [sflag:s10], $0x400  }
0x20f: {  	[sflag:s10] =	ssyncset.done $0x0  }
0x210: {  	s5 =	rddreg [dreg:$0x1e];
	[sflag:s10] =	ssyncadd.s32 $0xFFFFFC00  }
0x211: {  	[spmem:s5], [sflag:s1] =	dma.local [spmem:s0], $0x400  }
0x212: {  	_ =	swait.ge [sflag:s10], $0x400  }
0x213: {  	[sflag:s10] =	ssyncset.done $0x0  }
0x214: {  	s0 =	sshrl.u32 @!p0 s14, $0x3;
	s3 =	rddreg [dreg:$0x1f];
	[sflag:s10] =	ssyncadd.s32 $0xFFFFFC00  }
0x215: {  	[spmem:s3], [sflag:s1] =	dma.local @!p0 [spmem:s0], $0x200  }
0x216: {  	s0 =	simm.s32 @!p0 $0x4  }
0x217: {  	_ =	swait.ge @!p0 [sflag:s0], $0x200  }
0x218: {  	[sflag:s0] =	ssyncset.done @!p0 $0x0  }
0x219: {  	s6 =	sshrl.u32 s15, $0x3;
	s3 =	sshrl.u32 s28, $0x3;
	[sflag:s0] =	ssyncadd.s32 @!p0 $0xFFFFFE00  }
0x21a: {  	[spmem:s3], [sflag:s1] =	dma.local [spmem:s6], $0x180  }
0x21b: {  	_ =	swait.ge [sflag:s10], $0x180  }
0x21c: {  	[sflag:s10] =	ssyncset.done $0x0  }
0x21d: {  	s7 =	simm.s32 $0xC490;
	[sflag:s10] =	ssyncadd.s32 $0xFFFFFE80  }
0x21e: {  	[tilespmem:s7], [sflag:$0x4] =	stream.linear.gather [spmem:s15], $0x4000, $0x38;
	[tilespmem:$0x1F790] =	vst v63  }
0x21f: {  	_ =	swait.ge [sflag:s10], $0x4000  }
0x220: {  	[sflag:s10] =	ssyncset.done $0x0  }
0x221: {  	s8 =	simm.s32 $0x10490;
	[sflag:s10] =	ssyncadd.s32 $0xFFFFC000  }
0x222: {  	[tilespmem:s8], [sflag:$0x4] =	stream.linear.gather [spmem:s15], $0x4000, $0x38;
	[tilespmem:$0x1F790] =	vst v63  }
0x223: {  	_ =	swait.ge [sflag:s10], $0x4000  }
0x224: {  	[sflag:s10] =	ssyncset.done $0x0  }
0x225: {  	s9 =	simm.s32 $0x14490;
	[sflag:s10] =	ssyncadd.s32 $0xFFFFC000  }
0x226: {  	[tilespmem:s9], [sflag:$0x4] =	stream.linear.gather [spmem:s15], $0x4000, $0x38;
	[tilespmem:$0x1F790] =	vst v63  }
0x227: {  	_ =	swait.ge [sflag:s10], $0x4000  }
0x228: {  	[sflag:s10] =	ssyncset.done $0x0  }
0x229: {  	[sflag:s10] =	ssyncadd.s32 $0xFFFFC000  }
0x22a: {  	[bflag:$0x0] =	sbarrier.arrive $0xFFFF  }
0x22b: {  	s0 =	sld [smem:s2+$0x10];
	_ =	sdelay $0x2  }
0x22c: {  	s4 =	sadd.s32 $0x1F, s0  }
0x22d: {  	s5 =	sand.u32 $0x1F, s4  }
0x22e: {  	s6 =	sshra.s32 s4, $0x1F;
	p2 =	slt.s32 s4, $0x1;
	p3 =	sne.s32 s5, $0x0  }
0x22f: {  	s12 =	sshrl.u32 s6, $0x1B;
	p2 =	por !p2, !p3  }
0x230: {  	s5 =	simm.s32 $0x1;
	s4 =	sadd.s32 s12, s4;
	p2 =	por !p2, !p2  }
0x231: {  	s10 =	sld [smem:s2+$0x0];
	s4 =	sshra.s32 s4, $0x5;
	s5 =	simm.s32 @!p2 $0x0  }
0x232: {  	s12 =	ssub.s32 s4, s5  }
0x233: {  	p2 =	slt.s32 s12, $0x1  }
0x234: {  	s13 =	smul.u32 $0x600, s2;
	v7 =	vld @!p2 [tilespmem:s10+$0x3310];
	_ =	sdelay $0x1  }
0x235: {  	s9 =	sadd.s32 s26, s13  }
0x236: {  	s4 =	sshll.u32 @!p2 s9, $0x6  }
0x237: {  	v8 =	vmov @!p2 s0;
	v9 =	vlaneseq.u32 @!p2;
	v10 =	vmov @!p2 s4  }
0x238: {  	vm3 =	vgt.s32 @!p2 v8, v9;
	v11 =	vsub.s32 @!p2 v7, v10  }
0x239: {  	v11 =	vnsel @!p2 vm3, $0x0, v11  }
0x23a: {  	(xrf1) =	vunique.msk.u32 @!p2 vm3, v11;
	_ =	sdelay $0xd  }
0x23b: {  	_, v12, vm4 =	vpop @!p2 (xrf1)  }
0x23c: {  	v13 =	vld @!p2 [tilespmem:s10+$0x5B50];
	v14 =	vmov @!p2 s9  }
0x23d: {  	v14 =	vsub.s32 @!p2 $0x0, v14  }
0x23e: {  	v14 =	vbroadcast @!p2 v14, $0x0;
	v15 =	vand.u32 @!p2 $0x20, v7  }
0x23f: {  	v7 =	vshrl.u32 @!p2 v7, $0x6;
	vm5 =	veq.s32 @!p2 v15, $0x0;
	v15 =	vimm.s32 @!p2 $0x300  }
0x240: {  	s4 =	simm.s32 @!p2 $0xC490;
	v7 =	vadd.s32 @!p2 v14, v7;
	v16 =	vsel @!p2 vm5, $0x0, v15  }
0x241: {  	v7 =	vadd.s32 @!p2 v16, v7;
	[tilespmem:v11+s4+$0x0] =	vst.idx.add.s32.msk @!p2 vm4, v12;
	v11 =	vnsel @!p2 vm3, $0x0, v13  }
0x242: {  	v7 =	vsel @!p2 vm3, v7, v1;
	[tilespmem:$0x8390] =	vst @!p2 v11  }
0x243: {  	[tilespmem:$0x83D0] =	vst @!p2 v7  }
0x244: {  	v7 =	vld @!p2 [tilespmem:s10+$0x3320];
	_ =	sdelay $0x3  }
0x245: {  	v9 =	vor.u32 @!p2 $0x10, v9  }
0x246: {  	vm3 =	vgt.s32 @!p2 v8, v9;
	v8 =	vsub.s32 @!p2 v7, v10  }
0x247: {  	v8 =	vnsel @!p2 vm3, $0x0, v8  }
0x248: {  	(xrf1) =	vunique.msk.u32 @!p2 vm3, v8;
	_ =	sdelay $0xd  }
0x249: {  	_, v9, vm4 =	vpop @!p2 (xrf1)  }
0x24a: {  	v10 =	vld @!p2 [tilespmem:s10+$0x5B60];
	_ =	sdelay $0x1  }
0x24b: {  	v11 =	vand.u32 @!p2 $0x20, v7  }
0x24c: {  	v7 =	vshrl.u32 @!p2 v7, $0x6;
	vm5 =	veq.s32 @!p2 v11, $0x0  }
0x24d: {  	v7 =	vadd.s32 @!p2 v14, v7;
	v11 =	vsel @!p2 vm5, $0x0, v15  }
0x24e: {  	s18 =	sadd.s32 $0x1, s12;
	v7 =	vadd.s32 @!p2 v11, v7;
	[tilespmem:v8+s4+$0x0] =	vst.idx.add.s32.msk @!p2 vm4, v9;
	v8 =	vnsel @!p2 vm3, $0x0, v10  }
0x24f: {  	p5 =	slt.s32 s12, $0x0;
	s5 =	simm.s32 @!p2 $0x8390;
	s19 =	sand.u32 $0x1, s18;
	v7 =	vsel @!p2 vm3, v7, v1;
	[tilespmem:$0x83A0] =	vst @!p2 v8  }
0x250: {  	s6 =	simm.s32 @!p2 $0x8490;
	p6 =	seq.s32 s19, $0x1;
	s4 =	simm.s32 @!p2 $0x20;
	[tilespmem:$0x83E0] =	vst @!p2 v7  }
0x251: {  	[tilespmem:s6], [sflag:$0x1] =	stream.indirect.gather @!p2 [hbm4b:s21+s4], $0x100, s5, s4, $0xb8;
	[tilespmem:$0x1F790] =	vst v63  }
0x252: {  	s20 =	sshrl.u32 s18, $0x1F;
	p2 =	por !p5, !p6  }
0x253: {  	s4 =	sadd.s32 s20, s18;
	s5 =	simm.s32 $0x1;
	p2 =	por !p2, !p2  }
0x254: {  	s4 =	sshra.s32 s4, $0x1;
	s5 =	simm.s32 @!p2 $0x0  }
0x255: {  	s13 =	ssub.s32 s4, s5  }
0x256: {  	p2 =	slt.s32 s13, $0x1  }
.Ltmp6:
0x257: {  	_ = 	snop;
	(pc) =	sbr.rel @p2 .LBB2_17-.Ltmp6, $1  }
0x258: {  	_ =	sdelay $0x3  }
0x259: {  	s4 =	sshll.u32 s10, $0x2;
	v8 =	vmov s9;
	s5 =	sand.u32 $0x7, s10;
	s6 =	sshll.u32 s9, $0x6  }
0x25a: {  	v7 =	vmov s0;
	s19 =	simm.s32 $0x30;
	s4 =	sshra.s32 s4, $0x2;
	v8 =	vsub.s32 $0x0, v8;
	s5 =	sor.u32 $0x10, s5  }
0x25b: {  	s20 =	simm.s32 $0x2;
	v9 =	vmov s6;
	s0 =	sadd.s32 $0x5B90, s4;
	v8 =	vbroadcast v8, $0x0;
	s18 =	sadd.s32 $0x3350, s4;
	v10 =	vmov s5  }
.LBB2_16:
0x25c: {  	s4 =	sadd.s32 $0xFFFFFFFF, s20  }
0x25d: {  	p2 =	sge.s32 s4, s12  }
0x25e: {  	v11 =	vld @!p2 [tilespmem:s18+$0xFFFFFFE0];
	_ =	sdelay $0x2  }
0x25f: {  	s4 =	sadd.s32 @!p2 $0xFFFFFFF0, s19;
	v12 =	vlaneseq.u32 @!p2  }
0x260: {  	v13 =	vor.u32 @!p2 s4, v12  }
0x261: {  	vm3 =	vlt.s32 @!p2 v13, v7;
	v13 =	vsub.s32 @!p2 v11, v9  }
0x262: {  	v13 =	vnsel @!p2 vm3, $0x0, v13  }
0x263: {  	(xrf1) =	vunique.msk.u32 @!p2 vm3, v13;
	_ =	sdelay $0xd  }
0x264: {  	_, v14, vm4 =	vpop @!p2 (xrf1)  }
0x265: {  	v15 =	vld @!p2 [tilespmem:s0+$0xFFFFFFE0];
	_ =	sdelay $0x1  }
0x266: {  	v16 =	vand.u32 @!p2 $0x20, v11  }
0x267: {  	v11 =	vshrl.u32 @!p2 v11, $0x6;
	vm5 =	veq.s32 @!p2 v16, $0x0;
	v16 =	vimm.s32 @!p2 $0x300  }
0x268: {  	s5 =	simm.s32 @!p2 $0xC490;
	v11 =	vadd.s32 @!p2 v8, v11;
	v17 =	vsel @!p2 vm5, $0x0, v16  }
0x269: {  	v11 =	vadd.s32 @!p2 v17, v11;
	[tilespmem:v13+s5+$0x0] =	vst.idx.add.s32.msk @!p2 vm4, v14;
	v13 =	vnsel @!p2 vm3, $0x0, v15  }
0x26a: {  	s4 =	sadd.s32 @!p2 s10, s4;
	v11 =	vsel @!p2 vm3, v11, v1;
	[tilespmem:$0x83B0] =	vst @!p2 v13  }
0x26b: {  	s4 =	sand.u32 @!p2 $0xFFFFFFF8, s4;
	[tilespmem:$0x83F0] =	vst @!p2 v11  }
0x26c: {  	v11 =	vld.idx.msk @!p2 [tilespmem:v10+s4+$0x3310 ss:$0x1], $0xffff;
	_ =	sdelay $0x3  }
0x26d: {  	v12 =	vor.u32 @!p2 s19, v12  }
0x26e: {  	vm3 =	vlt.s32 @!p2 v12, v7;
	v12 =	vsub.s32 @!p2 v11, v9  }
0x26f: {  	v12 =	vnsel @!p2 vm3, $0x0, v12  }
0x270: {  	(xrf1) =	vunique.msk.u32 @!p2 vm3, v12;
	_ =	sdelay $0xd  }
0x271: {  	_, v13, vm4 =	vpop @!p2 (xrf1)  }
0x272: {  	v14 =	vld.idx.msk @!p2 [tilespmem:v10+s4+$0x5B50 ss:$0x1], $0xffff;
	_ =	sdelay $0x1  }
0x273: {  	v15 =	vand.u32 @!p2 $0x20, v11  }
0x274: {  	v11 =	vshrl.u32 @!p2 v11, $0x6;
	vm5 =	veq.s32 @!p2 v15, $0x0  }
0x275: {  	v11 =	vadd.s32 @!p2 v8, v11;
	v15 =	vsel @!p2 vm5, $0x0, v16  }
0x276: {  	s6 =	sadd.s32 $0xFFFFFFFE, s20;
	v11 =	vadd.s32 @!p2 v15, v11;
	[tilespmem:v12+s5+$0x0] =	vst.idx.add.s32.msk @!p2 vm4, v13;
	v12 =	vnsel @!p2 vm3, $0x0, v14  }
0x277: {  	p3 =	sge.s32 s6, s12;
	s7 =	simm.s32 @!p2 $0x83B0;
	v11 =	vsel @!p2 vm3, v11, v1;
	[tilespmem:$0x83C0] =	vst @!p2 v12  }
0x278: {  	s6 =	simm.s32 @!p3 $0x1;
	s4 =	simm.s32 @!p2 $0x20;
	s5 =	simm.s32 @!p2 $0xA490;
	[tilespmem:$0x8400] =	vst @!p2 v11  }
0x279: {  	[tilespmem:s5], [sflag:$0x2] =	stream.indirect.gather @!p2 [hbm4b:s21+s4], $0x100, s7, s4, $0xb8;
	[tilespmem:$0x1F790] =	vst v63  }
0x27a: {  	_ =	swait.ge @!p3 [sflag:s6], $0x2000  }
0x27b: {  	s8 =	simm.s32 @!p3 $0x8490;
	[sflag:s6] =	ssyncset.done @!p3 $0x0  }
0x27c: {  	s7 =	simm.s32 @!p3 $0x83D0;
	[sflag:s6] =	ssyncadd.s32 @!p3 $0xFFFFE000;
	s6 =	simm.s32 @!p3 $0x20  }
0x27d: {  	[spmem:s16] =	stream.indirect.scatter.add.f32 @!p3 [tilespmem:s8], [sflag:$0x5], $0x100, s7, s6, $0xb8;
	[tilespmem:$0x1F790] =	vst v63  }
0x27e: {  	s6 =	simm.s32 @!p3 $0x5  }
0x27f: {  	_ =	swait.ge @!p3 [sflag:s6], $0x2000  }
0x280: {  	[sflag:s6] =	ssyncset.done @!p3 $0x0  }
0x281: {  	[sflag:s6] =	ssyncadd.s32 @!p3 $0xFFFFE000;
	p3 =	sge.s32 s20, s12  }
0x282: {  	v11 =	vld @!p3 [tilespmem:s18+$0x0];
	_ =	sdelay $0x2  }
0x283: {  	s6 =	sadd.s32 @!p3 $0x10, s19;
	v12 =	vlaneseq.u32 @!p3  }
0x284: {  	v13 =	vor.u32 @!p3 s6, v12  }
0x285: {  	vm3 =	vlt.s32 @!p3 v13, v7;
	v13 =	vsub.s32 @!p3 v11, v9  }
0x286: {  	v13 =	vnsel @!p3 vm3, $0x0, v13  }
0x287: {  	(xrf1) =	vunique.msk.u32 @!p3 vm3, v13;
	_ =	sdelay $0xd  }
0x288: {  	_, v14, vm4 =	vpop @!p3 (xrf1)  }
0x289: {  	v15 =	vld @!p3 [tilespmem:s0+$0x0];
	_ =	sdelay $0x1  }
0x28a: {  	v16 =	vand.u32 @!p3 $0x20, v11  }
0x28b: {  	v11 =	vshrl.u32 @!p3 v11, $0x6;
	vm5 =	veq.s32 @!p3 v16, $0x0;
	v16 =	vimm.s32 @!p3 $0x300  }
0x28c: {  	s7 =	simm.s32 @!p3 $0xC490;
	v11 =	vadd.s32 @!p3 v8, v11;
	v17 =	vsel @!p3 vm5, $0x0, v16  }
0x28d: {  	v11 =	vadd.s32 @!p3 v17, v11;
	[tilespmem:v13+s7+$0x0] =	vst.idx.add.s32.msk @!p3 vm4, v14;
	v13 =	vnsel @!p3 vm3, $0x0, v15  }
0x28e: {  	s6 =	sadd.s32 @!p3 s10, s6;
	v11 =	vsel @!p3 vm3, v11, v1;
	[tilespmem:$0x8390] =	vst @!p3 v13  }
0x28f: {  	s6 =	sand.u32 @!p3 $0xFFFFFFF8, s6;
	[tilespmem:$0x83D0] =	vst @!p3 v11  }
0x290: {  	v11 =	vld.idx.msk @!p3 [tilespmem:v10+s6+$0x3310 ss:$0x1], $0xffff;
	_ =	sdelay $0x2  }
0x291: {  	s8 =	sadd.s32 @!p3 $0x20, s19  }
0x292: {  	v12 =	vor.u32 @!p3 s8, v12  }
0x293: {  	vm3 =	vlt.s32 @!p3 v12, v7;
	v12 =	vsub.s32 @!p3 v11, v9  }
0x294: {  	v12 =	vnsel @!p3 vm3, $0x0, v12  }
0x295: {  	(xrf1) =	vunique.msk.u32 @!p3 vm3, v12;
	_ =	sdelay $0xd  }
0x296: {  	_, v13, vm4 =	vpop @!p3 (xrf1)  }
0x297: {  	v14 =	vld.idx.msk @!p3 [tilespmem:v10+s6+$0x5B50 ss:$0x1], $0xffff;
	_ =	sdelay $0x1  }
0x298: {  	v15 =	vand.u32 @!p3 $0x20, v11  }
0x299: {  	v11 =	vshrl.u32 @!p3 v11, $0x6;
	vm5 =	veq.s32 @!p3 v15, $0x0  }
0x29a: {  	v11 =	vadd.s32 @!p3 v8, v11;
	v15 =	vsel @!p3 vm5, $0x0, v16  }
0x29b: {  	v11 =	vadd.s32 @!p3 v15, v11;
	[tilespmem:v12+s7+$0x0] =	vst.idx.add.s32.msk @!p3 vm4, v13;
	v12 =	vnsel @!p3 vm3, $0x0, v14  }
0x29c: {  	v11 =	vsel @!p3 vm3, v11, v1;
	[tilespmem:$0x83A0] =	vst @!p3 v12  }
0x29d: {  	s8 =	simm.s32 @!p3 $0x8490;
	s6 =	simm.s32 @!p3 $0x20;
	s7 =	simm.s32 @!p3 $0x8390;
	[tilespmem:$0x83E0] =	vst @!p3 v11  }
0x29e: {  	[tilespmem:s8], [sflag:$0x1] =	stream.indirect.gather @!p3 [hbm4b:s21+s6], $0x100, s7, s6, $0xb8;
	[tilespmem:$0x1F790] =	vst v63  }
0x29f: {  	s6 =	simm.s32 @!p2 $0x2  }
0x2a0: {  	_ =	swait.ge @!p2 [sflag:s6], $0x2000  }
0x2a1: {  	[sflag:s6] =	ssyncset.done @!p2 $0x0  }
0x2a2: {  	[sflag:s6] =	ssyncadd.s32 @!p2 $0xFFFFE000;
	s6 =	simm.s32 @!p2 $0x83F0  }
0x2a3: {  	[spmem:s16] =	stream.indirect.scatter.add.f32 @!p2 [tilespmem:s5], [sflag:$0x4], $0x100, s6, s4, $0xb8;
	[tilespmem:$0x1F790] =	vst v63  }
0x2a4: {  	s4 =	simm.s32 @!p2 $0x4  }
0x2a5: {  	_ =	swait.ge @!p2 [sflag:s4], $0x2000  }
0x2a6: {  	s13 =	sadd.s32 $0xFFFFFFFF, s13;
	[sflag:s4] =	ssyncset.done @!p2 $0x0  }
0x2a7: {  	[sflag:s4] =	ssyncadd.s32 @!p2 $0xFFFFE000;
	p2 =	sne.s32 s13, $0x0  }
.Ltmp7:
0x2a8: {  	_ = 	snop;
	(pc) =	sbr.rel @p2 .LBB2_16-.Ltmp7, $3  }
0x2a9: {  	_ =	sdelay $0x1  }
0x2aa: {  	s20 =	sadd.s32 $0x2, s20  }
0x2ab: {  	s19 =	sadd.s32 $0x40, s19;
	s0 =	sadd.s32 $0x40, s0;
	s18 =	sadd.s32 $0x40, s18  }
.LBB2_17:
0x2ac: {  	s0 =	simm.s32 $0x70  }
0x2ad: {  	s4 =	simm.s32 $0x60;
	v7 =	vor.u32 s0, v5  }
0x2ae: {  	s10 =	simm.s32 $0x50;
	v8 =	vor.u32 s4, v5;
	[tilespmem:$0x8480] =	vst v7  }
0x2af: {  	s12 =	simm.s32 $0x0;
	v7 =	vor.u32 s10, v5;
	[tilespmem:$0x8470] =	vst v8  }
0x2b0: {  	s13 =	simm.s32 $0x40;
	v8 =	vor.u32 s12, v5;
	[tilespmem:$0x8460] =	vst v7  }
0x2b1: {  	s18 =	simm.s32 $0x20;
	[tilespmem:$0x8410] =	vst v8;
	v7 =	vor.u32 s13, v5  }
0x2b2: {  	s19 =	simm.s32 $0x30;
	v8 =	vor.u32 s18, v5;
	[tilespmem:$0x8450] =	vst v7  }
0x2b3: {  	s20 =	simm.s32 $0x10;
	v7 =	vor.u32 s19, v5;
	[tilespmem:$0x8430] =	vst v8  }
0x2b4: {  	s0 =	simm.s32 $0xC490;
	s4 =	simm.s32 $0xF0;
	v8 =	vor.u32 s20, v5;
	[tilespmem:$0x8440] =	vst v7  }
0x2b5: {  	s12 =	simm.s32 $0x80;
	s10 =	simm.s32 $0x4;
	s13 =	simm.s32 $0x8410;
	[tilespmem:$0x8420] =	vst v8  }
0x2b6: {  	[spmem:s17] =	stream.indirect.scatter.add.s32 [tilespmem:s0], [sflag:$0x4], $0x80, s13, s12, $0xb8;
	[tilespmem:$0x1F790] =	vst v63  }
.LBB2_18:
0x2b7: {  	p2 =	sne.s32 s4, $0x170;
	_ =	swait.ge [sflag:s10], $0x4000;
	s0 =	sadd.s32 $0x4000, s0  }
0x2b8: {  	s5 =	smov.u32 s4;
	s4 =	sadd.s32 $0x80, s4;
	[sflag:s10] =	ssyncset.done $0x0  }
0x2b9: {  	s6 =	sadd.s32 $0xFFFFFFF0, s5;
	v7 =	vor.u32 s5, v5;
	[sflag:s10] =	ssyncadd.s32 $0xFFFFC000  }
0x2ba: {  	s7 =	sadd.s32 $0xFFFFFFE0, s5;
	v8 =	vor.u32 s6, v5;
	[tilespmem:$0x8480] =	vst v7  }
0x2bb: {  	s6 =	sadd.s32 $0xFFFFFF90, s5;
	v7 =	vor.u32 s7, v5;
	[tilespmem:$0x8470] =	vst v8  }
0x2bc: {  	v8 =	vor.u32 s6, v5;
	s6 =	sadd.s32 $0xFFFFFFD0, s5;
	[tilespmem:$0x8460] =	vst v7  }
0x2bd: {  	s8 =	sadd.s32 $0xFFFFFFB0, s5;
	s7 =	sadd.s32 $0xFFFFFFA0, s5;
	s5 =	sadd.s32 $0xFFFFFFC0, s5;
	v7 =	vor.u32 s6, v5;
	[tilespmem:$0x8410] =	vst v8  }
.Ltmp8:
0x2be: {  	v9 =	vor.u32 s8, v5;
	v10 =	vor.u32 s5, v5;
	v8 =	vor.u32 s7, v5;
	[tilespmem:$0x8450] =	vst v7;
	(pc) =	sbr.rel @p2 .LBB2_18-.Ltmp8, $4  }
0x2bf: {  	[tilespmem:$0x8430] =	vst v9  }
0x2c0: {  	[tilespmem:$0x8440] =	vst v10  }
0x2c1: {  	[tilespmem:$0x8420] =	vst v8  }
0x2c2: {  	[spmem:s17] =	stream.indirect.scatter.add.s32 [tilespmem:s0], [sflag:$0x4], $0x80, s13, s12, $0xb8;
	[tilespmem:$0x1F790] =	vst v63  }
0x2c3: {  	_ =	swait.ge [sflag:s10], $0x4000  }
0x2c4: {  	s0 =	sld [smem:$0x7FD];
	_ =	sdelay $0x2  }
0x2c5: {  	[sflag:s10] =	ssyncset.done $0x0;
	s0 =	sadd.s32 s0, s9  }
0x2c6: {  	[sflag:s10] =	ssyncadd.s32 $0xFFFFC000;
	s0 =	sshll.u32 s0, $0x5  }
0x2c7: {  	s5 =	sshrl.u32 s29, $0x3;
	[bflag:$0x0] =	sbarrier.arrive $0xFFFF;
	s4 =	sadd.s32 s24, s0  }
0x2c8: {  	[hbm:s4], [sflag:s1] =	dma.local [spmem:s5], $0x600  }
0x2c9: {  	_ =	swait.ge [sflag:s10], $0x600  }
0x2ca: {  	s19 =	sld [smem:$0x7FB]  }
0x2cb: {  	[sflag:s10] =	ssyncset.done $0x0  }
0x2cc: {  	s0 =	sadd.s32 s0, s30;
	[sflag:s10] =	ssyncadd.s32 $0xFFFFFA00  }
0x2cd: {  	[hbm:s0], [sflag:s1] =	dma.local [spmem:s19], $0x600  }
0x2ce: {  	s18 =	sshll.u32 s2, $0x1;
	_ =	swait.ge [sflag:s10], $0x600  }
0x2cf: {  	s4 =	sor.u32 s22, s18;
	s20 =	sld [smem:$0x7FC]  }
0x2d0: {  	s4 =	smul.u32 $0x180, s4;
	_ =	sdelay $0x1  }
0x2d1: {  	s0 =	sadd.s32 s20, s4  }
0x2d2: {  	s2 =	sadd.s32 $0x1, s2;
	[sflag:s10] =	ssyncset.done $0x0;
	s0 =	sshll.u32 s0, $0x4  }
0x2d3: {  	p2 =	sne.s32 s2, $0x7;
	[sflag:s10] =	ssyncadd.s32 $0xFFFFFA00;
	s0 =	sadd.s32 s11, s0  }
0x2d4: {  	[hbm:s0], [sflag:s1] =	dma.local [spmem:s3], $0x180  }
.Ltmp9:
0x2d5: {  	_ =	swait.ge [sflag:s10], $0x180;
	(pc) =	sbr.rel @p2 .LBB2_14-.Ltmp9, $3  }
0x2d6: {  	[sflag:s10] =	ssyncset.done $0x0  }
0x2d7: {  	[sflag:s10] =	ssyncadd.s32 $0xFFFFFE80  }
0x2d8: {  	[bflag:$0x0] =	sbarrier.arrive $0xFFFF;
	_ =	sdelay $0x1  }
0x2d9: {  	s1 =	sld [smem:$0x7FA];
	_ =	sdelay $0x2  }
0x2da: {  	s0 =	rddreg [dreg:$0x1c];
	s1 =	sadd.s32 $0x1, s1  }
0x2db: {  	p2 =	sne.s32 s1, s0  }
.Ltmp10:
0x2dc: {  	_ = 	snop;
	(pc) =	sbr.rel @p2 .LBB2_1-.Ltmp10, $2  }
0x2dd: {  	_ =	sdelay $0x2  }
0x2de: {  	vm13 =	vcmask $0x2724;
	vm1 =	vcmask $0x2F2C;
	vm5 =	vcmask $0x3734  }
0x2df: {  	_ =	sfence.sel $0x180000  }
0x2e0: {  	[bflag:$0x0] =	sbarrier.arrive $0xFFFF  }
0x2e1: {  	_ =	strace $0x90000047  }
0x2e2: {  	[bflag:$0x2] =	sbarrier.arrive $0xFFFF  }
0x2e3: {  	s0 =	rddreg [dreg:$0x7]  }
0x2e4: {  	s0 =	sadd.s32 @!p0 $0x100000, s0  }
0x2e5: {  	[sflag:s0] =	ssyncadd.tile.s32 @!p0 $0x1;
	_ =	shalt  }
.Lfunc_end2:
_tile_overlayer_lowered:
.L_overlay_start_2:
0x2e6: {  	(tag) =	ssettag $0x2  }
0x2e7: {  	s0 =	rddreg [dreg:$0x0];
	s2 =	stileid.u32  }
0x2e8: {  	s1 =	rddreg [dreg:$0x1];
	p0 =	sne.s32 s2, $0x0  }
0x2e9: {  	s3 =	rddreg [dreg:$0x2];
	[bflag:$0x3] =	sbarrier.arrive $0xFFFF;
	s2 =	simm.s32 @!p0 $0x1C04  }
0x2ea: {  	[timem:s3], [sflag:s2] =	dma.local @!p0 [hbm:s0], s1  }
0x2eb: {  	s0 =	simm.s32 @!p0 $0x4  }
0x2ec: {  	_ =	swait.ge @!p0 [sflag:s0], s1  }
0x2ed: {  	s1 =	ssub.s32 @!p0 $0x0, s1;
	[sflag:s0] =	ssyncset.done @!p0 $0x0  }
0x2ee: {  	[sflag:s0] =	ssyncadd.s32 @!p0 s1  }
0x2ef: {  	[bflag:$0x3] =	sbarrier.arrive $0xFFFF  }
0x2f0: {  	_ =	shalt  }

</sc_bundles>
